<compile_context>
chip_gen: v7x
topology: tpu7x:2x2x1
jax: 0.10.2.dev20260603
libtpu: 0.0.44.dev20260713+nightly
codegen_flags: <defaults>
</compile_context>

<pallas_src>
import functools

import jax
import jax.numpy as jnp
import numpy as np
from jax import lax
from jax.experimental import pallas as pl
from jax.experimental.pallas import tpu as pltpu
from jax.experimental.pallas import tpu_sc as plsc

N_ATOMS = 10000
N_EDGES = 320000
NWAVE = 8
NSPH = 9
RL = 3
NORBIT = 24
CUTOFF = 5.0
MP_LOOP = 2

A_BLK = 128
N_PAD = 10240
NB = N_PAD // A_BLK
K_WIN = 512
E_BLK = 2000
D_TAB = 128
D_CART = 128
M_BLK = 1024

_R = np.zeros((NSPH, 72), np.float32)
_T = np.zeros((NWAVE, 72), np.float32)
_P = np.zeros((72, NORBIT), np.float32)
_L_OF_S = [0, 1, 1, 1, 2, 2, 2, 2, 2]
for s in range(NSPH):
    for w in range(NWAVE):
        _R[s, s * 8 + w] = 1.0
        _T[w, s * 8 + w] = 1.0
        _P[s * 8 + w, _L_OF_S[s] * 8 + w] = 1.0



def _sc_gather(table, idx, d):
    info = plsc.get_sparse_core_info()
    nc, ns = info.num_cores, info.num_subcores
    nw = nc * ns
    b = idx.shape[0]
    b_per_w = b // nw
    chunk = 200
    n_chunks = b_per_w // chunk
    mesh = plsc.VectorSubcoreMesh(core_axis_name="c", subcore_axis_name="s")

    @functools.partial(
        pl.kernel, mesh=mesh,
        out_type=jax.ShapeDtypeStruct((b, d), jnp.float32),
        scratch_types=[
            pltpu.VMEM((chunk,), jnp.int32),
            pltpu.VMEM((chunk, d), jnp.float32),
            pltpu.SemaphoreType.DMA,
        ],
    )
    def k(table_hbm, idx_hbm, out_hbm, idx_v, rows_v, sem):
        wid = lax.axis_index("s") * nc + lax.axis_index("c")
        base = wid * b_per_w

        def body(t, carry):
            off = base + t * chunk
            pltpu.sync_copy(idx_hbm.at[pl.ds(off, chunk)], idx_v)
            pltpu.async_copy(table_hbm.at[idx_v], rows_v, sem).wait()
            pltpu.sync_copy(rows_v, out_hbm.at[pl.ds(off, chunk)])
            return carry

        lax.fori_loop(0, n_chunks, body, 0)

    return k(table, idx)



def _geom_kernel(cn, cc, sh, alpha, rs):
    def body(cn_ref, cc_ref, sh_ref, al_ref, rs_ref, rad_ref, sph_ref):
        c = cn_ref[:, 0:3] - cc_ref[:, 0:3] + sh_ref[...]
        x = c[:, 0:1] / CUTOFF
        y = c[:, 1:2] / CUTOFF
        z = c[:, 2:3] / CUTOFF
        r2 = x * x + y * y + z * z
        d = jnp.sqrt(r2) * CUTOFF
        fc = 0.5 * (jnp.cos(np.pi * jnp.clip(d, 0.0, CUTOFF) / CUTOFF) + 1.0)
        g = jnp.exp(-jnp.abs(al_ref[...]) * (d - rs_ref[...]) ** 2)
        rad_ref[...] = g * fc
        sph_ref[...] = jnp.concatenate(
            [jnp.ones_like(x), y, z, x, x * y, y * z, 3.0 * z * z - r2,
             x * z, x * x - y * y], axis=1)

    e = cn.shape[0]
    grid = e // E_BLK
    return pl.pallas_call(
        body,
        grid=(grid,),
        in_specs=[
            pl.BlockSpec((E_BLK, D_CART), lambda i: (i, 0)),
            pl.BlockSpec((E_BLK, D_CART), lambda i: (i, 0)),
            pl.BlockSpec((E_BLK, 3), lambda i: (i, 0)),
            pl.BlockSpec((1, NWAVE), lambda i: (0, 0)),
            pl.BlockSpec((1, NWAVE), lambda i: (0, 0)),
        ],
        out_specs=[
            pl.BlockSpec((E_BLK, NWAVE), lambda i: (i, 0)),
            pl.BlockSpec((E_BLK, NSPH), lambda i: (i, 0)),
        ],
        out_shape=[
            jax.ShapeDtypeStruct((e, NWAVE), jnp.float32),
            jax.ShapeDtypeStruct((e, NSPH), jnp.float32),
        ],
    )(cn, cc, sh, alpha, rs)


def _msg_kernel(rows, rad, sph):
    sel_m = np.zeros((D_TAB, 72), np.float32)
    sel_m[0:72, 0:72] = np.eye(72, dtype=np.float32)
    sel_ct = np.zeros((D_TAB, 72), np.float32)
    for s in range(NSPH):
        for w in range(NWAVE):
            sel_ct[72 + w, s * 8 + w] = 1.0

    def body(rows_ref, rad_ref, sph_ref, r_ref, t_ref, sm_ref, sct_ref,
             out_ref):
        rows_v = rows_ref[...]
        mp72 = jnp.dot(rows_v, sm_ref[...], preferred_element_type=jnp.float32)
        c72 = jnp.dot(rows_v, sct_ref[...], preferred_element_type=jnp.float32)
        s72 = jnp.dot(sph_ref[...], r_ref[...],
                      preferred_element_type=jnp.float32)
        r72 = jnp.dot(rad_ref[...], t_ref[...],
                      preferred_element_type=jnp.float32)
        out_ref[...] = (s72 + mp72) * (r72 * c72)

    e = rows.shape[0]
    grid = e // E_BLK
    return pl.pallas_call(
        body,
        grid=(grid,),
        in_specs=[
            pl.BlockSpec((E_BLK, D_TAB), lambda i: (i, 0)),
            pl.BlockSpec((E_BLK, NWAVE), lambda i: (i, 0)),
            pl.BlockSpec((E_BLK, NSPH), lambda i: (i, 0)),
            pl.BlockSpec((NSPH, 72), lambda i: (0, 0)),
            pl.BlockSpec((NWAVE, 72), lambda i: (0, 0)),
            pl.BlockSpec((D_TAB, 72), lambda i: (0, 0)),
            pl.BlockSpec((D_TAB, 72), lambda i: (0, 0)),
        ],
        out_specs=pl.BlockSpec((E_BLK, 72), lambda i: (i, 0)),
        out_shape=jax.ShapeDtypeStruct((e, 72), jnp.float32),
    )(rows, rad, sph, jnp.asarray(_R), jnp.asarray(_T),
      jnp.asarray(sel_m), jnp.asarray(sel_ct))


def _scatter_kernel(starts, sc_row, worbit):
    def body(starts_ref, sc_hbm, wo_hbm, out_ref, sc_v, wo_v, acc_ref, s1, s2):
        b = pl.program_id(0)
        e0 = starts_ref[b]
        e1 = starts_ref[b + 1]
        t0 = e0 // K_WIN
        t1 = lax.div(e1 + K_WIN - 1, K_WIN)
        rows = lax.broadcasted_iota(jnp.int32, (A_BLK, K_WIN), 0) + b * A_BLK
        acc_ref[...] = jnp.zeros((A_BLK, 72), jnp.float32)

        def win(t, carry):
            cp1 = pltpu.make_async_copy(
                sc_hbm.at[pl.ds(0, 1), pl.ds(t * K_WIN, K_WIN)], sc_v, s1)
            cp2 = pltpu.make_async_copy(
                wo_hbm.at[pl.ds(t * K_WIN, K_WIN), :], wo_v, s2)
            cp1.start()
            cp2.start()
            cp1.wait()
            cp2.wait()
            onehot = jnp.where(rows == sc_v[...], 1.0, 0.0)
            acc_ref[...] += jnp.dot(onehot, wo_v[...],
                                    preferred_element_type=jnp.float32)
            return carry

        lax.fori_loop(t0, t1, win, 0)
        out_ref[...] = acc_ref[...]

    grid_spec = pltpu.PrefetchScalarGridSpec(
        num_scalar_prefetch=1,
        grid=(NB,),
        in_specs=[
            pl.BlockSpec(memory_space=pl.ANY),
            pl.BlockSpec(memory_space=pl.ANY),
        ],
        out_specs=pl.BlockSpec((A_BLK, 72), lambda b, s: (b, 0)),
        scratch_shapes=[
            pltpu.VMEM((1, K_WIN), jnp.int32),
            pltpu.VMEM((K_WIN, 72), jnp.float32),
            pltpu.VMEM((A_BLK, 72), jnp.float32),
            pltpu.SemaphoreType.DMA,
            pltpu.SemaphoreType.DMA,
        ],
    )
    return pl.pallas_call(
        body,
        grid_spec=grid_spec,
        out_shape=jax.ShapeDtypeStruct((N_PAD, 72), jnp.float32),
    )(starts, sc_row, worbit)


def _mlp3(x_ref, w1_ref, b1_ref, w2_ref, b2_ref, w3_ref, b3_ref):
    h = jnp.dot(x_ref[...], w1_ref[...], preferred_element_type=jnp.float32)
    h = jax.nn.silu(h + b1_ref[...])
    h = jnp.dot(h, w2_ref[...], preferred_element_type=jnp.float32)
    h = jax.nn.silu(h + b2_ref[...])
    h = jnp.dot(h, w3_ref[...], preferred_element_type=jnp.float32)
    return h + b3_ref[...]


def _mlp_specs(din, dout):
    return [
        pl.BlockSpec((din, 64), lambda i: (0, 0)),
        pl.BlockSpec((1, 64), lambda i: (0, 0)),
        pl.BlockSpec((64, 64), lambda i: (0, 0)),
        pl.BlockSpec((1, 64), lambda i: (0, 0)),
        pl.BlockSpec((64, dout), lambda i: (0, 0)),
        pl.BlockSpec((1, dout), lambda i: (0, 0)),
    ]


def _emb_kernel(species_pad, params):
    def body(x_ref, w1, b1, w2, b2, w3, b3, out_ref):
        out_ref[...] = _mlp3(x_ref, w1, b1, w2, b2, w3, b3)

    (w1, b1), (w2, b2), (w3, b3) = params
    return pl.pallas_call(
        body,
        grid=(N_PAD // M_BLK,),
        in_specs=[pl.BlockSpec((M_BLK, 1), lambda i: (i, 0))]
        + _mlp_specs(1, NWAVE),
        out_specs=pl.BlockSpec((M_BLK, NWAVE), lambda i: (i, 0)),
        out_shape=jax.ShapeDtypeStruct((N_PAD, NWAVE), jnp.float32),
    )(species_pad, w1, b1[None, :], w2, b2[None, :], w3, b3[None, :])


def _dens_mlp_kernel(orbit, dens, params):
    def body(o_ref, d_ref, p_ref, w1, b1, w2, b2, w3, b3, dn_ref, c_ref):
        o = o_ref[...]
        dn = d_ref[...] + jnp.dot(o * o, p_ref[...],
                                  preferred_element_type=jnp.float32)
        dn_ref[...] = dn
        c_ref[...] = _mlp3(dn_ref, w1, b1, w2, b2, w3, b3)

    (w1, b1), (w2, b2), (w3, b3) = params
    return pl.pallas_call(
        body,
        grid=(N_PAD // M_BLK,),
        in_specs=[
            pl.BlockSpec((M_BLK, 72), lambda i: (i, 0)),
            pl.BlockSpec((M_BLK, NORBIT), lambda i: (i, 0)),
            pl.BlockSpec((72, NORBIT), lambda i: (0, 0)),
        ] + _mlp_specs(NORBIT, NWAVE),
        out_specs=[
            pl.BlockSpec((M_BLK, NORBIT), lambda i: (i, 0)),
            pl.BlockSpec((M_BLK, NWAVE), lambda i: (i, 0)),
        ],
        out_shape=[
            jax.ShapeDtypeStruct((N_PAD, NORBIT), jnp.float32),
            jax.ShapeDtypeStruct((N_PAD, NWAVE), jnp.float32),
        ],
    )(orbit, dens, jnp.asarray(_P), w1, b1[None, :], w2, b2[None, :],
      w3, b3[None, :])


def _final_kernel(orbit, dens, params):
    def body(o_ref, d_ref, p_ref, w1, b1, w2, b2, w3, b3, out_ref, dn_ref):
        i = pl.program_id(0)
        o = o_ref[...]
        dn_ref[...] = d_ref[...] + jnp.dot(
            o * o, p_ref[...], preferred_element_type=jnp.float32)
        y = _mlp3(dn_ref, w1, b1, w2, b2, w3, b3)
        row = lax.broadcasted_iota(jnp.int32, (M_BLK, 1), 0) + i * M_BLK
        y = jnp.where(row < N_ATOMS, y, 0.0)
        s = jnp.sum(y, axis=0, keepdims=True)

        @pl.when(i == 0)
        def _():
            out_ref[...] = jnp.zeros((1, 1), jnp.float32)

        out_ref[...] += s

    (w1, b1), (w2, b2), (w3, b3) = params
    out, _ = pl.pallas_call(
        body,
        grid=(N_PAD // M_BLK,),
        in_specs=[
            pl.BlockSpec((M_BLK, 72), lambda i: (i, 0)),
            pl.BlockSpec((M_BLK, NORBIT), lambda i: (i, 0)),
            pl.BlockSpec((72, NORBIT), lambda i: (0, 0)),
        ] + _mlp_specs(NORBIT, 1),
        out_specs=[
            pl.BlockSpec((1, 1), lambda i: (0, 0)),
            pl.BlockSpec((M_BLK, NORBIT), lambda i: (i, 0)),
        ],
        out_shape=[
            jax.ShapeDtypeStruct((1, 1), jnp.float32),
            jax.ShapeDtypeStruct((N_PAD, NORBIT), jnp.float32),
        ],
    )(orbit, dens, jnp.asarray(_P), w1, b1[None, :], w2, b2[None, :],
      w3, b3[None, :])
    return out[0, 0]



def kernel(cart, shifts, species, radial_params, emb_params, mp_params,
           out_params, atomindex):
    idx_c = atomindex[0]
    idx_n = atomindex[1]

    perm = jnp.argsort(idx_c)
    sc = idx_c[perm]
    sn = idx_n[perm]
    sh = shifts[:, perm].T
    starts = jnp.searchsorted(
        sc, jnp.arange(NB + 1, dtype=jnp.int32) * A_BLK).astype(jnp.int32)
    sc_row = sc[None, :]

    cart_t = jnp.zeros((N_ATOMS, D_CART), jnp.float32)
    cart_t = cart_t.at[:, 0:3].set(cart.T)

    cn = _sc_gather(cart_t, sn, D_CART)
    cc = _sc_gather(cart_t, sc, D_CART)
    alpha, rs = radial_params
    rad, sph = _geom_kernel(cn, cc, sh, alpha[None, :], rs[None, :])

    species_pad = jnp.zeros((N_PAD, 1), jnp.float32).at[:N_ATOMS].set(species)
    coeff = _emb_kernel(species_pad, emb_params)
    dens = jnp.zeros((N_PAD, NORBIT), jnp.float32)
    orbit = jnp.zeros((N_PAD, 72), jnp.float32)

    for r in range(MP_LOOP + 1):
        table = jnp.concatenate(
            [orbit[:N_ATOMS], coeff[:N_ATOMS],
             jnp.zeros((N_ATOMS, D_TAB - 80), jnp.float32)], axis=1)
        rows = _sc_gather(table, sn, D_TAB)
        worbit = _msg_kernel(rows, rad, sph)
        orbit = _scatter_kernel(starts, sc_row, worbit)
        if r < MP_LOOP:
            dens, coeff = _dens_mlp_kernel(orbit, dens, mp_params[r])

    return _final_kernel(orbit, dens, out_params)

# --- scband reference (transcript-rebuilt; emitter-appended) ---
"""Pipeline reference for scband-mpnn-25220047962166 (READ-ONLY COPY).

The authoritative reference and input builder live on the scoring server;
editing this copy changes nothing except your own understanding.
"""

import jax, jax.numpy as jnp
import numpy as np

N_ATOMS = 10000
N_EDGES = 320000
NWAVE = 8
MAX_L = 2
R_MAX_L = MAX_L + 1
N_SPH = (MAX_L + 1) ** 2
NORBIT = NWAVE * R_MAX_L
MP_LOOP = 2
CUTOFF = 5.0
EMB_NL = [64, 64]
MP_NL = [64, 64]
OUT_NL = [64, 64]
INDEX_L = jnp.array([0, 1, 1, 1, 2, 2, 2, 2, 2], dtype=jnp.int32)


def _mlp_init(key, sizes):
    params = []
    for i in range(len(sizes) - 1):
        key, k = jax.random.split(key)
        w = jax.random.normal(k, (sizes[i], sizes[i + 1]), jnp.float32) / np.sqrt(sizes[i])
        params.append((w, jnp.zeros((sizes[i + 1],), jnp.float32)))
    return tuple(params)


def _mlp_apply(params, x):
    n = len(params)
    for i, (w, b) in enumerate(params):
        x = x @ w + b
        if i < n - 1:
            x = jax.nn.silu(x)
    return x


def _radial(params, d):
    # Gaussian radial basis modulated by a cosine cutoff function -> (E, nwave)
    alpha, rs = params
    fc = 0.5 * (jnp.cos(np.pi * jnp.clip(d, 0.0, CUTOFF) / CUTOFF) + 1.0)
    g = jnp.exp(-jnp.abs(alpha)[None, :] * (d[:, None] - rs[None, :]) ** 2)
    return g * fc[:, None]


def _sph(v):
    # real spherical harmonic polynomials up to l=2 on (3, E) vectors -> (9, E)
    x, y, z = v[0], v[1], v[2]
    r2 = x * x + y * y + z * z
    return jnp.stack([jnp.ones_like(x), y, z, x, x * y, y * z, 3.0 * z * z - r2, x * z, x * x - y * y], axis=0)


def _density(sph, rad, index_neigh, index_center, coefficients, MP_sph, dens):
    # gather neighbor coefficients, weight the angular message, scatter-add to centers
    w = rad * coefficients[index_neigh]                       # (E, nwave)
    msg = sph.T[:, :, None] + MP_sph[index_neigh]             # (E, n_sph, nwave)
    worbit = msg * w[:, None, :]                              # (E, n_sph, nwave)
    orbit = jax.ops.segment_sum(worbit, index_center, num_segments=MP_sph.shape[0])  # (N, n_sph, nwave)
    sq = orbit * orbit
    dens = dens + jax.ops.segment_sum(sq.transpose(1, 0, 2), INDEX_L, num_segments=R_MAX_L).transpose(1, 0, 2)
    return dens, orbit


def _forward(cart, shifts, species, radial_params, emb_params, mp_params, out_params, atomindex):
    idx_c = atomindex[0]
    idx_n = atomindex[1]
    coor = cart[:, idx_n] - cart[:, idx_c] + shifts           # (3, E)
    d = jnp.linalg.norm(coor, axis=0)                         # (E,)
    rad = _radial(radial_params, d)                           # (E, nwave)
    sph = _sph(coor / CUTOFF)                                 # (9, E)
    n = cart.shape[1]
    MP_sph = jnp.zeros((n, N_SPH, NWAVE), cart.dtype)
    dens = jnp.zeros((n, R_MAX_L, NWAVE), cart.dtype)
    coeff = _mlp_apply(emb_params, species)                   # (N, nwave)
    for i in range(MP_LOOP):
        dens, MP_sph = _density(sph, rad, idx_n, idx_c, coeff, MP_sph, dens)
        coeff = _mlp_apply(mp_params[i], dens.reshape(-1, NORBIT))
    dens, MP_sph = _density(sph, rad, idx_n, idx_c, coeff, MP_sph, dens)
    return jnp.sum(_mlp_apply(out_params, dens.reshape(-1, NORBIT)))


def setup_inputs(seed: int = 0):
    key = jax.random.key(seed)
    ks = jax.random.split(key, 10)
    cart = jax.random.normal(ks[0], (3, N_ATOMS), jnp.float32) * 5.0
    atomindex = jax.random.randint(ks[1], (2, N_EDGES), 0, N_ATOMS, dtype=jnp.int32)
    shifts = jax.random.normal(ks[2], (3, N_EDGES), jnp.float32)
    species = jax.random.uniform(ks[3], (N_ATOMS, 1), jnp.float32)
    radial_params = (
        jax.random.uniform(ks[4], (NWAVE,), jnp.float32, 0.5, 2.0),
        jnp.linspace(0.0, CUTOFF, NWAVE, dtype=jnp.float32),
    )
    emb_params = _mlp_init(ks[5], [1] + EMB_NL + [NWAVE])
    mp_params = tuple(_mlp_init(ks[6 + i], [NORBIT] + MP_NL + [NWAVE]) for i in range(MP_LOOP))
    out_params = _mlp_init(ks[8], [NORBIT] + OUT_NL + [1])
    return {
        "cart": cart,
        "shifts": shifts,
        "species": species,
        "radial_params": radial_params,
        "emb_params": emb_params,
        "mp_params": mp_params,
        "out_params": out_params,
        "atomindex": atomindex,
    }


def reference(cart, shifts, species, radial_params, emb_params, mp_params, out_params, atomindex):
    return _forward(cart, shifts, species, radial_params, emb_params, mp_params, out_params, atomindex)

if __name__ == "__main__":
    import jax
    _d = setup_inputs()
    print(jax.jit(kernel)(*tuple(_d.values())))

</pallas_src>

<mosaic_0001>
#map = affine_map<(d0, d1) -> (0, 0)>
#map1 = affine_map<(d0, d1) -> (0)>
module attributes {stable_mosaic.version = 14 : i64} {
  func.func @k(%arg0: i32, %arg1: i32, %arg2: memref<10000x128xf32, #tpu.memory_space<hbm>>, %arg3: memref<320000xi32, #tpu.memory_space<hbm>>, %arg4: memref<320000x128xf32, #tpu.memory_space<hbm>>, %arg5: memref<200xi32, #tpu.memory_space<vmem>>, %arg6: memref<200x128xf32, #tpu.memory_space<vmem>>, %arg7: memref<!tpu.dma_semaphore, #tpu.memory_space<semaphore_mem>>) attributes {dimension_semantics = [#tpu.dimension_semantics<core_parallel>, #tpu.dimension_semantics<subcore_parallel>], iteration_bounds = array<i64: 2, 16>, scalar_prefetch = 0 : i64, scratch_operands = 3 : i64, tpu.core_type = #tpu.core_type<sc_vector_subcore>, window_params = [{transform_indices = #map}, {transform_indices = #map1}, {transform_indices = #map}]} {
    %mul3A = arith.constant 2 : i32
    %mul3A_0 = arith.muli %arg1, %mul3A : i32
    %add3A = arith.addi %mul3A_0, %arg0 : i32
    %mul3A_1 = arith.constant 10000 : i32
    %mul3A_2 = arith.muli %add3A, %mul3A_1 : i32
    %scan3A = arith.constant 0 : i32
    %scan3A_3 = arith.constant 0 : i32
    %scan3A_4 = arith.constant 50 : i32
    %scan3A_5 = arith.addi %scan3A_3, %scan3A_4 : i32
    %scan3A_6 = arith.constant 1 : i32
    scf.for %scan3A_8 = %scan3A_3 to %scan3A_5 step %scan3A_6  : i32 {
      %mul3A_9 = arith.constant 200 : i32
      %mul3A_10 = arith.muli %scan3A_8, %mul3A_9 : i32
      %add3A_11 = arith.addi %mul3A_2, %mul3A_10 : i32
      "tpu.region"() ({
        %run_scoped3A = tpu.sem_alloc : memref<!tpu.dma_semaphore, #tpu.memory_space<semaphore_mem>>
        %dma_start3A_16 = tpu.memref_slice %arg3[%add3A_11] : memref<320000xi32, #tpu.memory_space<hbm>> -> memref<200xi32, #tpu.memory_space<hbm>>
        %dma_start3A_17 = tpu.memref_slice %arg3[%add3A_11] : memref<320000xi32, #tpu.memory_space<hbm>> -> memref<200xi32, #tpu.memory_space<hbm>>
        tpu.enqueue_dma source(%dma_start3A_17 : memref<200xi32, #tpu.memory_space<hbm>>) target(%arg5 : memref<200xi32, #tpu.memory_space<vmem>>) target_semaphore(%run_scoped3A : memref<!tpu.dma_semaphore, #tpu.memory_space<semaphore_mem>>)
        %dma_wait3A_18 = tpu.memref_slice %arg3[%add3A_11] : memref<320000xi32, #tpu.memory_space<hbm>> -> memref<200xi32, #tpu.memory_space<hbm>>
        %dma_wait3A_19 = tpu.memref_slice %arg3[%add3A_11] : memref<320000xi32, #tpu.memory_space<hbm>> -> memref<200xi32, #tpu.memory_space<hbm>>
        tpu.wait_dma2 semaphore(%run_scoped3A : memref<!tpu.dma_semaphore, #tpu.memory_space<semaphore_mem>>) src(%dma_wait3A_19 : memref<200xi32, #tpu.memory_space<hbm>>) dst(%arg5 : memref<200xi32, #tpu.memory_space<vmem>>)
        tpu.yield
      }) : () -> ()
      %dma_start3A = arith.constant 0 : i32
      %dma_start3A_12 = arith.constant 0 : i32
      %dma_start3A_13 = tpu.memref_slice %arg2[%dma_start3A, %dma_start3A_12] : memref<10000x128xf32, #tpu.memory_space<hbm>> -> memref<10000x128xf32, #tpu.memory_space<hbm>>
      tpu.enqueue_indirect_dma source(%dma_start3A_13 : memref<10000x128xf32, #tpu.memory_space<hbm>>) target(%arg6 : memref<200x128xf32, #tpu.memory_space<vmem>>) offsets(%arg5 : memref<200xi32, #tpu.memory_space<vmem>>) semaphore(%arg7 : memref<!tpu.dma_semaphore, #tpu.memory_space<semaphore_mem>>)
      %dma_wait3A = arith.constant 0 : i32
      %dma_wait3A_14 = arith.constant 0 : i32
      %dma_wait3A_15 = tpu.memref_slice %arg2[%dma_wait3A, %dma_wait3A_14] : memref<10000x128xf32, #tpu.memory_space<hbm>> -> memref<10000x128xf32, #tpu.memory_space<hbm>>
      tpu.wait_indirect_dma semaphore(%arg7 : memref<!tpu.dma_semaphore, #tpu.memory_space<semaphore_mem>>) src(%dma_wait3A_15 : memref<10000x128xf32, #tpu.memory_space<hbm>>) dst(%arg6 : memref<200x128xf32, #tpu.memory_space<vmem>>)
      "tpu.region"() ({
        %run_scoped3A = tpu.sem_alloc : memref<!tpu.dma_semaphore, #tpu.memory_space<semaphore_mem>>
        %dma_start3A_16 = arith.constant 0 : i32
        %dma_start3A_17 = tpu.memref_slice %arg4[%add3A_11, %dma_start3A_16] : memref<320000x128xf32, #tpu.memory_space<hbm>> -> memref<200x128xf32, #tpu.memory_space<hbm>>
        %dma_start3A_18 = arith.constant 0 : i32
        %dma_start3A_19 = tpu.memref_slice %arg4[%add3A_11, %dma_start3A_18] : memref<320000x128xf32, #tpu.memory_space<hbm>> -> memref<200x128xf32, #tpu.memory_space<hbm>>
        tpu.enqueue_dma source(%arg6 : memref<200x128xf32, #tpu.memory_space<vmem>>) target(%dma_start3A_19 : memref<200x128xf32, #tpu.memory_space<hbm>>) target_semaphore(%run_scoped3A : memref<!tpu.dma_semaphore, #tpu.memory_space<semaphore_mem>>)
        %dma_wait3A_20 = arith.constant 0 : i32
        %dma_wait3A_21 = tpu.memref_slice %arg4[%add3A_11, %dma_wait3A_20] : memref<320000x128xf32, #tpu.memory_space<hbm>> -> memref<200x128xf32, #tpu.memory_space<hbm>>
        %dma_wait3A_22 = arith.constant 0 : i32
        %dma_wait3A_23 = tpu.memref_slice %arg4[%add3A_11, %dma_wait3A_22] : memref<320000x128xf32, #tpu.memory_space<hbm>> -> memref<200x128xf32, #tpu.memory_space<hbm>>
        tpu.wait_dma2 semaphore(%run_scoped3A : memref<!tpu.dma_semaphore, #tpu.memory_space<semaphore_mem>>) src(%arg6 : memref<200x128xf32, #tpu.memory_space<vmem>>) dst(%dma_wait3A_23 : memref<200x128xf32, #tpu.memory_space<hbm>>)
        tpu.yield
      }) : () -> ()
    }
    %scan3A_7 = arith.constant 50 : i32
    return
  }
}

#map = affine_map<(d0, d1) -> (0, 0)>
#map1 = affine_map<(d0, d1) -> (0)>
module attributes {stable_mosaic.version = 14 : i64} {
  func.func @k(%arg0: i32, %arg1: i32, %arg2: memref<10000x128xf32, #tpu.memory_space<hbm>>, %arg3: memref<320000xi32, #tpu.memory_space<hbm>>, %arg4: memref<320000x128xf32, #tpu.memory_space<hbm>>, %arg5: memref<200xi32, #tpu.memory_space<vmem>>, %arg6: memref<200x128xf32, #tpu.memory_space<vmem>>, %arg7: memref<!tpu.dma_semaphore, #tpu.memory_space<semaphore_mem>>) attributes {dimension_semantics = [#tpu.dimension_semantics<core_parallel>, #tpu.dimension_semantics<subcore_parallel>], iteration_bounds = array<i64: 2, 16>, scalar_prefetch = 0 : i64, scratch_operands = 3 : i64, tpu.core_type = #tpu.core_type<sc_vector_subcore>, window_params = [{transform_indices = #map}, {transform_indices = #map1}, {transform_indices = #map}]} {
    %mul3A = arith.constant 2 : i32
    %mul3A_0 = arith.muli %arg1, %mul3A : i32
    %add3A = arith.addi %mul3A_0, %arg0 : i32
    %mul3A_1 = arith.constant 10000 : i32
    %mul3A_2 = arith.muli %add3A, %mul3A_1 : i32
    %scan3A = arith.constant 0 : i32
    %scan3A_3 = arith.constant 0 : i32
    %scan3A_4 = arith.constant 50 : i32
    %scan3A_5 = arith.addi %scan3A_3, %scan3A_4 : i32
    %scan3A_6 = arith.constant 1 : i32
    scf.for %scan3A_8 = %scan3A_3 to %scan3A_5 step %scan3A_6  : i32 {
      %mul3A_9 = arith.constant 200 : i32
      %mul3A_10 = arith.muli %scan3A_8, %mul3A_9 : i32
      %add3A_11 = arith.addi %mul3A_2, %mul3A_10 : i32
      "tpu.region"() ({
        %run_scoped3A = tpu.sem_alloc : memref<!tpu.dma_semaphore, #tpu.memory_space<semaphore_mem>>
        %dma_start3A_16 = tpu.memref_slice %arg3[%add3A_11] : memref<320000xi32, #tpu.memory_space<hbm>> -> memref<200xi32, #tpu.memory_space<hbm>>
        %dma_start3A_17 = tpu.memref_slice %arg3[%add3A_11] : memref<320000xi32, #tpu.memory_space<hbm>> -> memref<200xi32, #tpu.memory_space<hbm>>
        tpu.enqueue_dma source(%dma_start3A_17 : memref<200xi32, #tpu.memory_space<hbm>>) target(%arg5 : memref<200xi32, #tpu.memory_space<vmem>>) target_semaphore(%run_scoped3A : memref<!tpu.dma_semaphore, #tpu.memory_space<semaphore_mem>>)
        %dma_wait3A_18 = tpu.memref_slice %arg3[%add3A_11] : memref<320000xi32, #tpu.memory_space<hbm>> -> memref<200xi32, #tpu.memory_space<hbm>>
        %dma_wait3A_19 = tpu.memref_slice %arg3[%add3A_11] : memref<320000xi32, #tpu.memory_space<hbm>> -> memref<200xi32, #tpu.memory_space<hbm>>
        tpu.wait_dma2 semaphore(%run_scoped3A : memref<!tpu.dma_semaphore, #tpu.memory_space<semaphore_mem>>) src(%dma_wait3A_19 : memref<200xi32, #tpu.memory_space<hbm>>) dst(%arg5 : memref<200xi32, #tpu.memory_space<vmem>>)
        tpu.yield
      }) : () -> ()
      %dma_start3A = arith.constant 0 : i32
      %dma_start3A_12 = arith.constant 0 : i32
      %dma_start3A_13 = tpu.memref_slice %arg2[%dma_start3A, %dma_start3A_12] : memref<10000x128xf32, #tpu.memory_space<hbm>> -> memref<10000x128xf32, #tpu.memory_space<hbm>>
      tpu.enqueue_indirect_dma source(%dma_start3A_13 : memref<10000x128xf32, #tpu.memory_space<hbm>>) target(%arg6 : memref<200x128xf32, #tpu.memory_space<vmem>>) offsets(%arg5 : memref<200xi32, #tpu.memory_space<vmem>>) semaphore(%arg7 : memref<!tpu.dma_semaphore, #tpu.memory_space<semaphore_mem>>)
      %dma_wait3A = arith.constant 0 : i32
      %dma_wait3A_14 = arith.constant 0 : i32
      %dma_wait3A_15 = tpu.memref_slice %arg2[%dma_wait3A, %dma_wait3A_14] : memref<10000x128xf32, #tpu.memory_space<hbm>> -> memref<10000x128xf32, #tpu.memory_space<hbm>>
      tpu.wait_indirect_dma semaphore(%arg7 : memref<!tpu.dma_semaphore, #tpu.memory_space<semaphore_mem>>) src(%dma_wait3A_15 : memref<10000x128xf32, #tpu.memory_space<hbm>>) dst(%arg6 : memref<200x128xf32, #tpu.memory_space<vmem>>)
      "tpu.region"() ({
        %run_scoped3A = tpu.sem_alloc : memref<!tpu.dma_semaphore, #tpu.memory_space<semaphore_mem>>
        %dma_start3A_16 = arith.constant 0 : i32
        %dma_start3A_17 = tpu.memref_slice %arg4[%add3A_11, %dma_start3A_16] : memref<320000x128xf32, #tpu.memory_space<hbm>> -> memref<200x128xf32, #tpu.memory_space<hbm>>
        %dma_start3A_18 = arith.constant 0 : i32
        %dma_start3A_19 = tpu.memref_slice %arg4[%add3A_11, %dma_start3A_18] : memref<320000x128xf32, #tpu.memory_space<hbm>> -> memref<200x128xf32, #tpu.memory_space<hbm>>
        tpu.enqueue_dma source(%arg6 : memref<200x128xf32, #tpu.memory_space<vmem>>) target(%dma_start3A_19 : memref<200x128xf32, #tpu.memory_space<hbm>>) target_semaphore(%run_scoped3A : memref<!tpu.dma_semaphore, #tpu.memory_space<semaphore_mem>>)
        %dma_wait3A_20 = arith.constant 0 : i32
        %dma_wait3A_21 = tpu.memref_slice %arg4[%add3A_11, %dma_wait3A_20] : memref<320000x128xf32, #tpu.memory_space<hbm>> -> memref<200x128xf32, #tpu.memory_space<hbm>>
        %dma_wait3A_22 = arith.constant 0 : i32
        %dma_wait3A_23 = tpu.memref_slice %arg4[%add3A_11, %dma_wait3A_22] : memref<320000x128xf32, #tpu.memory_space<hbm>> -> memref<200x128xf32, #tpu.memory_space<hbm>>
        tpu.wait_dma2 semaphore(%run_scoped3A : memref<!tpu.dma_semaphore, #tpu.memory_space<semaphore_mem>>) src(%arg6 : memref<200x128xf32, #tpu.memory_space<vmem>>) dst(%dma_wait3A_23 : memref<200x128xf32, #tpu.memory_space<hbm>>)
        tpu.yield
      }) : () -> ()
    }
    %scan3A_7 = arith.constant 50 : i32
    return
  }
}

#map = affine_map<(d0, d1) -> (0, 0)>
#map1 = affine_map<(d0, d1) -> (0)>
module attributes {stable_mosaic.version = 14 : i64} {
  func.func @k(%arg0: i32, %arg1: i32, %arg2: memref<10000x128xf32, #tpu.memory_space<hbm>>, %arg3: memref<320000xi32, #tpu.memory_space<hbm>>, %arg4: memref<320000x128xf32, #tpu.memory_space<hbm>>, %arg5: memref<200xi32, #tpu.memory_space<vmem>>, %arg6: memref<200x128xf32, #tpu.memory_space<vmem>>, %arg7: memref<!tpu.dma_semaphore, #tpu.memory_space<semaphore_mem>>) attributes {dimension_semantics = [#tpu.dimension_semantics<core_parallel>, #tpu.dimension_semantics<subcore_parallel>], iteration_bounds = array<i64: 2, 16>, scalar_prefetch = 0 : i64, scratch_operands = 3 : i64, tpu.core_type = #tpu.core_type<sc_vector_subcore>, window_params = [{transform_indices = #map}, {transform_indices = #map1}, {transform_indices = #map}]} {
    %mul3A = arith.constant 2 : i32
    %mul3A_0 = arith.muli %arg1, %mul3A : i32
    %add3A = arith.addi %mul3A_0, %arg0 : i32
    %mul3A_1 = arith.constant 10000 : i32
    %mul3A_2 = arith.muli %add3A, %mul3A_1 : i32
    %scan3A = arith.constant 0 : i32
    %scan3A_3 = arith.constant 0 : i32
    %scan3A_4 = arith.constant 50 : i32
    %scan3A_5 = arith.addi %scan3A_3, %scan3A_4 : i32
    %scan3A_6 = arith.constant 1 : i32
    scf.for %scan3A_8 = %scan3A_3 to %scan3A_5 step %scan3A_6  : i32 {
      %mul3A_9 = arith.constant 200 : i32
      %mul3A_10 = arith.muli %scan3A_8, %mul3A_9 : i32
      %add3A_11 = arith.addi %mul3A_2, %mul3A_10 : i32
      "tpu.region"() ({
        %run_scoped3A = tpu.sem_alloc : memref<!tpu.dma_semaphore, #tpu.memory_space<semaphore_mem>>
        %dma_start3A_16 = tpu.memref_slice %arg3[%add3A_11] : memref<320000xi32, #tpu.memory_space<hbm>> -> memref<200xi32, #tpu.memory_space<hbm>>
        %dma_start3A_17 = tpu.memref_slice %arg3[%add3A_11] : memref<320000xi32, #tpu.memory_space<hbm>> -> memref<200xi32, #tpu.memory_space<hbm>>
        tpu.enqueue_dma source(%dma_start3A_17 : memref<200xi32, #tpu.memory_space<hbm>>) target(%arg5 : memref<200xi32, #tpu.memory_space<vmem>>) target_semaphore(%run_scoped3A : memref<!tpu.dma_semaphore, #tpu.memory_space<semaphore_mem>>)
        %dma_wait3A_18 = tpu.memref_slice %arg3[%add3A_11] : memref<320000xi32, #tpu.memory_space<hbm>> -> memref<200xi32, #tpu.memory_space<hbm>>
        %dma_wait3A_19 = tpu.memref_slice %arg3[%add3A_11] : memref<320000xi32, #tpu.memory_space<hbm>> -> memref<200xi32, #tpu.memory_space<hbm>>
        tpu.wait_dma2 semaphore(%run_scoped3A : memref<!tpu.dma_semaphore, #tpu.memory_space<semaphore_mem>>) src(%dma_wait3A_19 : memref<200xi32, #tpu.memory_space<hbm>>) dst(%arg5 : memref<200xi32, #tpu.memory_space<vmem>>)
        tpu.yield
      }) : () -> ()
      %dma_start3A = arith.constant 0 : i32
      %dma_start3A_12 = arith.constant 0 : i32
      %dma_start3A_13 = tpu.memref_slice %arg2[%dma_start3A, %dma_start3A_12] : memref<10000x128xf32, #tpu.memory_space<hbm>> -> memref<10000x128xf32, #tpu.memory_space<hbm>>
      tpu.enqueue_indirect_dma source(%dma_start3A_13 : memref<10000x128xf32, #tpu.memory_space<hbm>>) target(%arg6 : memref<200x128xf32, #tpu.memory_space<vmem>>) offsets(%arg5 : memref<200xi32, #tpu.memory_space<vmem>>) semaphore(%arg7 : memref<!tpu.dma_semaphore, #tpu.memory_space<semaphore_mem>>)
      %dma_wait3A = arith.constant 0 : i32
      %dma_wait3A_14 = arith.constant 0 : i32
      %dma_wait3A_15 = tpu.memref_slice %arg2[%dma_wait3A, %dma_wait3A_14] : memref<10000x128xf32, #tpu.memory_space<hbm>> -> memref<10000x128xf32, #tpu.memory_space<hbm>>
      tpu.wait_indirect_dma semaphore(%arg7 : memref<!tpu.dma_semaphore, #tpu.memory_space<semaphore_mem>>) src(%dma_wait3A_15 : memref<10000x128xf32, #tpu.memory_space<hbm>>) dst(%arg6 : memref<200x128xf32, #tpu.memory_space<vmem>>)
      "tpu.region"() ({
        %run_scoped3A = tpu.sem_alloc : memref<!tpu.dma_semaphore, #tpu.memory_space<semaphore_mem>>
        %dma_start3A_16 = arith.constant 0 : i32
        %dma_start3A_17 = tpu.memref_slice %arg4[%add3A_11, %dma_start3A_16] : memref<320000x128xf32, #tpu.memory_space<hbm>> -> memref<200x128xf32, #tpu.memory_space<hbm>>
        %dma_start3A_18 = arith.constant 0 : i32
        %dma_start3A_19 = tpu.memref_slice %arg4[%add3A_11, %dma_start3A_18] : memref<320000x128xf32, #tpu.memory_space<hbm>> -> memref<200x128xf32, #tpu.memory_space<hbm>>
        tpu.enqueue_dma source(%arg6 : memref<200x128xf32, #tpu.memory_space<vmem>>) target(%dma_start3A_19 : memref<200x128xf32, #tpu.memory_space<hbm>>) target_semaphore(%run_scoped3A : memref<!tpu.dma_semaphore, #tpu.memory_space<semaphore_mem>>)
        %dma_wait3A_20 = arith.constant 0 : i32
        %dma_wait3A_21 = tpu.memref_slice %arg4[%add3A_11, %dma_wait3A_20] : memref<320000x128xf32, #tpu.memory_space<hbm>> -> memref<200x128xf32, #tpu.memory_space<hbm>>
        %dma_wait3A_22 = arith.constant 0 : i32
        %dma_wait3A_23 = tpu.memref_slice %arg4[%add3A_11, %dma_wait3A_22] : memref<320000x128xf32, #tpu.memory_space<hbm>> -> memref<200x128xf32, #tpu.memory_space<hbm>>
        tpu.wait_dma2 semaphore(%run_scoped3A : memref<!tpu.dma_semaphore, #tpu.memory_space<semaphore_mem>>) src(%arg6 : memref<200x128xf32, #tpu.memory_space<vmem>>) dst(%dma_wait3A_23 : memref<200x128xf32, #tpu.memory_space<hbm>>)
        tpu.yield
      }) : () -> ()
    }
    %scan3A_7 = arith.constant 50 : i32
    return
  }
}

#map = affine_map<(d0, d1) -> (0, 0)>
#map1 = affine_map<(d0, d1) -> (0)>
module attributes {stable_mosaic.version = 14 : i64} {
  func.func @k(%arg0: i32, %arg1: i32, %arg2: memref<10000x128xf32, #tpu.memory_space<hbm>>, %arg3: memref<320000xi32, #tpu.memory_space<hbm>>, %arg4: memref<320000x128xf32, #tpu.memory_space<hbm>>, %arg5: memref<200xi32, #tpu.memory_space<vmem>>, %arg6: memref<200x128xf32, #tpu.memory_space<vmem>>, %arg7: memref<!tpu.dma_semaphore, #tpu.memory_space<semaphore_mem>>) attributes {dimension_semantics = [#tpu.dimension_semantics<core_parallel>, #tpu.dimension_semantics<subcore_parallel>], iteration_bounds = array<i64: 2, 16>, scalar_prefetch = 0 : i64, scratch_operands = 3 : i64, tpu.core_type = #tpu.core_type<sc_vector_subcore>, window_params = [{transform_indices = #map}, {transform_indices = #map1}, {transform_indices = #map}]} {
    %mul3A = arith.constant 2 : i32
    %mul3A_0 = arith.muli %arg1, %mul3A : i32
    %add3A = arith.addi %mul3A_0, %arg0 : i32
    %mul3A_1 = arith.constant 10000 : i32
    %mul3A_2 = arith.muli %add3A, %mul3A_1 : i32
    %scan3A = arith.constant 0 : i32
    %scan3A_3 = arith.constant 0 : i32
    %scan3A_4 = arith.constant 50 : i32
    %scan3A_5 = arith.addi %scan3A_3, %scan3A_4 : i32
    %scan3A_6 = arith.constant 1 : i32
    scf.for %scan3A_8 = %scan3A_3 to %scan3A_5 step %scan3A_6  : i32 {
      %mul3A_9 = arith.constant 200 : i32
      %mul3A_10 = arith.muli %scan3A_8, %mul3A_9 : i32
      %add3A_11 = arith.addi %mul3A_2, %mul3A_10 : i32
      "tpu.region"() ({
        %run_scoped3A = tpu.sem_alloc : memref<!tpu.dma_semaphore, #tpu.memory_space<semaphore_mem>>
        %dma_start3A_16 = tpu.memref_slice %arg3[%add3A_11] : memref<320000xi32, #tpu.memory_space<hbm>> -> memref<200xi32, #tpu.memory_space<hbm>>
        %dma_start3A_17 = tpu.memref_slice %arg3[%add3A_11] : memref<320000xi32, #tpu.memory_space<hbm>> -> memref<200xi32, #tpu.memory_space<hbm>>
        tpu.enqueue_dma source(%dma_start3A_17 : memref<200xi32, #tpu.memory_space<hbm>>) target(%arg5 : memref<200xi32, #tpu.memory_space<vmem>>) target_semaphore(%run_scoped3A : memref<!tpu.dma_semaphore, #tpu.memory_space<semaphore_mem>>)
        %dma_wait3A_18 = tpu.memref_slice %arg3[%add3A_11] : memref<320000xi32, #tpu.memory_space<hbm>> -> memref<200xi32, #tpu.memory_space<hbm>>
        %dma_wait3A_19 = tpu.memref_slice %arg3[%add3A_11] : memref<320000xi32, #tpu.memory_space<hbm>> -> memref<200xi32, #tpu.memory_space<hbm>>
        tpu.wait_dma2 semaphore(%run_scoped3A : memref<!tpu.dma_semaphore, #tpu.memory_space<semaphore_mem>>) src(%dma_wait3A_19 : memref<200xi32, #tpu.memory_space<hbm>>) dst(%arg5 : memref<200xi32, #tpu.memory_space<vmem>>)
        tpu.yield
      }) : () -> ()
      %dma_start3A = arith.constant 0 : i32
      %dma_start3A_12 = arith.constant 0 : i32
      %dma_start3A_13 = tpu.memref_slice %arg2[%dma_start3A, %dma_start3A_12] : memref<10000x128xf32, #tpu.memory_space<hbm>> -> memref<10000x128xf32, #tpu.memory_space<hbm>>
      tpu.enqueue_indirect_dma source(%dma_start3A_13 : memref<10000x128xf32, #tpu.memory_space<hbm>>) target(%arg6 : memref<200x128xf32, #tpu.memory_space<vmem>>) offsets(%arg5 : memref<200xi32, #tpu.memory_space<vmem>>) semaphore(%arg7 : memref<!tpu.dma_semaphore, #tpu.memory_space<semaphore_mem>>)
      %dma_wait3A = arith.constant 0 : i32
      %dma_wait3A_14 = arith.constant 0 : i32
      %dma_wait3A_15 = tpu.memref_slice %arg2[%dma_wait3A, %dma_wait3A_14] : memref<10000x128xf32, #tpu.memory_space<hbm>> -> memref<10000x128xf32, #tpu.memory_space<hbm>>
      tpu.wait_indirect_dma semaphore(%arg7 : memref<!tpu.dma_semaphore, #tpu.memory_space<semaphore_mem>>) src(%dma_wait3A_15 : memref<10000x128xf32, #tpu.memory_space<hbm>>) dst(%arg6 : memref<200x128xf32, #tpu.memory_space<vmem>>)
      "tpu.region"() ({
        %run_scoped3A = tpu.sem_alloc : memref<!tpu.dma_semaphore, #tpu.memory_space<semaphore_mem>>
        %dma_start3A_16 = arith.constant 0 : i32
        %dma_start3A_17 = tpu.memref_slice %arg4[%add3A_11, %dma_start3A_16] : memref<320000x128xf32, #tpu.memory_space<hbm>> -> memref<200x128xf32, #tpu.memory_space<hbm>>
        %dma_start3A_18 = arith.constant 0 : i32
        %dma_start3A_19 = tpu.memref_slice %arg4[%add3A_11, %dma_start3A_18] : memref<320000x128xf32, #tpu.memory_space<hbm>> -> memref<200x128xf32, #tpu.memory_space<hbm>>
        tpu.enqueue_dma source(%arg6 : memref<200x128xf32, #tpu.memory_space<vmem>>) target(%dma_start3A_19 : memref<200x128xf32, #tpu.memory_space<hbm>>) target_semaphore(%run_scoped3A : memref<!tpu.dma_semaphore, #tpu.memory_space<semaphore_mem>>)
        %dma_wait3A_20 = arith.constant 0 : i32
        %dma_wait3A_21 = tpu.memref_slice %arg4[%add3A_11, %dma_wait3A_20] : memref<320000x128xf32, #tpu.memory_space<hbm>> -> memref<200x128xf32, #tpu.memory_space<hbm>>
        %dma_wait3A_22 = arith.constant 0 : i32
        %dma_wait3A_23 = tpu.memref_slice %arg4[%add3A_11, %dma_wait3A_22] : memref<320000x128xf32, #tpu.memory_space<hbm>> -> memref<200x128xf32, #tpu.memory_space<hbm>>
        tpu.wait_dma2 semaphore(%run_scoped3A : memref<!tpu.dma_semaphore, #tpu.memory_space<semaphore_mem>>) src(%arg6 : memref<200x128xf32, #tpu.memory_space<vmem>>) dst(%dma_wait3A_23 : memref<200x128xf32, #tpu.memory_space<hbm>>)
        tpu.yield
      }) : () -> ()
    }
    %scan3A_7 = arith.constant 50 : i32
    return
  }
}

#map = affine_map<(d0, d1) -> (0, 0)>
#map1 = affine_map<(d0, d1) -> (0)>
module attributes {stable_mosaic.version = 14 : i64} {
  func.func @k(%arg0: i32, %arg1: i32, %arg2: memref<10000x128xf32, #tpu.memory_space<hbm>>, %arg3: memref<320000xi32, #tpu.memory_space<hbm>>, %arg4: memref<320000x128xf32, #tpu.memory_space<hbm>>, %arg5: memref<200xi32, #tpu.memory_space<vmem>>, %arg6: memref<200x128xf32, #tpu.memory_space<vmem>>, %arg7: memref<!tpu.dma_semaphore, #tpu.memory_space<semaphore_mem>>) attributes {dimension_semantics = [#tpu.dimension_semantics<core_parallel>, #tpu.dimension_semantics<subcore_parallel>], iteration_bounds = array<i64: 2, 16>, scalar_prefetch = 0 : i64, scratch_operands = 3 : i64, tpu.core_type = #tpu.core_type<sc_vector_subcore>, window_params = [{transform_indices = #map}, {transform_indices = #map1}, {transform_indices = #map}]} {
    %mul3A = arith.constant 2 : i32
    %mul3A_0 = arith.muli %arg1, %mul3A : i32
    %add3A = arith.addi %mul3A_0, %arg0 : i32
    %mul3A_1 = arith.constant 10000 : i32
    %mul3A_2 = arith.muli %add3A, %mul3A_1 : i32
    %scan3A = arith.constant 0 : i32
    %scan3A_3 = arith.constant 0 : i32
    %scan3A_4 = arith.constant 50 : i32
    %scan3A_5 = arith.addi %scan3A_3, %scan3A_4 : i32
    %scan3A_6 = arith.constant 1 : i32
    scf.for %scan3A_8 = %scan3A_3 to %scan3A_5 step %scan3A_6  : i32 {
      %mul3A_9 = arith.constant 200 : i32
      %mul3A_10 = arith.muli %scan3A_8, %mul3A_9 : i32
      %add3A_11 = arith.addi %mul3A_2, %mul3A_10 : i32
      "tpu.region"() ({
        %run_scoped3A = tpu.sem_alloc : memref<!tpu.dma_semaphore, #tpu.memory_space<semaphore_mem>>
        %dma_start3A_16 = tpu.memref_slice %arg3[%add3A_11] : memref<320000xi32, #tpu.memory_space<hbm>> -> memref<200xi32, #tpu.memory_space<hbm>>
        %dma_start3A_17 = tpu.memref_slice %arg3[%add3A_11] : memref<320000xi32, #tpu.memory_space<hbm>> -> memref<200xi32, #tpu.memory_space<hbm>>
        tpu.enqueue_dma source(%dma_start3A_17 : memref<200xi32, #tpu.memory_space<hbm>>) target(%arg5 : memref<200xi32, #tpu.memory_space<vmem>>) target_semaphore(%run_scoped3A : memref<!tpu.dma_semaphore, #tpu.memory_space<semaphore_mem>>)
        %dma_wait3A_18 = tpu.memref_slice %arg3[%add3A_11] : memref<320000xi32, #tpu.memory_space<hbm>> -> memref<200xi32, #tpu.memory_space<hbm>>
        %dma_wait3A_19 = tpu.memref_slice %arg3[%add3A_11] : memref<320000xi32, #tpu.memory_space<hbm>> -> memref<200xi32, #tpu.memory_space<hbm>>
        tpu.wait_dma2 semaphore(%run_scoped3A : memref<!tpu.dma_semaphore, #tpu.memory_space<semaphore_mem>>) src(%dma_wait3A_19 : memref<200xi32, #tpu.memory_space<hbm>>) dst(%arg5 : memref<200xi32, #tpu.memory_space<vmem>>)
        tpu.yield
      }) : () -> ()
      %dma_start3A = arith.constant 0 : i32
      %dma_start3A_12 = arith.constant 0 : i32
      %dma_start3A_13 = tpu.memref_slice %arg2[%dma_start3A, %dma_start3A_12] : memref<10000x128xf32, #tpu.memory_space<hbm>> -> memref<10000x128xf32, #tpu.memory_space<hbm>>
      tpu.enqueue_indirect_dma source(%dma_start3A_13 : memref<10000x128xf32, #tpu.memory_space<hbm>>) target(%arg6 : memref<200x128xf32, #tpu.memory_space<vmem>>) offsets(%arg5 : memref<200xi32, #tpu.memory_space<vmem>>) semaphore(%arg7 : memref<!tpu.dma_semaphore, #tpu.memory_space<semaphore_mem>>)
      %dma_wait3A = arith.constant 0 : i32
      %dma_wait3A_14 = arith.constant 0 : i32
      %dma_wait3A_15 = tpu.memref_slice %arg2[%dma_wait3A, %dma_wait3A_14] : memref<10000x128xf32, #tpu.memory_space<hbm>> -> memref<10000x128xf32, #tpu.memory_space<hbm>>
      tpu.wait_indirect_dma semaphore(%arg7 : memref<!tpu.dma_semaphore, #tpu.memory_space<semaphore_mem>>) src(%dma_wait3A_15 : memref<10000x128xf32, #tpu.memory_space<hbm>>) dst(%arg6 : memref<200x128xf32, #tpu.memory_space<vmem>>)
      "tpu.region"() ({
        %run_scoped3A = tpu.sem_alloc : memref<!tpu.dma_semaphore, #tpu.memory_space<semaphore_mem>>
        %dma_start3A_16 = arith.constant 0 : i32
        %dma_start3A_17 = tpu.memref_slice %arg4[%add3A_11, %dma_start3A_16] : memref<320000x128xf32, #tpu.memory_space<hbm>> -> memref<200x128xf32, #tpu.memory_space<hbm>>
        %dma_start3A_18 = arith.constant 0 : i32
        %dma_start3A_19 = tpu.memref_slice %arg4[%add3A_11, %dma_start3A_18] : memref<320000x128xf32, #tpu.memory_space<hbm>> -> memref<200x128xf32, #tpu.memory_space<hbm>>
        tpu.enqueue_dma source(%arg6 : memref<200x128xf32, #tpu.memory_space<vmem>>) target(%dma_start3A_19 : memref<200x128xf32, #tpu.memory_space<hbm>>) target_semaphore(%run_scoped3A : memref<!tpu.dma_semaphore, #tpu.memory_space<semaphore_mem>>)
        %dma_wait3A_20 = arith.constant 0 : i32
        %dma_wait3A_21 = tpu.memref_slice %arg4[%add3A_11, %dma_wait3A_20] : memref<320000x128xf32, #tpu.memory_space<hbm>> -> memref<200x128xf32, #tpu.memory_space<hbm>>
        %dma_wait3A_22 = arith.constant 0 : i32
        %dma_wait3A_23 = tpu.memref_slice %arg4[%add3A_11, %dma_wait3A_22] : memref<320000x128xf32, #tpu.memory_space<hbm>> -> memref<200x128xf32, #tpu.memory_space<hbm>>
        tpu.wait_dma2 semaphore(%run_scoped3A : memref<!tpu.dma_semaphore, #tpu.memory_space<semaphore_mem>>) src(%arg6 : memref<200x128xf32, #tpu.memory_space<vmem>>) dst(%dma_wait3A_23 : memref<200x128xf32, #tpu.memory_space<hbm>>)
        tpu.yield
      }) : () -> ()
    }
    %scan3A_7 = arith.constant 50 : i32
    return
  }
}

module attributes {stable_mosaic.version = 14 : i64} {
  func.func @body(%arg0: i32, %arg1: memref<1024x1xf32, #tpu.memory_space<vmem>>, %arg2: memref<1x64xf32, #tpu.memory_space<vmem>>, %arg3: memref<1x64xf32, #tpu.memory_space<vmem>>, %arg4: memref<64x64xf32, #tpu.memory_space<vmem>>, %arg5: memref<1x64xf32, #tpu.memory_space<vmem>>, %arg6: memref<64x8xf32, #tpu.memory_space<vmem>>, %arg7: memref<1x8xf32, #tpu.memory_space<vmem>>, %arg8: memref<1024x8xf32, #tpu.memory_space<vmem>>) attributes {dimension_semantics = [#tpu.dimension_semantics<arbitrary>], iteration_bounds = array<i64: 10>, scalar_prefetch = 0 : i64, scratch_operands = 0 : i64, tpu.core_type = #tpu.core_type<tc>, window_params = [{transform_indices = @transform_0, window_bounds = array<i64: 1024, 1>}, {pipeline_mode = #tpu.pipeline_mode<synchronous>, transform_indices = @transform_1, window_bounds = array<i64: 1, 64>}, {pipeline_mode = #tpu.pipeline_mode<synchronous>, transform_indices = @transform_2, window_bounds = array<i64: 1, 64>}, {pipeline_mode = #tpu.pipeline_mode<synchronous>, transform_indices = @transform_3, window_bounds = array<i64: 64, 64>}, {pipeline_mode = #tpu.pipeline_mode<synchronous>, transform_indices = @transform_4, window_bounds = array<i64: 1, 64>}, {pipeline_mode = #tpu.pipeline_mode<synchronous>, transform_indices = @transform_5, window_bounds = array<i64: 64, 8>}, {pipeline_mode = #tpu.pipeline_mode<synchronous>, transform_indices = @transform_6, window_bounds = array<i64: 1, 8>}, {transform_indices = @transform_7, window_bounds = array<i64: 1024, 8>}]} {
    %get3A = arith.constant 0 : index
    %get3A_0 = arith.constant 0 : index
    %get3A_1 = vector.load %arg1[%get3A, %get3A_0] : memref<1024x1xf32, #tpu.memory_space<vmem>>, vector<1024x1xf32>
    %get3A_2 = arith.constant 0 : index
    %get3A_3 = arith.constant 0 : index
    %get3A_4 = vector.load %arg2[%get3A_2, %get3A_3] : memref<1x64xf32, #tpu.memory_space<vmem>>, vector<1x64xf32>
    %dot_general3A = arith.constant dense<0.000000e+00> : vector<1024x64xf32>
    %dot_general3A_5 = tpu.matmul %get3A_1, %get3A_4, %dot_general3A {dimension_numbers = #tpu.dot_dimension_numbers<[1], [0], [0], [1], [0, 0, 1, 1], [], []>, transpose_lhs_hint = false} : vector<1024x1xf32>, vector<1x64xf32>, vector<1024x64xf32> -> vector<1024x64xf32>
    %get3A_6 = arith.constant 0 : index
    %get3A_7 = arith.constant 0 : index
    %get3A_8 = vector.load %arg3[%get3A_6, %get3A_7] : memref<1x64xf32, #tpu.memory_space<vmem>>, vector<1x64xf32>
    %add3A = vector.broadcast %get3A_8 : vector<1x64xf32> to vector<1024x64xf32>
    %add3A_9 = arith.addf %dot_general3A_5, %add3A : vector<1024x64xf32>
    %logistic3A = arith.negf %add3A_9 : vector<1024x64xf32>
    %logistic3A_10 = math.exp %logistic3A : vector<1024x64xf32>
    %logistic3A_11 = arith.constant 1.000000e+00 : f32
    %logistic3A_12 = vector.broadcast %logistic3A_11 : f32 to vector<1024x64xf32>
    %logistic3A_13 = arith.addf %logistic3A_12, %logistic3A_10 : vector<1024x64xf32>
    %logistic3A_14 = arith.divf %logistic3A_12, %logistic3A_13 : vector<1024x64xf32>
    %mul3A = arith.mulf %add3A_9, %logistic3A_14 : vector<1024x64xf32>
    %get3A_15 = arith.constant 0 : index
    %get3A_16 = arith.constant 0 : index
    %get3A_17 = vector.load %arg4[%get3A_15, %get3A_16] : memref<64x64xf32, #tpu.memory_space<vmem>>, vector<64x64xf32>
    %dot_general3A_18 = arith.constant dense<0.000000e+00> : vector<1024x64xf32>
    %dot_general3A_19 = tpu.matmul %mul3A, %get3A_17, %dot_general3A_18 {dimension_numbers = #tpu.dot_dimension_numbers<[1], [0], [0], [1], [0, 0, 1, 1], [], []>, transpose_lhs_hint = false} : vector<1024x64xf32>, vector<64x64xf32>, vector<1024x64xf32> -> vector<1024x64xf32>
    %get3A_20 = arith.constant 0 : index
    %get3A_21 = arith.constant 0 : index
    %get3A_22 = vector.load %arg5[%get3A_20, %get3A_21] : memref<1x64xf32, #tpu.memory_space<vmem>>, vector<1x64xf32>
    %add3A_23 = vector.broadcast %get3A_22 : vector<1x64xf32> to vector<1024x64xf32>
    %add3A_24 = arith.addf %dot_general3A_19, %add3A_23 : vector<1024x64xf32>
    %logistic3A_25 = arith.negf %add3A_24 : vector<1024x64xf32>
    %logistic3A_26 = math.exp %logistic3A_25 : vector<1024x64xf32>
    %logistic3A_27 = arith.constant 1.000000e+00 : f32
    %logistic3A_28 = vector.broadcast %logistic3A_27 : f32 to vector<1024x64xf32>
    %logistic3A_29 = arith.addf %logistic3A_28, %logistic3A_26 : vector<1024x64xf32>
    %logistic3A_30 = arith.divf %logistic3A_28, %logistic3A_29 : vector<1024x64xf32>
    %mul3A_31 = arith.mulf %add3A_24, %logistic3A_30 : vector<1024x64xf32>
    %get3A_32 = arith.constant 0 : index
    %get3A_33 = arith.constant 0 : index
    %get3A_34 = vector.load %arg6[%get3A_32, %get3A_33] : memref<64x8xf32, #tpu.memory_space<vmem>>, vector<64x8xf32>
    %dot_general3A_35 = arith.constant dense<0.000000e+00> : vector<1024x8xf32>
    %dot_general3A_36 = tpu.matmul %mul3A_31, %get3A_34, %dot_general3A_35 {dimension_numbers = #tpu.dot_dimension_numbers<[1], [0], [0], [1], [0, 0, 1, 1], [], []>, transpose_lhs_hint = false} : vector<1024x64xf32>, vector<64x8xf32>, vector<1024x8xf32> -> vector<1024x8xf32>
    %get3A_37 = arith.constant 0 : index
    %get3A_38 = arith.constant 0 : index
    %get3A_39 = vector.load %arg7[%get3A_37, %get3A_38] : memref<1x8xf32, #tpu.memory_space<vmem>>, vector<1x8xf32>
    %add3A_40 = vector.broadcast %get3A_39 : vector<1x8xf32> to vector<1024x8xf32>
    %add3A_41 = arith.addf %dot_general3A_36, %add3A_40 : vector<1024x8xf32>
    %swap3A = arith.constant 0 : index
    %swap3A_42 = arith.constant 0 : index
    %swap3A_43 = vector.load %arg8[%swap3A, %swap3A_42] : memref<1024x8xf32, #tpu.memory_space<vmem>>, vector<1024x8xf32>
    tpu.vector_store %arg8[%swap3A, %swap3A_42], %add3A_41 {strides = array<i32>} : memref<1024x8xf32, #tpu.memory_space<vmem>>, vector<1024x8xf32>,
    return
  }
  func.func @transform_0(%arg0: i32) -> (i32, i32) {
    %c0_i32 = arith.constant 0 : i32
    %c0_i32_0 = arith.constant 0 : i32
    return %arg0, %c0_i32 : i32, i32
  }
  func.func @transform_1(%arg0: i32) -> (i32, i32) {
    %c0_i32 = arith.constant 0 : i32
    %c0_i32_0 = arith.constant 0 : i32
    %c0_i32_1 = arith.constant 0 : i32
    return %c0_i32, %c0_i32_0 : i32, i32
  }
  func.func @transform_2(%arg0: i32) -> (i32, i32) {
    %c0_i32 = arith.constant 0 : i32
    %c0_i32_0 = arith.constant 0 : i32
    %c0_i32_1 = arith.constant 0 : i32
    return %c0_i32, %c0_i32_0 : i32, i32
  }
  func.func @transform_3(%arg0: i32) -> (i32, i32) {
    %c0_i32 = arith.constant 0 : i32
    %c0_i32_0 = arith.constant 0 : i32
    %c0_i32_1 = arith.constant 0 : i32
    return %c0_i32, %c0_i32_0 : i32, i32
  }
  func.func @transform_4(%arg0: i32) -> (i32, i32) {
    %c0_i32 = arith.constant 0 : i32
    %c0_i32_0 = arith.constant 0 : i32
    %c0_i32_1 = arith.constant 0 : i32
    return %c0_i32, %c0_i32_0 : i32, i32
  }
  func.func @transform_5(%arg0: i32) -> (i32, i32) {
    %c0_i32 = arith.constant 0 : i32
    %c0_i32_0 = arith.constant 0 : i32
    %c0_i32_1 = arith.constant 0 : i32
    return %c0_i32, %c0_i32_0 : i32, i32
  }
  func.func @transform_6(%arg0: i32) -> (i32, i32) {
    %c0_i32 = arith.constant 0 : i32
    %c0_i32_0 = arith.constant 0 : i32
    %c0_i32_1 = arith.constant 0 : i32
    return %c0_i32, %c0_i32_0 : i32, i32
  }
  func.func @transform_7(%arg0: i32) -> (i32, i32) {
    %c0_i32 = arith.constant 0 : i32
    %c0_i32_0 = arith.constant 0 : i32
    return %arg0, %c0_i32 : i32, i32
  }
}

module attributes {stable_mosaic.version = 14 : i64} {
  func.func @body(%arg0: i32, %arg1: memref<2000x128xf32, #tpu.memory_space<vmem>>, %arg2: memref<2000x8xf32, #tpu.memory_space<vmem>>, %arg3: memref<2000x9xf32, #tpu.memory_space<vmem>>, %arg4: memref<9x72xf32, #tpu.memory_space<vmem>>, %arg5: memref<8x72xf32, #tpu.memory_space<vmem>>, %arg6: memref<128x72xf32, #tpu.memory_space<vmem>>, %arg7: memref<128x72xf32, #tpu.memory_space<vmem>>, %arg8: memref<2000x72xf32, #tpu.memory_space<vmem>>) attributes {dimension_semantics = [#tpu.dimension_semantics<arbitrary>], iteration_bounds = array<i64: 160>, scalar_prefetch = 0 : i64, scratch_operands = 0 : i64, tpu.core_type = #tpu.core_type<tc>, window_params = [{transform_indices = @transform_0, window_bounds = array<i64: 2000, 128>}, {transform_indices = @transform_1, window_bounds = array<i64: 2000, 8>}, {transform_indices = @transform_2, window_bounds = array<i64: 2000, 9>}, {pipeline_mode = #tpu.pipeline_mode<synchronous>, transform_indices = @transform_3, window_bounds = array<i64: 9, 72>}, {pipeline_mode = #tpu.pipeline_mode<synchronous>, transform_indices = @transform_4, window_bounds = array<i64: 8, 72>}, {pipeline_mode = #tpu.pipeline_mode<synchronous>, transform_indices = @transform_5, window_bounds = array<i64: 128, 72>}, {pipeline_mode = #tpu.pipeline_mode<synchronous>, transform_indices = @transform_6, window_bounds = array<i64: 128, 72>}, {transform_indices = @transform_7, window_bounds = array<i64: 2000, 72>}]} {
    %get3A = arith.constant 0 : index
    %get3A_0 = arith.constant 0 : index
    %get3A_1 = vector.load %arg1[%get3A, %get3A_0] : memref<2000x128xf32, #tpu.memory_space<vmem>>, vector<2000x128xf32>
    %get3A_2 = arith.constant 0 : index
    %get3A_3 = arith.constant 0 : index
    %get3A_4 = vector.load %arg6[%get3A_2, %get3A_3] : memref<128x72xf32, #tpu.memory_space<vmem>>, vector<128x72xf32>
    %dot_general3A = arith.constant dense<0.000000e+00> : vector<2000x72xf32>
    %dot_general3A_5 = tpu.matmul %get3A_1, %get3A_4, %dot_general3A {dimension_numbers = #tpu.dot_dimension_numbers<[1], [0], [0], [1], [0, 0, 1, 1], [], []>, transpose_lhs_hint = false} : vector<2000x128xf32>, vector<128x72xf32>, vector<2000x72xf32> -> vector<2000x72xf32>
    %get3A_6 = arith.constant 0 : index
    %get3A_7 = arith.constant 0 : index
    %get3A_8 = vector.load %arg7[%get3A_6, %get3A_7] : memref<128x72xf32, #tpu.memory_space<vmem>>, vector<128x72xf32>
    %dot_general3A_9 = arith.constant dense<0.000000e+00> : vector<2000x72xf32>
    %dot_general3A_10 = tpu.matmul %get3A_1, %get3A_8, %dot_general3A_9 {dimension_numbers = #tpu.dot_dimension_numbers<[1], [0], [0], [1], [0, 0, 1, 1], [], []>, transpose_lhs_hint = false} : vector<2000x128xf32>, vector<128x72xf32>, vector<2000x72xf32> -> vector<2000x72xf32>
    %get3A_11 = arith.constant 0 : index
    %get3A_12 = arith.constant 0 : index
    %get3A_13 = vector.load %arg3[%get3A_11, %get3A_12] : memref<2000x9xf32, #tpu.memory_space<vmem>>, vector<2000x9xf32>
    %get3A_14 = arith.constant 0 : index
    %get3A_15 = arith.constant 0 : index
    %get3A_16 = vector.load %arg4[%get3A_14, %get3A_15] : memref<9x72xf32, #tpu.memory_space<vmem>>, vector<9x72xf32>
    %dot_general3A_17 = arith.constant dense<0.000000e+00> : vector<2000x72xf32>
    %dot_general3A_18 = tpu.matmul %get3A_13, %get3A_16, %dot_general3A_17 {dimension_numbers = #tpu.dot_dimension_numbers<[1], [0], [0], [1], [0, 0, 1, 1], [], []>, transpose_lhs_hint = false} : vector<2000x9xf32>, vector<9x72xf32>, vector<2000x72xf32> -> vector<2000x72xf32>
    %get3A_19 = arith.constant 0 : index
    %get3A_20 = arith.constant 0 : index
    %get3A_21 = vector.load %arg2[%get3A_19, %get3A_20] : memref<2000x8xf32, #tpu.memory_space<vmem>>, vector<2000x8xf32>
    %get3A_22 = arith.constant 0 : index
    %get3A_23 = arith.constant 0 : index
    %get3A_24 = vector.load %arg5[%get3A_22, %get3A_23] : memref<8x72xf32, #tpu.memory_space<vmem>>, vector<8x72xf32>
    %dot_general3A_25 = arith.constant dense<0.000000e+00> : vector<2000x72xf32>
    %dot_general3A_26 = tpu.matmul %get3A_21, %get3A_24, %dot_general3A_25 {dimension_numbers = #tpu.dot_dimension_numbers<[1], [0], [0], [1], [0, 0, 1, 1], [], []>, transpose_lhs_hint = false} : vector<2000x8xf32>, vector<8x72xf32>, vector<2000x72xf32> -> vector<2000x72xf32>
    %add3A = arith.addf %dot_general3A_18, %dot_general3A_5 : vector<2000x72xf32>
    %mul3A = arith.mulf %dot_general3A_26, %dot_general3A_10 : vector<2000x72xf32>
    %mul3A_27 = arith.mulf %add3A, %mul3A : vector<2000x72xf32>
    %swap3A = arith.constant 0 : index
    %swap3A_28 = arith.constant 0 : index
    %swap3A_29 = vector.load %arg8[%swap3A, %swap3A_28] : memref<2000x72xf32, #tpu.memory_space<vmem>>, vector<2000x72xf32>
    tpu.vector_store %arg8[%swap3A, %swap3A_28], %mul3A_27 {strides = array<i32>} : memref<2000x72xf32, #tpu.memory_space<vmem>>, vector<2000x72xf32>,
    return
  }
  func.func @transform_0(%arg0: i32) -> (i32, i32) {
    %c0_i32 = arith.constant 0 : i32
    %c0_i32_0 = arith.constant 0 : i32
    return %arg0, %c0_i32 : i32, i32
  }
  func.func @transform_1(%arg0: i32) -> (i32, i32) {
    %c0_i32 = arith.constant 0 : i32
    %c0_i32_0 = arith.constant 0 : i32
    return %arg0, %c0_i32 : i32, i32
  }
  func.func @transform_2(%arg0: i32) -> (i32, i32) {
    %c0_i32 = arith.constant 0 : i32
    %c0_i32_0 = arith.constant 0 : i32
    return %arg0, %c0_i32 : i32, i32
  }
  func.func @transform_3(%arg0: i32) -> (i32, i32) {
    %c0_i32 = arith.constant 0 : i32
    %c0_i32_0 = arith.constant 0 : i32
    %c0_i32_1 = arith.constant 0 : i32
    return %c0_i32, %c0_i32_0 : i32, i32
  }
  func.func @transform_4(%arg0: i32) -> (i32, i32) {
    %c0_i32 = arith.constant 0 : i32
    %c0_i32_0 = arith.constant 0 : i32
    %c0_i32_1 = arith.constant 0 : i32
    return %c0_i32, %c0_i32_0 : i32, i32
  }
  func.func @transform_5(%arg0: i32) -> (i32, i32) {
    %c0_i32 = arith.constant 0 : i32
    %c0_i32_0 = arith.constant 0 : i32
    %c0_i32_1 = arith.constant 0 : i32
    return %c0_i32, %c0_i32_0 : i32, i32
  }
  func.func @transform_6(%arg0: i32) -> (i32, i32) {
    %c0_i32 = arith.constant 0 : i32
    %c0_i32_0 = arith.constant 0 : i32
    %c0_i32_1 = arith.constant 0 : i32
    return %c0_i32, %c0_i32_0 : i32, i32
  }
  func.func @transform_7(%arg0: i32) -> (i32, i32) {
    %c0_i32 = arith.constant 0 : i32
    %c0_i32_0 = arith.constant 0 : i32
    return %arg0, %c0_i32 : i32, i32
  }
}

module attributes {stable_mosaic.version = 14 : i64} {
  func.func @body(%arg0: i32, %arg1: memref<2000x128xf32, #tpu.memory_space<vmem>>, %arg2: memref<2000x128xf32, #tpu.memory_space<vmem>>, %arg3: memref<2000x3xf32, #tpu.memory_space<vmem>>, %arg4: memref<1x8xf32, #tpu.memory_space<vmem>>, %arg5: memref<1x8xf32, #tpu.memory_space<vmem>>, %arg6: memref<2000x8xf32, #tpu.memory_space<vmem>>, %arg7: memref<2000x9xf32, #tpu.memory_space<vmem>>) attributes {dimension_semantics = [#tpu.dimension_semantics<arbitrary>], iteration_bounds = array<i64: 160>, scalar_prefetch = 0 : i64, scratch_operands = 0 : i64, tpu.core_type = #tpu.core_type<tc>, window_params = [{transform_indices = @transform_0, window_bounds = array<i64: 2000, 128>}, {transform_indices = @transform_1, window_bounds = array<i64: 2000, 128>}, {transform_indices = @transform_2, window_bounds = array<i64: 2000, 3>}, {pipeline_mode = #tpu.pipeline_mode<synchronous>, transform_indices = @transform_3, window_bounds = array<i64: 1, 8>}, {pipeline_mode = #tpu.pipeline_mode<synchronous>, transform_indices = @transform_4, window_bounds = array<i64: 1, 8>}, {transform_indices = @transform_5, window_bounds = array<i64: 2000, 8>}, {transform_indices = @transform_6, window_bounds = array<i64: 2000, 9>}]} {
    %get3A = arith.constant 0 : index
    %get3A_0 = arith.constant 0 : index
    %get3A_1 = vector.load %arg1[%get3A, %get3A_0] : memref<2000x128xf32, #tpu.memory_space<vmem>>, vector<2000x3xf32>
    %get3A_2 = arith.constant 0 : index
    %get3A_3 = arith.constant 0 : index
    %get3A_4 = vector.load %arg2[%get3A_2, %get3A_3] : memref<2000x128xf32, #tpu.memory_space<vmem>>, vector<2000x3xf32>
    %sub3A = arith.subf %get3A_1, %get3A_4 : vector<2000x3xf32>
    %get3A_5 = arith.constant 0 : index
    %get3A_6 = arith.constant 0 : index
    %get3A_7 = vector.load %arg3[%get3A_5, %get3A_6] : memref<2000x3xf32, #tpu.memory_space<vmem>>, vector<2000x3xf32>
    %add3A = arith.addf %sub3A, %get3A_7 : vector<2000x3xf32>
    %slice3A = vector.extract_strided_slice %add3A {offsets = [0, 0], sizes = [2000, 1], strides = [1, 1]} : vector<2000x3xf32> to vector<2000x1xf32>
    %div3A = arith.constant 5.000000e+00 : f32
    %div3A_8 = vector.broadcast %div3A : f32 to vector<2000x1xf32>
    %div3A_9 = arith.divf %slice3A, %div3A_8 : vector<2000x1xf32>
    %slice3A_10 = vector.extract_strided_slice %add3A {offsets = [0, 1], sizes = [2000, 1], strides = [1, 1]} : vector<2000x3xf32> to vector<2000x1xf32>
    %div3A_11 = arith.constant 5.000000e+00 : f32
    %div3A_12 = vector.broadcast %div3A_11 : f32 to vector<2000x1xf32>
    %div3A_13 = arith.divf %slice3A_10, %div3A_12 : vector<2000x1xf32>
    %slice3A_14 = vector.extract_strided_slice %add3A {offsets = [0, 2], sizes = [2000, 1], strides = [1, 1]} : vector<2000x3xf32> to vector<2000x1xf32>
    %div3A_15 = arith.constant 5.000000e+00 : f32
    %div3A_16 = vector.broadcast %div3A_15 : f32 to vector<2000x1xf32>
    %div3A_17 = arith.divf %slice3A_14, %div3A_16 : vector<2000x1xf32>
    %mul3A = arith.mulf %div3A_9, %div3A_9 : vector<2000x1xf32>
    %mul3A_18 = arith.mulf %div3A_13, %div3A_13 : vector<2000x1xf32>
    %add3A_19 = arith.addf %mul3A, %mul3A_18 : vector<2000x1xf32>
    %mul3A_20 = arith.mulf %div3A_17, %div3A_17 : vector<2000x1xf32>
    %add3A_21 = arith.addf %add3A_19, %mul3A_20 : vector<2000x1xf32>
    %sqrt3A = math.sqrt %add3A_21 : vector<2000x1xf32>
    %mul3A_22 = arith.constant 5.000000e+00 : f32
    %mul3A_23 = vector.broadcast %mul3A_22 : f32 to vector<2000x1xf32>
    %mul3A_24 = arith.mulf %sqrt3A, %mul3A_23 : vector<2000x1xf32>
    %jit3A = arith.constant 0.000000e+00 : f32
    %jit3A_25 = arith.constant 5.000000e+00 : f32
    %max3A = vector.broadcast %jit3A : f32 to vector<2000x1xf32>
    %max3A_26 = arith.maximumf %max3A, %mul3A_24 : vector<2000x1xf32>
    %min3A = vector.broadcast %jit3A_25 : f32 to vector<2000x1xf32>
    %min3A_27 = arith.minimumf %min3A, %max3A_26 : vector<2000x1xf32>
    %mul3A_28 = arith.constant 3.14159274 : f32
    %mul3A_29 = vector.broadcast %mul3A_28 : f32 to vector<2000x1xf32>
    %mul3A_30 = arith.mulf %mul3A_29, %min3A_27 : vector<2000x1xf32>
    %div3A_31 = arith.constant 5.000000e+00 : f32
    %div3A_32 = vector.broadcast %div3A_31 : f32 to vector<2000x1xf32>
    %div3A_33 = arith.divf %mul3A_30, %div3A_32 : vector<2000x1xf32>
    %cos3A = math.cos %div3A_33 : vector<2000x1xf32>
    %add3A_34 = arith.constant 1.000000e+00 : f32
    %add3A_35 = vector.broadcast %add3A_34 : f32 to vector<2000x1xf32>
    %add3A_36 = arith.addf %cos3A, %add3A_35 : vector<2000x1xf32>
    %mul3A_37 = arith.constant 5.000000e-01 : f32
    %mul3A_38 = vector.broadcast %mul3A_37 : f32 to vector<2000x1xf32>
    %mul3A_39 = arith.mulf %mul3A_38, %add3A_36 : vector<2000x1xf32>
    %get3A_40 = arith.constant 0 : index
    %get3A_41 = arith.constant 0 : index
    %get3A_42 = vector.load %arg4[%get3A_40, %get3A_41] : memref<1x8xf32, #tpu.memory_space<vmem>>, vector<1x8xf32>
    %abs3A = math.absf %get3A_42 : vector<1x8xf32>
    %neg3A = arith.constant 0.000000e+00 : f32
    %neg3A_43 = vector.broadcast %neg3A : f32 to vector<1x8xf32>
    %neg3A_44 = arith.subf %neg3A_43, %abs3A : vector<1x8xf32>
    %get3A_45 = arith.constant 0 : index
    %get3A_46 = arith.constant 0 : index
    %get3A_47 = vector.load %arg5[%get3A_45, %get3A_46] : memref<1x8xf32, #tpu.memory_space<vmem>>, vector<1x8xf32>
    %sub3A_48 = vector.broadcast %mul3A_24 : vector<2000x1xf32> to vector<2000x8xf32>
    %sub3A_49 = vector.broadcast %get3A_47 : vector<1x8xf32> to vector<2000x8xf32>
    %sub3A_50 = arith.subf %sub3A_48, %sub3A_49 : vector<2000x8xf32>
    %integer_pow3A = arith.mulf %sub3A_50, %sub3A_50 : vector<2000x8xf32>
    %mul3A_51 = vector.broadcast %neg3A_44 : vector<1x8xf32> to vector<2000x8xf32>
    %mul3A_52 = arith.mulf %mul3A_51, %integer_pow3A : vector<2000x8xf32>
    %exp3A = math.exp %mul3A_52 : vector<2000x8xf32>
    %mul3A_53 = vector.broadcast %mul3A_39 : vector<2000x1xf32> to vector<2000x8xf32>
    %mul3A_54 = arith.mulf %exp3A, %mul3A_53 : vector<2000x8xf32>
    %swap3A = arith.constant 0 : index
    %swap3A_55 = arith.constant 0 : index
    %swap3A_56 = vector.load %arg6[%swap3A, %swap3A_55] : memref<2000x8xf32, #tpu.memory_space<vmem>>, vector<2000x8xf32>
    tpu.vector_store %arg6[%swap3A, %swap3A_55], %mul3A_54 {strides = array<i32>} : memref<2000x8xf32, #tpu.memory_space<vmem>>, vector<2000x8xf32>,
    %broadcast_in_dim3A = arith.constant 1.000000e+00 : f32
    %broadcast_in_dim3A_57 = vector.broadcast %broadcast_in_dim3A : f32 to vector<2000x1xf32>
    %mul3A_58 = arith.mulf %div3A_9, %div3A_13 : vector<2000x1xf32>
    %mul3A_59 = arith.mulf %div3A_13, %div3A_17 : vector<2000x1xf32>
    %mul3A_60 = arith.constant 3.000000e+00 : f32
    %mul3A_61 = vector.broadcast %mul3A_60 : f32 to vector<2000x1xf32>
    %mul3A_62 = arith.mulf %mul3A_61, %div3A_17 : vector<2000x1xf32>
    %mul3A_63 = arith.mulf %mul3A_62, %div3A_17 : vector<2000x1xf32>
    %sub3A_64 = arith.subf %mul3A_63, %add3A_21 : vector<2000x1xf32>
    %mul3A_65 = arith.mulf %div3A_9, %div3A_17 : vector<2000x1xf32>
    %mul3A_66 = arith.mulf %div3A_9, %div3A_9 : vector<2000x1xf32>
    %mul3A_67 = arith.mulf %div3A_13, %div3A_13 : vector<2000x1xf32>
    %sub3A_68 = arith.subf %mul3A_66, %mul3A_67 : vector<2000x1xf32>
    %concatenate3A = tpu.concatenate %broadcast_in_dim3A_57, %div3A_13, %div3A_17, %div3A_9, %mul3A_58, %mul3A_59, %sub3A_64, %mul3A_65, %sub3A_68 in 1 : vector<2000x1xf32>, vector<2000x1xf32>, vector<2000x1xf32>, vector<2000x1xf32>, vector<2000x1xf32>, vector<2000x1xf32>, vector<2000x1xf32>, vector<2000x1xf32>, vector<2000x1xf32> -> vector<2000x9xf32>
    %swap3A_69 = arith.constant 0 : index
    %swap3A_70 = arith.constant 0 : index
    %swap3A_71 = vector.load %arg7[%swap3A_69, %swap3A_70] : memref<2000x9xf32, #tpu.memory_space<vmem>>, vector<2000x9xf32>
    tpu.vector_store %arg7[%swap3A_69, %swap3A_70], %concatenate3A {strides = array<i32>} : memref<2000x9xf32, #tpu.memory_space<vmem>>, vector<2000x9xf32>,
    return
  }
  func.func @transform_0(%arg0: i32) -> (i32, i32) {
    %c0_i32 = arith.constant 0 : i32
    %c0_i32_0 = arith.constant 0 : i32
    return %arg0, %c0_i32 : i32, i32
  }
  func.func @transform_1(%arg0: i32) -> (i32, i32) {
    %c0_i32 = arith.constant 0 : i32
    %c0_i32_0 = arith.constant 0 : i32
    return %arg0, %c0_i32 : i32, i32
  }
  func.func @transform_2(%arg0: i32) -> (i32, i32) {
    %c0_i32 = arith.constant 0 : i32
    %c0_i32_0 = arith.constant 0 : i32
    return %arg0, %c0_i32 : i32, i32
  }
  func.func @transform_3(%arg0: i32) -> (i32, i32) {
    %c0_i32 = arith.constant 0 : i32
    %c0_i32_0 = arith.constant 0 : i32
    %c0_i32_1 = arith.constant 0 : i32
    return %c0_i32, %c0_i32_0 : i32, i32
  }
  func.func @transform_4(%arg0: i32) -> (i32, i32) {
    %c0_i32 = arith.constant 0 : i32
    %c0_i32_0 = arith.constant 0 : i32
    %c0_i32_1 = arith.constant 0 : i32
    return %c0_i32, %c0_i32_0 : i32, i32
  }
  func.func @transform_5(%arg0: i32) -> (i32, i32) {
    %c0_i32 = arith.constant 0 : i32
    %c0_i32_0 = arith.constant 0 : i32
    return %arg0, %c0_i32 : i32, i32
  }
  func.func @transform_6(%arg0: i32) -> (i32, i32) {
    %c0_i32 = arith.constant 0 : i32
    %c0_i32_0 = arith.constant 0 : i32
    return %arg0, %c0_i32 : i32, i32
  }
}

module attributes {stable_mosaic.version = 14 : i64} {
  func.func @body(%arg0: i32, %arg1: memref<81xi32, #tpu.memory_space<smem>>, %arg2: memref<1x320000xi32, #tpu.memory_space<any>>, %arg3: memref<320000x72xf32, #tpu.memory_space<any>>, %arg4: memref<128x72xf32, #tpu.memory_space<vmem>>, %arg5: memref<1x512xi32, #tpu.memory_space<vmem>>, %arg6: memref<512x72xf32, #tpu.memory_space<vmem>>, %arg7: memref<128x72xf32, #tpu.memory_space<vmem>>, %arg8: memref<!tpu.dma_semaphore, #tpu.memory_space<semaphore_mem>>, %arg9: memref<!tpu.dma_semaphore, #tpu.memory_space<semaphore_mem>>) attributes {dimension_semantics = [#tpu.dimension_semantics<arbitrary>], iteration_bounds = array<i64: 80>, scalar_prefetch = 1 : i64, scratch_operands = 5 : i64, tpu.core_type = #tpu.core_type<tc>, window_params = [{}, {}, {transform_indices = @transform_2, window_bounds = array<i64: 128, 72>}]} {
    %get3A = arith.index_cast %arg0 : i32 to index
    %get3A_0 = memref.load %arg1[%get3A] : memref<81xi32, #tpu.memory_space<smem>>
    %add3A = arith.constant 1 : i32
    %add3A_1 = arith.addi %arg0, %add3A : i32
    %get3A_2 = arith.index_cast %add3A_1 : i32 to index
    %get3A_3 = memref.load %arg1[%get3A_2] : memref<81xi32, #tpu.memory_space<smem>>
    %jit3A = arith.constant 512 : i32
    %div3A = arith.divsi %get3A_0, %jit3A : i32
    %sign3A = arith.constant 0 : i32
    %sign3A_4 = arith.cmpi sgt, %get3A_0, %sign3A : i32
    %sign3A_5 = arith.extui %sign3A_4 : i1 to i32
    %sign3A_6 = arith.constant 0 : i32
    %sign3A_7 = arith.cmpi slt, %get3A_0, %sign3A_6 : i32
    %sign3A_8 = arith.extui %sign3A_7 : i1 to i32
    %sign3A_9 = arith.subi %sign3A_5, %sign3A_8 : i32
    %sign3A_10 = arith.constant 0 : i32
    %sign3A_11 = arith.cmpi sgt, %jit3A, %sign3A_10 : i32
    %sign3A_12 = arith.extui %sign3A_11 : i1 to i32
    %sign3A_13 = arith.constant 0 : i32
    %sign3A_14 = arith.cmpi slt, %jit3A, %sign3A_13 : i32
    %sign3A_15 = arith.extui %sign3A_14 : i1 to i32
    %sign3A_16 = arith.subi %sign3A_12, %sign3A_15 : i32
    %ne3A = arith.cmpi ne, %sign3A_9, %sign3A_16 : i32
    %rem3A = arith.remsi %get3A_0, %jit3A : i32
    %ne3A_17 = arith.constant 0 : i32
    %ne3A_18 = arith.cmpi ne, %rem3A, %ne3A_17 : i32
    %and3A = arith.andi %ne3A, %ne3A_18 : i1
    %sub3A = arith.constant 1 : i32
    %sub3A_19 = arith.subi %div3A, %sub3A : i32
    %select_n3A = arith.select %and3A, %sub3A_19, %div3A : i32
    %add3A_20 = arith.constant 512 : i32
    %add3A_21 = arith.addi %get3A_3, %add3A_20 : i32
    %sub3A_22 = arith.constant 1 : i32
    %sub3A_23 = arith.subi %add3A_21, %sub3A_22 : i32
    %div3A_24 = arith.constant 512 : i32
    %div3A_25 = arith.divsi %sub3A_23, %div3A_24 : i32
    %iota3A = tpu.iota {dimensions = array<i32: 0>} : vector<128x512xi32>
    %mul3A = arith.constant 128 : i32
    %mul3A_26 = arith.muli %arg0, %mul3A : i32
    %add3A_27 = vector.broadcast %mul3A_26 : i32 to vector<128x512xi32>
    %add3A_28 = arith.addi %iota3A, %add3A_27 : vector<128x512xi32>
    %broadcast_in_dim3A = arith.constant 0.000000e+00 : f32
    %broadcast_in_dim3A_29 = vector.broadcast %broadcast_in_dim3A : f32 to vector<128x72xf32>
    %swap3A = arith.constant 0 : index
    %swap3A_30 = arith.constant 0 : index
    %swap3A_31 = vector.load %arg7[%swap3A, %swap3A_30] : memref<128x72xf32, #tpu.memory_space<vmem>>, vector<128x72xf32>
    tpu.vector_store %arg7[%swap3A, %swap3A_30], %broadcast_in_dim3A_29 {strides = array<i32>} : memref<128x72xf32, #tpu.memory_space<vmem>>, vector<128x72xf32>,
    %while3A = arith.constant 0 : i32
    %while3A_32 = arith.subi %div3A_25, %select_n3A : i32
    %while3A_33 = arith.addi %select_n3A, %while3A_32 : i32
    %while3A_34 = arith.constant 1 : i32
    %while3A_35 = arith.divsi %while3A_32, %while3A_34 : i32
    %while3A_36 = arith.muli %while3A_35, %while3A_34 : i32
    %while3A_37 = arith.addi %select_n3A, %while3A_36 : i32
    %while3A_38 = arith.constant 1 : i32
    scf.for %while3A_46 = %select_n3A to %while3A_37 step %while3A_38  : i32 {
      %mul3A_47 = arith.constant 512 : i32
      %mul3A_48 = arith.muli %while3A_46, %mul3A_47 : i32
      %mul3A_49 = arith.constant 512 : i32
      %mul3A_50 = arith.muli %while3A_46, %mul3A_49 : i32
      %dma_start3A = arith.constant 0 : i32
      %dma_start3A_51 = tpu.memref_slice %arg2[%dma_start3A, %mul3A_48] : memref<1x320000xi32, #tpu.memory_space<any>> -> memref<1x512xi32, #tpu.memory_space<any>>
      tpu.enqueue_dma source(%dma_start3A_51 : memref<1x512xi32, #tpu.memory_space<any>>) target(%arg5 : memref<1x512xi32, #tpu.memory_space<vmem>>) target_semaphore(%arg8 : memref<!tpu.dma_semaphore, #tpu.memory_space<semaphore_mem>>)
      %dma_start3A_52 = arith.constant 0 : i32
      %dma_start3A_53 = tpu.memref_slice %arg3[%mul3A_50, %dma_start3A_52] : memref<320000x72xf32, #tpu.memory_space<any>> -> memref<512x72xf32, #tpu.memory_space<any>>
      tpu.enqueue_dma source(%dma_start3A_53 : memref<512x72xf32, #tpu.memory_space<any>>) target(%arg6 : memref<512x72xf32, #tpu.memory_space<vmem>>) target_semaphore(%arg9 : memref<!tpu.dma_semaphore, #tpu.memory_space<semaphore_mem>>)
      %dma_wait3A = arith.constant 0 : i32
      %dma_wait3A_54 = tpu.memref_slice %arg2[%dma_wait3A, %mul3A_48] : memref<1x320000xi32, #tpu.memory_space<any>> -> memref<1x512xi32, #tpu.memory_space<any>>
      tpu.wait_dma2 semaphore(%arg8 : memref<!tpu.dma_semaphore, #tpu.memory_space<semaphore_mem>>) src(%dma_wait3A_54 : memref<1x512xi32, #tpu.memory_space<any>>) dst(%arg5 : memref<1x512xi32, #tpu.memory_space<vmem>>)
      %dma_wait3A_55 = arith.constant 0 : i32
      %dma_wait3A_56 = tpu.memref_slice %arg3[%mul3A_50, %dma_wait3A_55] : memref<320000x72xf32, #tpu.memory_space<any>> -> memref<512x72xf32, #tpu.memory_space<any>>
      tpu.wait_dma2 semaphore(%arg9 : memref<!tpu.dma_semaphore, #tpu.memory_space<semaphore_mem>>) src(%dma_wait3A_56 : memref<512x72xf32, #tpu.memory_space<any>>) dst(%arg6 : memref<512x72xf32, #tpu.memory_space<vmem>>)
      %get3A_57 = arith.constant 0 : index
      %get3A_58 = arith.constant 0 : index
      %get3A_59 = vector.load %arg5[%get3A_57, %get3A_58] : memref<1x512xi32, #tpu.memory_space<vmem>>, vector<1x512xi32>
      %eq3A = vector.broadcast %get3A_59 : vector<1x512xi32> to vector<128x512xi32>
      %eq3A_60 = arith.cmpi eq, %add3A_28, %eq3A : vector<128x512xi32>
      %jit3A_61 = arith.constant 1.000000e+00 : f32
      %jit3A_62 = arith.constant 0.000000e+00 : f32
      %broadcast_in_dim3A_63 = vector.broadcast %jit3A_61 : f32 to vector<128x512xf32>
      %broadcast_in_dim3A_64 = vector.broadcast %jit3A_62 : f32 to vector<128x512xf32>
      %select_n3A_65 = arith.select %eq3A_60, %broadcast_in_dim3A_63, %broadcast_in_dim3A_64 : vector<128x512xi1>, vector<128x512xf32>
      %get3A_66 = arith.constant 0 : index
      %get3A_67 = arith.constant 0 : index
      %get3A_68 = vector.load %arg7[%get3A_66, %get3A_67] : memref<128x72xf32, #tpu.memory_space<vmem>>, vector<128x72xf32>
      %get3A_69 = arith.constant 0 : index
      %get3A_70 = arith.constant 0 : index
      %get3A_71 = vector.load %arg6[%get3A_69, %get3A_70] : memref<512x72xf32, #tpu.memory_space<vmem>>, vector<512x72xf32>
      %dot_general3A = arith.constant dense<0.000000e+00> : vector<128x72xf32>
      %dot_general3A_72 = tpu.matmul %select_n3A_65, %get3A_71, %dot_general3A {dimension_numbers = #tpu.dot_dimension_numbers<[1], [0], [0], [1], [0, 0, 1, 1], [], []>, transpose_lhs_hint = false} : vector<128x512xf32>, vector<512x72xf32>, vector<128x72xf32> -> vector<128x72xf32>
      %add3A_73 = arith.addf %get3A_68, %dot_general3A_72 : vector<128x72xf32>
      %swap3A_74 = arith.constant 0 : index
      %swap3A_75 = arith.constant 0 : index
      %swap3A_76 = vector.load %arg7[%swap3A_74, %swap3A_75] : memref<128x72xf32, #tpu.memory_space<vmem>>, vector<128x72xf32>
      tpu.vector_store %arg7[%swap3A_74, %swap3A_75], %add3A_73 {strides = array<i32>} : memref<128x72xf32, #tpu.memory_space<vmem>>, vector<128x72xf32>,
    }
    %while3A_39 = arith.constant 1 : i32
    scf.for %while3A_46 = %while3A_37 to %while3A_33 step %while3A_39  : i32 {
      %mul3A_47 = arith.constant 512 : i32
      %mul3A_48 = arith.muli %while3A_46, %mul3A_47 : i32
      %mul3A_49 = arith.constant 512 : i32
      %mul3A_50 = arith.muli %while3A_46, %mul3A_49 : i32
      %dma_start3A = arith.constant 0 : i32
      %dma_start3A_51 = tpu.memref_slice %arg2[%dma_start3A, %mul3A_48] : memref<1x320000xi32, #tpu.memory_space<any>> -> memref<1x512xi32, #tpu.memory_space<any>>
      tpu.enqueue_dma source(%dma_start3A_51 : memref<1x512xi32, #tpu.memory_space<any>>) target(%arg5 : memref<1x512xi32, #tpu.memory_space<vmem>>) target_semaphore(%arg8 : memref<!tpu.dma_semaphore, #tpu.memory_space<semaphore_mem>>)
      %dma_start3A_52 = arith.constant 0 : i32
      %dma_start3A_53 = tpu.memref_slice %arg3[%mul3A_50, %dma_start3A_52] : memref<320000x72xf32, #tpu.memory_space<any>> -> memref<512x72xf32, #tpu.memory_space<any>>
      tpu.enqueue_dma source(%dma_start3A_53 : memref<512x72xf32, #tpu.memory_space<any>>) target(%arg6 : memref<512x72xf32, #tpu.memory_space<vmem>>) target_semaphore(%arg9 : memref<!tpu.dma_semaphore, #tpu.memory_space<semaphore_mem>>)
      %dma_wait3A = arith.constant 0 : i32
      %dma_wait3A_54 = tpu.memref_slice %arg2[%dma_wait3A, %mul3A_48] : memref<1x320000xi32, #tpu.memory_space<any>> -> memref<1x512xi32, #tpu.memory_space<any>>
      tpu.wait_dma2 semaphore(%arg8 : memref<!tpu.dma_semaphore, #tpu.memory_space<semaphore_mem>>) src(%dma_wait3A_54 : memref<1x512xi32, #tpu.memory_space<any>>) dst(%arg5 : memref<1x512xi32, #tpu.memory_space<vmem>>)
      %dma_wait3A_55 = arith.constant 0 : i32
      %dma_wait3A_56 = tpu.memref_slice %arg3[%mul3A_50, %dma_wait3A_55] : memref<320000x72xf32, #tpu.memory_space<any>> -> memref<512x72xf32, #tpu.memory_space<any>>
      tpu.wait_dma2 semaphore(%arg9 : memref<!tpu.dma_semaphore, #tpu.memory_space<semaphore_mem>>) src(%dma_wait3A_56 : memref<512x72xf32, #tpu.memory_space<any>>) dst(%arg6 : memref<512x72xf32, #tpu.memory_space<vmem>>)
      %get3A_57 = arith.constant 0 : index
      %get3A_58 = arith.constant 0 : index
      %get3A_59 = vector.load %arg5[%get3A_57, %get3A_58] : memref<1x512xi32, #tpu.memory_space<vmem>>, vector<1x512xi32>
      %eq3A = vector.broadcast %get3A_59 : vector<1x512xi32> to vector<128x512xi32>
      %eq3A_60 = arith.cmpi eq, %add3A_28, %eq3A : vector<128x512xi32>
      %jit3A_61 = arith.constant 1.000000e+00 : f32
      %jit3A_62 = arith.constant 0.000000e+00 : f32
      %broadcast_in_dim3A_63 = vector.broadcast %jit3A_61 : f32 to vector<128x512xf32>
      %broadcast_in_dim3A_64 = vector.broadcast %jit3A_62 : f32 to vector<128x512xf32>
      %select_n3A_65 = arith.select %eq3A_60, %broadcast_in_dim3A_63, %broadcast_in_dim3A_64 : vector<128x512xi1>, vector<128x512xf32>
      %get3A_66 = arith.constant 0 : index
      %get3A_67 = arith.constant 0 : index
      %get3A_68 = vector.load %arg7[%get3A_66, %get3A_67] : memref<128x72xf32, #tpu.memory_space<vmem>>, vector<128x72xf32>
      %get3A_69 = arith.constant 0 : index
      %get3A_70 = arith.constant 0 : index
      %get3A_71 = vector.load %arg6[%get3A_69, %get3A_70] : memref<512x72xf32, #tpu.memory_space<vmem>>, vector<512x72xf32>
      %dot_general3A = arith.constant dense<0.000000e+00> : vector<128x72xf32>
      %dot_general3A_72 = tpu.matmul %select_n3A_65, %get3A_71, %dot_general3A {dimension_numbers = #tpu.dot_dimension_numbers<[1], [0], [0], [1], [0, 0, 1, 1], [], []>, transpose_lhs_hint = false} : vector<128x512xf32>, vector<512x72xf32>, vector<128x72xf32> -> vector<128x72xf32>
      %add3A_73 = arith.addf %get3A_68, %dot_general3A_72 : vector<128x72xf32>
      %swap3A_74 = arith.constant 0 : index
      %swap3A_75 = arith.constant 0 : index
      %swap3A_76 = vector.load %arg7[%swap3A_74, %swap3A_75] : memref<128x72xf32, #tpu.memory_space<vmem>>, vector<128x72xf32>
      tpu.vector_store %arg7[%swap3A_74, %swap3A_75], %add3A_73 {strides = array<i32>} : memref<128x72xf32, #tpu.memory_space<vmem>>, vector<128x72xf32>,
    }
    %get3A_40 = arith.constant 0 : index
    %get3A_41 = arith.constant 0 : index
    %get3A_42 = vector.load %arg7[%get3A_40, %get3A_41] : memref<128x72xf32, #tpu.memory_space<vmem>>, vector<128x72xf32>
    %swap3A_43 = arith.constant 0 : index
    %swap3A_44 = arith.constant 0 : index
    %swap3A_45 = vector.load %arg4[%swap3A_43, %swap3A_44] : memref<128x72xf32, #tpu.memory_space<vmem>>, vector<128x72xf32>
    tpu.vector_store %arg4[%swap3A_43, %swap3A_44], %get3A_42 {strides = array<i32>} : memref<128x72xf32, #tpu.memory_space<vmem>>, vector<128x72xf32>,
    return
  }
  func.func @transform_2(%arg0: i32, %arg1: memref<81xi32, #tpu.memory_space<smem>>) -> (i32, i32) {
    %c0_i32 = arith.constant 0 : i32
    %c0_i32_0 = arith.constant 0 : i32
    return %arg0, %c0_i32 : i32, i32
  }
}

module attributes {stable_mosaic.version = 14 : i64} {
  func.func @body(%arg0: i32, %arg1: memref<1024x72xf32, #tpu.memory_space<vmem>>, %arg2: memref<1024x24xf32, #tpu.memory_space<vmem>>, %arg3: memref<72x24xf32, #tpu.memory_space<vmem>>, %arg4: memref<24x64xf32, #tpu.memory_space<vmem>>, %arg5: memref<1x64xf32, #tpu.memory_space<vmem>>, %arg6: memref<64x64xf32, #tpu.memory_space<vmem>>, %arg7: memref<1x64xf32, #tpu.memory_space<vmem>>, %arg8: memref<64x8xf32, #tpu.memory_space<vmem>>, %arg9: memref<1x8xf32, #tpu.memory_space<vmem>>, %arg10: memref<1024x24xf32, #tpu.memory_space<vmem>>, %arg11: memref<1024x8xf32, #tpu.memory_space<vmem>>) attributes {dimension_semantics = [#tpu.dimension_semantics<arbitrary>], iteration_bounds = array<i64: 10>, scalar_prefetch = 0 : i64, scratch_operands = 0 : i64, tpu.core_type = #tpu.core_type<tc>, window_params = [{transform_indices = @transform_0, window_bounds = array<i64: 1024, 72>}, {transform_indices = @transform_1, window_bounds = array<i64: 1024, 24>}, {pipeline_mode = #tpu.pipeline_mode<synchronous>, transform_indices = @transform_2, window_bounds = array<i64: 72, 24>}, {pipeline_mode = #tpu.pipeline_mode<synchronous>, transform_indices = @transform_3, window_bounds = array<i64: 24, 64>}, {pipeline_mode = #tpu.pipeline_mode<synchronous>, transform_indices = @transform_4, window_bounds = array<i64: 1, 64>}, {pipeline_mode = #tpu.pipeline_mode<synchronous>, transform_indices = @transform_5, window_bounds = array<i64: 64, 64>}, {pipeline_mode = #tpu.pipeline_mode<synchronous>, transform_indices = @transform_6, window_bounds = array<i64: 1, 64>}, {pipeline_mode = #tpu.pipeline_mode<synchronous>, transform_indices = @transform_7, window_bounds = array<i64: 64, 8>}, {pipeline_mode = #tpu.pipeline_mode<synchronous>, transform_indices = @transform_8, window_bounds = array<i64: 1, 8>}, {transform_indices = @transform_9, window_bounds = array<i64: 1024, 24>}, {transform_indices = @transform_10, window_bounds = array<i64: 1024, 8>}]} {
    %get3A = arith.constant 0 : index
    %get3A_0 = arith.constant 0 : index
    %get3A_1 = vector.load %arg1[%get3A, %get3A_0] : memref<1024x72xf32, #tpu.memory_space<vmem>>, vector<1024x72xf32>
    %get3A_2 = arith.constant 0 : index
    %get3A_3 = arith.constant 0 : index
    %get3A_4 = vector.load %arg2[%get3A_2, %get3A_3] : memref<1024x24xf32, #tpu.memory_space<vmem>>, vector<1024x24xf32>
    %mul3A = arith.mulf %get3A_1, %get3A_1 : vector<1024x72xf32>
    %get3A_5 = arith.constant 0 : index
    %get3A_6 = arith.constant 0 : index
    %get3A_7 = vector.load %arg3[%get3A_5, %get3A_6] : memref<72x24xf32, #tpu.memory_space<vmem>>, vector<72x24xf32>
    %dot_general3A = arith.constant dense<0.000000e+00> : vector<1024x24xf32>
    %dot_general3A_8 = tpu.matmul %mul3A, %get3A_7, %dot_general3A {dimension_numbers = #tpu.dot_dimension_numbers<[1], [0], [0], [1], [0, 0, 1, 1], [], []>, transpose_lhs_hint = false} : vector<1024x72xf32>, vector<72x24xf32>, vector<1024x24xf32> -> vector<1024x24xf32>
    %add3A = arith.addf %get3A_4, %dot_general3A_8 : vector<1024x24xf32>
    %swap3A = arith.constant 0 : index
    %swap3A_9 = arith.constant 0 : index
    %swap3A_10 = vector.load %arg10[%swap3A, %swap3A_9] : memref<1024x24xf32, #tpu.memory_space<vmem>>, vector<1024x24xf32>
    tpu.vector_store %arg10[%swap3A, %swap3A_9], %add3A {strides = array<i32>} : memref<1024x24xf32, #tpu.memory_space<vmem>>, vector<1024x24xf32>,
    %get3A_11 = arith.constant 0 : index
    %get3A_12 = arith.constant 0 : index
    %get3A_13 = vector.load %arg10[%get3A_11, %get3A_12] : memref<1024x24xf32, #tpu.memory_space<vmem>>, vector<1024x24xf32>
    %get3A_14 = arith.constant 0 : index
    %get3A_15 = arith.constant 0 : index
    %get3A_16 = vector.load %arg4[%get3A_14, %get3A_15] : memref<24x64xf32, #tpu.memory_space<vmem>>, vector<24x64xf32>
    %dot_general3A_17 = arith.constant dense<0.000000e+00> : vector<1024x64xf32>
    %dot_general3A_18 = tpu.matmul %get3A_13, %get3A_16, %dot_general3A_17 {dimension_numbers = #tpu.dot_dimension_numbers<[1], [0], [0], [1], [0, 0, 1, 1], [], []>, transpose_lhs_hint = false} : vector<1024x24xf32>, vector<24x64xf32>, vector<1024x64xf32> -> vector<1024x64xf32>
    %get3A_19 = arith.constant 0 : index
    %get3A_20 = arith.constant 0 : index
    %get3A_21 = vector.load %arg5[%get3A_19, %get3A_20] : memref<1x64xf32, #tpu.memory_space<vmem>>, vector<1x64xf32>
    %add3A_22 = vector.broadcast %get3A_21 : vector<1x64xf32> to vector<1024x64xf32>
    %add3A_23 = arith.addf %dot_general3A_18, %add3A_22 : vector<1024x64xf32>
    %logistic3A = arith.negf %add3A_23 : vector<1024x64xf32>
    %logistic3A_24 = math.exp %logistic3A : vector<1024x64xf32>
    %logistic3A_25 = arith.constant 1.000000e+00 : f32
    %logistic3A_26 = vector.broadcast %logistic3A_25 : f32 to vector<1024x64xf32>
    %logistic3A_27 = arith.addf %logistic3A_26, %logistic3A_24 : vector<1024x64xf32>
    %logistic3A_28 = arith.divf %logistic3A_26, %logistic3A_27 : vector<1024x64xf32>
    %mul3A_29 = arith.mulf %add3A_23, %logistic3A_28 : vector<1024x64xf32>
    %get3A_30 = arith.constant 0 : index
    %get3A_31 = arith.constant 0 : index
    %get3A_32 = vector.load %arg6[%get3A_30, %get3A_31] : memref<64x64xf32, #tpu.memory_space<vmem>>, vector<64x64xf32>
    %dot_general3A_33 = arith.constant dense<0.000000e+00> : vector<1024x64xf32>
    %dot_general3A_34 = tpu.matmul %mul3A_29, %get3A_32, %dot_general3A_33 {dimension_numbers = #tpu.dot_dimension_numbers<[1], [0], [0], [1], [0, 0, 1, 1], [], []>, transpose_lhs_hint = false} : vector<1024x64xf32>, vector<64x64xf32>, vector<1024x64xf32> -> vector<1024x64xf32>
    %get3A_35 = arith.constant 0 : index
    %get3A_36 = arith.constant 0 : index
    %get3A_37 = vector.load %arg7[%get3A_35, %get3A_36] : memref<1x64xf32, #tpu.memory_space<vmem>>, vector<1x64xf32>
    %add3A_38 = vector.broadcast %get3A_37 : vector<1x64xf32> to vector<1024x64xf32>
    %add3A_39 = arith.addf %dot_general3A_34, %add3A_38 : vector<1024x64xf32>
    %logistic3A_40 = arith.negf %add3A_39 : vector<1024x64xf32>
    %logistic3A_41 = math.exp %logistic3A_40 : vector<1024x64xf32>
    %logistic3A_42 = arith.constant 1.000000e+00 : f32
    %logistic3A_43 = vector.broadcast %logistic3A_42 : f32 to vector<1024x64xf32>
    %logistic3A_44 = arith.addf %logistic3A_43, %logistic3A_41 : vector<1024x64xf32>
    %logistic3A_45 = arith.divf %logistic3A_43, %logistic3A_44 : vector<1024x64xf32>
    %mul3A_46 = arith.mulf %add3A_39, %logistic3A_45 : vector<1024x64xf32>
    %get3A_47 = arith.constant 0 : index
    %get3A_48 = arith.constant 0 : index
    %get3A_49 = vector.load %arg8[%get3A_47, %get3A_48] : memref<64x8xf32, #tpu.memory_space<vmem>>, vector<64x8xf32>
    %dot_general3A_50 = arith.constant dense<0.000000e+00> : vector<1024x8xf32>
    %dot_general3A_51 = tpu.matmul %mul3A_46, %get3A_49, %dot_general3A_50 {dimension_numbers = #tpu.dot_dimension_numbers<[1], [0], [0], [1], [0, 0, 1, 1], [], []>, transpose_lhs_hint = false} : vector<1024x64xf32>, vector<64x8xf32>, vector<1024x8xf32> -> vector<1024x8xf32>
    %get3A_52 = arith.constant 0 : index
    %get3A_53 = arith.constant 0 : index
    %get3A_54 = vector.load %arg9[%get3A_52, %get3A_53] : memref<1x8xf32, #tpu.memory_space<vmem>>, vector<1x8xf32>
    %add3A_55 = vector.broadcast %get3A_54 : vector<1x8xf32> to vector<1024x8xf32>
    %add3A_56 = arith.addf %dot_general3A_51, %add3A_55 : vector<1024x8xf32>
    %swap3A_57 = arith.constant 0 : index
    %swap3A_58 = arith.constant 0 : index
    %swap3A_59 = vector.load %arg11[%swap3A_57, %swap3A_58] : memref<1024x8xf32, #tpu.memory_space<vmem>>, vector<1024x8xf32>
    tpu.vector_store %arg11[%swap3A_57, %swap3A_58], %add3A_56 {strides = array<i32>} : memref<1024x8xf32, #tpu.memory_space<vmem>>, vector<1024x8xf32>,
    return
  }
  func.func @transform_0(%arg0: i32) -> (i32, i32) {
    %c0_i32 = arith.constant 0 : i32
    %c0_i32_0 = arith.constant 0 : i32
    return %arg0, %c0_i32 : i32, i32
  }
  func.func @transform_1(%arg0: i32) -> (i32, i32) {
    %c0_i32 = arith.constant 0 : i32
    %c0_i32_0 = arith.constant 0 : i32
    return %arg0, %c0_i32 : i32, i32
  }
  func.func @transform_2(%arg0: i32) -> (i32, i32) {
    %c0_i32 = arith.constant 0 : i32
    %c0_i32_0 = arith.constant 0 : i32
    %c0_i32_1 = arith.constant 0 : i32
    return %c0_i32, %c0_i32_0 : i32, i32
  }
  func.func @transform_3(%arg0: i32) -> (i32, i32) {
    %c0_i32 = arith.constant 0 : i32
    %c0_i32_0 = arith.constant 0 : i32
    %c0_i32_1 = arith.constant 0 : i32
    return %c0_i32, %c0_i32_0 : i32, i32
  }
  func.func @transform_4(%arg0: i32) -> (i32, i32) {
    %c0_i32 = arith.constant 0 : i32
    %c0_i32_0 = arith.constant 0 : i32
    %c0_i32_1 = arith.constant 0 : i32
    return %c0_i32, %c0_i32_0 : i32, i32
  }
  func.func @transform_5(%arg0: i32) -> (i32, i32) {
    %c0_i32 = arith.constant 0 : i32
    %c0_i32_0 = arith.constant 0 : i32
    %c0_i32_1 = arith.constant 0 : i32
    return %c0_i32, %c0_i32_0 : i32, i32
  }
  func.func @transform_6(%arg0: i32) -> (i32, i32) {
    %c0_i32 = arith.constant 0 : i32
    %c0_i32_0 = arith.constant 0 : i32
    %c0_i32_1 = arith.constant 0 : i32
    return %c0_i32, %c0_i32_0 : i32, i32
  }
  func.func @transform_7(%arg0: i32) -> (i32, i32) {
    %c0_i32 = arith.constant 0 : i32
    %c0_i32_0 = arith.constant 0 : i32
    %c0_i32_1 = arith.constant 0 : i32
    return %c0_i32, %c0_i32_0 : i32, i32
  }
  func.func @transform_8(%arg0: i32) -> (i32, i32) {
    %c0_i32 = arith.constant 0 : i32
    %c0_i32_0 = arith.constant 0 : i32
    %c0_i32_1 = arith.constant 0 : i32
    return %c0_i32, %c0_i32_0 : i32, i32
  }
  func.func @transform_9(%arg0: i32) -> (i32, i32) {
    %c0_i32 = arith.constant 0 : i32
    %c0_i32_0 = arith.constant 0 : i32
    return %arg0, %c0_i32 : i32, i32
  }
  func.func @transform_10(%arg0: i32) -> (i32, i32) {
    %c0_i32 = arith.constant 0 : i32
    %c0_i32_0 = arith.constant 0 : i32
    return %arg0, %c0_i32 : i32, i32
  }
}

module attributes {stable_mosaic.version = 14 : i64} {
  func.func @body(%arg0: i32, %arg1: memref<1024x72xf32, #tpu.memory_space<vmem>>, %arg2: memref<1024x24xf32, #tpu.memory_space<vmem>>, %arg3: memref<72x24xf32, #tpu.memory_space<vmem>>, %arg4: memref<24x64xf32, #tpu.memory_space<vmem>>, %arg5: memref<1x64xf32, #tpu.memory_space<vmem>>, %arg6: memref<64x64xf32, #tpu.memory_space<vmem>>, %arg7: memref<1x64xf32, #tpu.memory_space<vmem>>, %arg8: memref<64x1xf32, #tpu.memory_space<vmem>>, %arg9: memref<1x1xf32, #tpu.memory_space<vmem>>, %arg10: memref<1x1xf32, #tpu.memory_space<vmem>>, %arg11: memref<1024x24xf32, #tpu.memory_space<vmem>>) attributes {dimension_semantics = [#tpu.dimension_semantics<arbitrary>], iteration_bounds = array<i64: 10>, scalar_prefetch = 0 : i64, scratch_operands = 0 : i64, tpu.core_type = #tpu.core_type<tc>, window_params = [{transform_indices = @transform_0, window_bounds = array<i64: 1024, 72>}, {transform_indices = @transform_1, window_bounds = array<i64: 1024, 24>}, {pipeline_mode = #tpu.pipeline_mode<synchronous>, transform_indices = @transform_2, window_bounds = array<i64: 72, 24>}, {pipeline_mode = #tpu.pipeline_mode<synchronous>, transform_indices = @transform_3, window_bounds = array<i64: 24, 64>}, {pipeline_mode = #tpu.pipeline_mode<synchronous>, transform_indices = @transform_4, window_bounds = array<i64: 1, 64>}, {pipeline_mode = #tpu.pipeline_mode<synchronous>, transform_indices = @transform_5, window_bounds = array<i64: 64, 64>}, {pipeline_mode = #tpu.pipeline_mode<synchronous>, transform_indices = @transform_6, window_bounds = array<i64: 1, 64>}, {pipeline_mode = #tpu.pipeline_mode<synchronous>, transform_indices = @transform_7, window_bounds = array<i64: 64, 1>}, {pipeline_mode = #tpu.pipeline_mode<synchronous>, transform_indices = @transform_8, window_bounds = array<i64: 1, 1>}, {pipeline_mode = #tpu.pipeline_mode<synchronous>, transform_indices = @transform_9, window_bounds = array<i64: 1, 1>}, {transform_indices = @transform_10, window_bounds = array<i64: 1024, 24>}]} {
    %get3A = arith.constant 0 : index
    %get3A_0 = arith.constant 0 : index
    %get3A_1 = vector.load %arg1[%get3A, %get3A_0] : memref<1024x72xf32, #tpu.memory_space<vmem>>, vector<1024x72xf32>
    %get3A_2 = arith.constant 0 : index
    %get3A_3 = arith.constant 0 : index
    %get3A_4 = vector.load %arg2[%get3A_2, %get3A_3] : memref<1024x24xf32, #tpu.memory_space<vmem>>, vector<1024x24xf32>
    %mul3A = arith.mulf %get3A_1, %get3A_1 : vector<1024x72xf32>
    %get3A_5 = arith.constant 0 : index
    %get3A_6 = arith.constant 0 : index
    %get3A_7 = vector.load %arg3[%get3A_5, %get3A_6] : memref<72x24xf32, #tpu.memory_space<vmem>>, vector<72x24xf32>
    %dot_general3A = arith.constant dense<0.000000e+00> : vector<1024x24xf32>
    %dot_general3A_8 = tpu.matmul %mul3A, %get3A_7, %dot_general3A {dimension_numbers = #tpu.dot_dimension_numbers<[1], [0], [0], [1], [0, 0, 1, 1], [], []>, transpose_lhs_hint = false} : vector<1024x72xf32>, vector<72x24xf32>, vector<1024x24xf32> -> vector<1024x24xf32>
    %add3A = arith.addf %get3A_4, %dot_general3A_8 : vector<1024x24xf32>
    %swap3A = arith.constant 0 : index
    %swap3A_9 = arith.constant 0 : index
    %swap3A_10 = vector.load %arg11[%swap3A, %swap3A_9] : memref<1024x24xf32, #tpu.memory_space<vmem>>, vector<1024x24xf32>
    tpu.vector_store %arg11[%swap3A, %swap3A_9], %add3A {strides = array<i32>} : memref<1024x24xf32, #tpu.memory_space<vmem>>, vector<1024x24xf32>,
    %get3A_11 = arith.constant 0 : index
    %get3A_12 = arith.constant 0 : index
    %get3A_13 = vector.load %arg11[%get3A_11, %get3A_12] : memref<1024x24xf32, #tpu.memory_space<vmem>>, vector<1024x24xf32>
    %get3A_14 = arith.constant 0 : index
    %get3A_15 = arith.constant 0 : index
    %get3A_16 = vector.load %arg4[%get3A_14, %get3A_15] : memref<24x64xf32, #tpu.memory_space<vmem>>, vector<24x64xf32>
    %dot_general3A_17 = arith.constant dense<0.000000e+00> : vector<1024x64xf32>
    %dot_general3A_18 = tpu.matmul %get3A_13, %get3A_16, %dot_general3A_17 {dimension_numbers = #tpu.dot_dimension_numbers<[1], [0], [0], [1], [0, 0, 1, 1], [], []>, transpose_lhs_hint = false} : vector<1024x24xf32>, vector<24x64xf32>, vector<1024x64xf32> -> vector<1024x64xf32>
    %get3A_19 = arith.constant 0 : index
    %get3A_20 = arith.constant 0 : index
    %get3A_21 = vector.load %arg5[%get3A_19, %get3A_20] : memref<1x64xf32, #tpu.memory_space<vmem>>, vector<1x64xf32>
    %add3A_22 = vector.broadcast %get3A_21 : vector<1x64xf32> to vector<1024x64xf32>
    %add3A_23 = arith.addf %dot_general3A_18, %add3A_22 : vector<1024x64xf32>
    %logistic3A = arith.negf %add3A_23 : vector<1024x64xf32>
    %logistic3A_24 = math.exp %logistic3A : vector<1024x64xf32>
    %logistic3A_25 = arith.constant 1.000000e+00 : f32
    %logistic3A_26 = vector.broadcast %logistic3A_25 : f32 to vector<1024x64xf32>
    %logistic3A_27 = arith.addf %logistic3A_26, %logistic3A_24 : vector<1024x64xf32>
    %logistic3A_28 = arith.divf %logistic3A_26, %logistic3A_27 : vector<1024x64xf32>
    %mul3A_29 = arith.mulf %add3A_23, %logistic3A_28 : vector<1024x64xf32>
    %get3A_30 = arith.constant 0 : index
    %get3A_31 = arith.constant 0 : index
    %get3A_32 = vector.load %arg6[%get3A_30, %get3A_31] : memref<64x64xf32, #tpu.memory_space<vmem>>, vector<64x64xf32>
    %dot_general3A_33 = arith.constant dense<0.000000e+00> : vector<1024x64xf32>
    %dot_general3A_34 = tpu.matmul %mul3A_29, %get3A_32, %dot_general3A_33 {dimension_numbers = #tpu.dot_dimension_numbers<[1], [0], [0], [1], [0, 0, 1, 1], [], []>, transpose_lhs_hint = false} : vector<1024x64xf32>, vector<64x64xf32>, vector<1024x64xf32> -> vector<1024x64xf32>
    %get3A_35 = arith.constant 0 : index
    %get3A_36 = arith.constant 0 : index
    %get3A_37 = vector.load %arg7[%get3A_35, %get3A_36] : memref<1x64xf32, #tpu.memory_space<vmem>>, vector<1x64xf32>
    %add3A_38 = vector.broadcast %get3A_37 : vector<1x64xf32> to vector<1024x64xf32>
    %add3A_39 = arith.addf %dot_general3A_34, %add3A_38 : vector<1024x64xf32>
    %logistic3A_40 = arith.negf %add3A_39 : vector<1024x64xf32>
    %logistic3A_41 = math.exp %logistic3A_40 : vector<1024x64xf32>
    %logistic3A_42 = arith.constant 1.000000e+00 : f32
    %logistic3A_43 = vector.broadcast %logistic3A_42 : f32 to vector<1024x64xf32>
    %logistic3A_44 = arith.addf %logistic3A_43, %logistic3A_41 : vector<1024x64xf32>
    %logistic3A_45 = arith.divf %logistic3A_43, %logistic3A_44 : vector<1024x64xf32>
    %mul3A_46 = arith.mulf %add3A_39, %logistic3A_45 : vector<1024x64xf32>
    %get3A_47 = arith.constant 0 : index
    %get3A_48 = arith.constant 0 : index
    %get3A_49 = vector.load %arg8[%get3A_47, %get3A_48] : memref<64x1xf32, #tpu.memory_space<vmem>>, vector<64x1xf32>
    %dot_general3A_50 = arith.constant dense<0.000000e+00> : vector<1024x1xf32>
    %dot_general3A_51 = tpu.matmul %mul3A_46, %get3A_49, %dot_general3A_50 {dimension_numbers = #tpu.dot_dimension_numbers<[1], [0], [0], [1], [0, 0, 1, 1], [], []>, transpose_lhs_hint = false} : vector<1024x64xf32>, vector<64x1xf32>, vector<1024x1xf32> -> vector<1024x1xf32>
    %get3A_52 = arith.constant 0 : index
    %get3A_53 = arith.constant 0 : index
    %get3A_54 = vector.load %arg9[%get3A_52, %get3A_53] : memref<1x1xf32, #tpu.memory_space<vmem>>, vector<1x1xf32>
    %add3A_55 = vector.broadcast %get3A_54 : vector<1x1xf32> to vector<1024x1xf32>
    %add3A_56 = arith.addf %dot_general3A_51, %add3A_55 : vector<1024x1xf32>
    %iota3A = tpu.iota {dimensions = array<i32: 0>} : vector<1024x1xi32>
    %mul3A_57 = arith.constant 1024 : i32
    %mul3A_58 = arith.muli %arg0, %mul3A_57 : i32
    %add3A_59 = vector.broadcast %mul3A_58 : i32 to vector<1024x1xi32>
    %add3A_60 = arith.addi %iota3A, %add3A_59 : vector<1024x1xi32>
    %lt3A = arith.constant 10000 : i32
    %lt3A_61 = vector.broadcast %lt3A : i32 to vector<1024x1xi32>
    %lt3A_62 = arith.cmpi slt, %add3A_60, %lt3A_61 : vector<1024x1xi32>
    %jit3A = arith.constant 0.000000e+00 : f32
    %broadcast_in_dim3A = vector.broadcast %jit3A : f32 to vector<1024x1xf32>
    %select_n3A = arith.select %lt3A_62, %add3A_56, %broadcast_in_dim3A : vector<1024x1xi1>, vector<1024x1xf32>
    %reduce_sum3A = arith.constant dense<0.000000e+00> : vector<1xf32>
    %reduce_sum3A_63 = vector.multi_reduction <add>, %select_n3A, %reduce_sum3A [0] : vector<1024x1xf32> to vector<1xf32>
    %broadcast_in_dim3A_64 = vector.shape_cast %reduce_sum3A_63 : vector<1xf32> to vector<1x1xf32>
    %eq3A = arith.constant 0 : i32
    %eq3A_65 = arith.cmpi eq, %arg0, %eq3A : i32
    %convert_element_type3A = arith.extui %eq3A_65 : i1 to i32
    %cond3A = arith.constant 0 : i32
    %cond3A_66 = arith.cmpi ne, %convert_element_type3A, %cond3A : i32
    scf.if %cond3A_66 {
      %broadcast_in_dim3A_74 = arith.constant 0.000000e+00 : f32
      %broadcast_in_dim3A_75 = vector.broadcast %broadcast_in_dim3A_74 : f32 to vector<1x1xf32>
      %swap3A_76 = arith.constant 0 : index
      %swap3A_77 = arith.constant 0 : index
      %swap3A_78 = vector.load %arg10[%swap3A_76, %swap3A_77] : memref<1x1xf32, #tpu.memory_space<vmem>>, vector<1x1xf32>
      tpu.vector_store %arg10[%swap3A_76, %swap3A_77], %broadcast_in_dim3A_75 {strides = array<i32>} : memref<1x1xf32, #tpu.memory_space<vmem>>, vector<1x1xf32>,
    } else {
    }
    %get3A_67 = arith.constant 0 : index
    %get3A_68 = arith.constant 0 : index
    %get3A_69 = vector.load %arg10[%get3A_67, %get3A_68] : memref<1x1xf32, #tpu.memory_space<vmem>>, vector<1x1xf32>
    %add3A_70 = arith.addf %get3A_69, %broadcast_in_dim3A_64 : vector<1x1xf32>
    %swap3A_71 = arith.constant 0 : index
    %swap3A_72 = arith.constant 0 : index
    %swap3A_73 = vector.load %arg10[%swap3A_71, %swap3A_72] : memref<1x1xf32, #tpu.memory_space<vmem>>, vector<1x1xf32>
    tpu.vector_store %arg10[%swap3A_71, %swap3A_72], %add3A_70 {strides = array<i32>} : memref<1x1xf32, #tpu.memory_space<vmem>>, vector<1x1xf32>,
    return
  }
  func.func @transform_0(%arg0: i32) -> (i32, i32) {
    %c0_i32 = arith.constant 0 : i32
    %c0_i32_0 = arith.constant 0 : i32
    return %arg0, %c0_i32 : i32, i32
  }
  func.func @transform_1(%arg0: i32) -> (i32, i32) {
    %c0_i32 = arith.constant 0 : i32
    %c0_i32_0 = arith.constant 0 : i32
    return %arg0, %c0_i32 : i32, i32
  }
  func.func @transform_2(%arg0: i32) -> (i32, i32) {
    %c0_i32 = arith.constant 0 : i32
    %c0_i32_0 = arith.constant 0 : i32
    %c0_i32_1 = arith.constant 0 : i32
    return %c0_i32, %c0_i32_0 : i32, i32
  }
  func.func @transform_3(%arg0: i32) -> (i32, i32) {
    %c0_i32 = arith.constant 0 : i32
    %c0_i32_0 = arith.constant 0 : i32
    %c0_i32_1 = arith.constant 0 : i32
    return %c0_i32, %c0_i32_0 : i32, i32
  }
  func.func @transform_4(%arg0: i32) -> (i32, i32) {
    %c0_i32 = arith.constant 0 : i32
    %c0_i32_0 = arith.constant 0 : i32
    %c0_i32_1 = arith.constant 0 : i32
    return %c0_i32, %c0_i32_0 : i32, i32
  }
  func.func @transform_5(%arg0: i32) -> (i32, i32) {
    %c0_i32 = arith.constant 0 : i32
    %c0_i32_0 = arith.constant 0 : i32
    %c0_i32_1 = arith.constant 0 : i32
    return %c0_i32, %c0_i32_0 : i32, i32
  }
  func.func @transform_6(%arg0: i32) -> (i32, i32) {
    %c0_i32 = arith.constant 0 : i32
    %c0_i32_0 = arith.constant 0 : i32
    %c0_i32_1 = arith.constant 0 : i32
    return %c0_i32, %c0_i32_0 : i32, i32
  }
  func.func @transform_7(%arg0: i32) -> (i32, i32) {
    %c0_i32 = arith.constant 0 : i32
    %c0_i32_0 = arith.constant 0 : i32
    %c0_i32_1 = arith.constant 0 : i32
    return %c0_i32, %c0_i32_0 : i32, i32
  }
  func.func @transform_8(%arg0: i32) -> (i32, i32) {
    %c0_i32 = arith.constant 0 : i32
    %c0_i32_0 = arith.constant 0 : i32
    %c0_i32_1 = arith.constant 0 : i32
    return %c0_i32, %c0_i32_0 : i32, i32
  }
  func.func @transform_9(%arg0: i32) -> (i32, i32) {
    %c0_i32 = arith.constant 0 : i32
    %c0_i32_0 = arith.constant 0 : i32
    %c0_i32_1 = arith.constant 0 : i32
    return %c0_i32, %c0_i32_0 : i32, i32
  }
  func.func @transform_10(%arg0: i32) -> (i32, i32) {
    %c0_i32 = arith.constant 0 : i32
    %c0_i32_0 = arith.constant 0 : i32
    return %arg0, %c0_i32 : i32, i32
  }
}

</mosaic_0001>

<sc_bundles>
// kernel: gather_offload_async_start.1
scs
__scs_entry_jumppad:
0x0: {  	(pc) =	sbr.rel $0x88, $3  }
0x1: {  	(tag) =	ssettag $0x0;
	lr =	simm.s32 $0x1  }
0x2: {  	[smem:$0x3F83] =	sst lr;
	_ =	strace $0xD0000000  }
0x3: {  	_ = 	snop  }
0x4: {  	_ = 	snop  }
0x5: {  	_ = 	snop  }
0x6: {  	_ = 	snop  }
0x7: {  	_ = 	snop  }
__scs_overlays_trampoline_lowered:
0x8: {  	[smem:$0x3F92] =	sst s0  }
0x9: {  	[smem:$0x3F93] =	sst s1  }
0xa: {  	[smem:$0x3F94] =	sst s2  }
0xb: {  	[smem:$0x3F95] =	sst s3  }
0xc: {  	[smem:$0x3F96] =	sst s4  }
0xd: {  	[smem:$0x3F97] =	sst s5  }
0xe: {  	[smem:$0x3F98] =	sst s6  }
0xf: {  	[smem:$0x3F99] =	sst s7  }
0x10: {  	[smem:$0x3F9A] =	sst s8  }
0x11: {  	[smem:$0x3F9B] =	sst s9;
	s0 =	simm.s32 @!p0 $0x0  }
0x12: {  	s1 =	sld [smem:$0x3F81];
	s0 =	simm.s32 @p0 $0x1  }
0x13: {  	[smem:$0x3F9C] =	sst s0;
	s0 =	simm.s32 @!p1 $0x0  }
0x14: {  	s2 =	sld [smem:$0x3F80];
	s0 =	simm.s32 @p1 $0x1  }
0x15: {  	[smem:$0x3F9D] =	sst s0;
	s0 =	simm.s32 @!p2 $0x0  }
0x16: {  	s3 =	sld [smem:$0x3FDB];
	s0 =	simm.s32 @p2 $0x1  }
0x17: {  	s4 =	simm.s32 $0x1BF5;
	[smem:$0x3F9F] =	sst s0  }
0x18: {  	s0 =	sld [smem:$0x3F82];
	_ =	swait.ge [sflag:s4], $0x0  }
0x19: {  	s7 =	sld [smem:$0x3F83]  }
0x1a: {  	s8 =	sadd.s32 $0xFFFFE003, lr  }
0x1b: {  	s9 =	sadd.s32 $0xFFFFFEF7, lr;
	s5 =	simm.s32 $0xFFFFFFFF;
	p2 =	slt.u32 s8, $0xFFFFF086  }
0x1c: {  	p1 =	slt.u32 s9, $0xF7A;
	s5 =	simm.s32 @!p2 $0x0  }
0x1d: {  	s5 =	simm.s32 @p1 $0x1;
	p0 =	seq.s32 s7, s2  }
0x1e: {  	s7 =	smul.u32 @!p0 $0xF7A, s2;
	p2 =	seq.s32 @!p0 s5, $0x0  }
0x1f: {  	s9 =	smul.u32 $0xF7A, s1;
	s8 =	simm.s32 @!p0 $0x1BF5;
	p2 =	por !p2, p0  }
0x20: {  	[sflag:s8] =	ssyncset.s32 @!p0 $0xFFFFF086;
	s6 =	sadd.s32 @!p0 s3, s7;
	s7 =	simm.s32 @!p0 $0x108  }
0x21: {  	s3 =	sadd.s32 s3, s9;
	s6 =	sadd.s32 @!p0 $0x88, s6;
	s7 =	simm.s32 @p2 $0x1082  }
0x22: {  	[simem:s7], [sflag:s8] =	dma.local @!p0 [hbm:s6], $0xF7A  }
0x23: {  	s9 =	sor.u32 $0xD0000000, s2;
	s6 =	simm.s32 $0x108;
	_ =	swait.ge @!p0 [sflag:s8], $0x0  }
0x24: {  	s3 =	sadd.s32 $0x88, s3;
	s6 =	simm.s32 @!p1 $0x1082;
	[sflag:s4] =	ssyncset.s32 $0xFFFFF086  }
0x25: {  	[simem:s6], [sflag:s4] =	dma.local [hbm:s3], $0xF7A  }
0x26: {  	[smem:$0x3F83] =	sst s1;
	(tag) =	ssettag s2;
	_ =	strace s9  }
0x27: {  	s1 =	sld [smem:$0x3F93]  }
0x28: {  	s2 =	sld [smem:$0x3F94]  }
0x29: {  	s4 =	sld [smem:$0x3F96]  }
0x2a: {  	p0 =	seq.s32 s5, $0x0;
	s5 =	sld [smem:$0x3F97]  }
0x2b: {  	s6 =	sld [smem:$0x3F98]  }
0x2c: {  	s7 =	sld [smem:$0x3F99]  }
0x2d: {  	s3 =	simm.s32 $0x108;
	s8 =	sld [smem:$0x3F9A]  }
0x2e: {  	s3 =	simm.s32 @!p0 $0x1082;
	s9 =	sld [smem:$0x3F9B]  }
0x2f: {  	lr =	sadd.s32 s0, s3;
	s0 =	sld [smem:$0x3F92]  }
0x30: {  	s3 =	sld [smem:$0x3F95]  }
0x31: {  	[smem:$0x3F9E] =	sst s10  }
0x32: {  	s10 =	sld [smem:$0x3F9C];
	_ =	sdelay $0x3  }
0x33: {  	p0 =	seq.s32 s10, $0x1;
	s10 =	sld [smem:$0x3F9E];
	_ =	sdelay $0x3  }
0x34: {  	[smem:$0x3F9E] =	sst s10  }
0x35: {  	s10 =	sld [smem:$0x3F9D];
	_ =	sdelay $0x3  }
0x36: {  	p1 =	seq.s32 s10, $0x1;
	s10 =	sld [smem:$0x3F9E];
	_ =	sdelay $0x3  }
0x37: {  	[smem:$0x3F9E] =	sst s10  }
0x38: {  	s10 =	sld [smem:$0x3F9F]  }
0x39: {  	_ = 	snop;
	(pc) =	sbr.ind lr, $3  }
0x3a: {  	_ = 	snop  }
0x3b: {  	_ = 	snop  }
0x3c: {  	p2 =	seq.s32 s10, $0x1;
	s10 =	sld [smem:$0x3F9E]  }
0x3d: {  	_ =	shalt  }
0x3e: {  	_ =	shalt  }
0x3f: {  	_ =	shalt  }
0x40: {  	_ =	shalt  }
0x41: {  	_ =	shalt  }
0x42: {  	_ =	shalt  }
0x43: {  	_ =	shalt  }
0x44: {  	_ =	shalt  }
0x45: {  	_ =	shalt  }
0x46: {  	_ =	shalt  }
0x47: {  	_ =	shalt  }
0x48: {  	_ =	shalt  }
0x49: {  	_ =	shalt  }
0x4a: {  	_ =	shalt  }
0x4b: {  	_ =	shalt  }
0x4c: {  	_ =	shalt  }
0x4d: {  	_ =	shalt  }
0x4e: {  	_ =	shalt  }
0x4f: {  	_ =	shalt  }
0x50: {  	_ =	shalt  }
0x51: {  	_ =	shalt  }
0x52: {  	_ =	shalt  }
0x53: {  	_ =	shalt  }
0x54: {  	_ =	shalt  }
0x55: {  	_ =	shalt  }
0x56: {  	_ =	shalt  }
0x57: {  	_ =	shalt  }
0x58: {  	_ =	shalt  }
0x59: {  	_ =	shalt  }
0x5a: {  	_ =	shalt  }
0x5b: {  	_ =	shalt  }
0x5c: {  	_ =	shalt  }
0x5d: {  	_ =	shalt  }
0x5e: {  	_ =	shalt  }
0x5f: {  	_ =	shalt  }
0x60: {  	_ =	shalt  }
0x61: {  	_ =	shalt  }
0x62: {  	_ =	shalt  }
0x63: {  	_ =	shalt  }
0x64: {  	_ =	shalt  }
0x65: {  	_ =	shalt  }
0x66: {  	_ =	shalt  }
0x67: {  	_ =	shalt  }
0x68: {  	_ =	shalt  }
0x69: {  	_ =	shalt  }
0x6a: {  	_ =	shalt  }
0x6b: {  	_ =	shalt  }
0x6c: {  	_ =	shalt  }
0x6d: {  	_ =	shalt  }
0x6e: {  	_ =	shalt  }
0x6f: {  	_ =	shalt  }
0x70: {  	_ =	shalt  }
0x71: {  	_ =	shalt  }
0x72: {  	_ =	shalt  }
0x73: {  	_ =	shalt  }
0x74: {  	_ =	shalt  }
0x75: {  	_ =	shalt  }
0x76: {  	_ =	shalt  }
0x77: {  	_ =	shalt  }
0x78: {  	_ =	shalt  }
0x79: {  	_ =	shalt  }
0x7a: {  	_ =	shalt  }
0x7b: {  	_ =	shalt  }
0x7c: {  	_ =	shalt  }
0x7d: {  	_ =	shalt  }
0x7e: {  	_ =	shalt  }
0x7f: {  	_ =	shalt  }
0x80: {  	_ =	shalt  }
0x81: {  	_ =	shalt  }
0x82: {  	_ =	shalt  }
0x83: {  	_ =	shalt  }
0x84: {  	_ =	shalt  }
0x85: {  	_ =	shalt  }
0x86: {  	_ =	shalt  }
0x87: {  	_ =	shalt  }
.Lfunc_end0:
.L_simem_size_0:
called_computation.1_lowered:
.L_overlay_start_0:
0x88: {  	s2 =	sld [smem:$0x3FD9]  }
0x89: {  	s3 =	sld [smem:$0x3FFE];
	_ =	sdelay $0x1  }
0x8a: {  	s1 =	srdreg.scid  }
0x8b: {  	s0 =	sand.u32 $0x1, s1  }
0x8c: {  	s16 =	sshll.u32 s0, $0xA;
	s2 =	sadd.s32 s3, s2  }
0x8d: {  	s2 =	sadd.s32 s2, s16  }
0x8e: {  	[smem:$0x3FAA] =	sst s2  }
0x8f: {  	_ = 	snop  }
0x90: {  	(tm) =	ssettm $0x1  }
0x91: {  	s17 =	sld [smem:$0x3FFB];
	_ =	sdelay $0x3  }
0x92: {  	_ =	strace s17  }
0x93: {  	s2 =	sld [smem:$0x3FFC];
	_ =	sdelay $0x3  }
0x94: {  	_ =	strace s2  }
0x95: {  	s2 =	sld [smem:$0x3FFD];
	_ =	sdelay $0x3  }
0x96: {  	_ =	strace s2  }
0x97: {  	_ =	strace $0x8FFFFFFF  }
0x98: {  	s18 =	sld [smem:$0x3FDB];
	_ =	sdelay $0x1  }
0x99: {  	s19 =	simm.s32 $_scs_section_size  }
0x9a: {  	s4 =	simm.s32 $_size__tile_overlayer_lowered;
	s5 =	simm.s32 $_tile_overlayer_lowered  }
0x9b: {  	s22 =	simm.s32 $0x1BFF;
	s21 =	sshll.u32 s5, $0x1;
	s2 =	sadd.s32 s19, s18  }
0x9c: {  	s6 =	simm.s32 $0x0;
	s20 =	sshll.u32 s4, $0x1;
	s4 =	sadd.s32 s21, s2  }
0x9d: {  	[timem:s6], [sflag:s22] =	dma.local [hbm:s4], s20  }
0x9e: {  	_ =	swait.ge [sflag:s22], s20  }
0x9f: {  	s3 =	ssub.s32 $0x0, s20;
	[sflag:s22] =	ssyncset.done $0x0  }
0xa0: {  	[sflag:s22] =	ssyncadd.s32 s3;
	_ =	sdelay $0x1  }
0xa1: {  	s23 =	simm.s32 $0x1B8B  }
0xa2: {  	_ =	swait.ge [sflag:s23], $0x1  }
0xa3: {  	[sflag:s23] =	ssyncset.done $0x0  }
0xa4: {  	s25 =	simm.s32 $0x1B8E;
	s24 =	sld [smem:$0x3FFE];
	[sflag:s23] =	ssyncadd.s32 $0xFFFFFFFF  }
0xa5: {  	s26 =	simm.s32 $execute0_lowered;
	[smem:$0x3FD2] =	sst s25  }
0xa6: {  	s4 =	sshll.u32 s26, $0x1;
	_ =	strace $0x80000046;
	[dreg:$0x1] =	wrdreg $0xFFFFFFFF  }
0xa7: {  	s28 =	simm.s32 $_size_execute0_lowered;
	s2 =	sadd.s32 s2, s4;
	[dreg:$0x0] =	wrdreg $0x0  }
0xa8: {  	s4 =	sshll.u32 s28, $0x1;
	[dreg:$0x2] =	wrdreg s2  }
0xa9: {  	[dreg:$0x3] =	wrdreg s4  }
0xaa: {  	[dreg:$0x4] =	wrdreg $0xC0  }
0xab: {  	_ =	task [dreg:s6], $0x5FFFF  }
0xac: {  	[dreg:$0x1] =	wrdreg $0xFFFFFFFF  }
0xad: {  	[dreg:$0x0] =	wrdreg $0x60  }
0xae: {  	[dreg:$0x2] =	wrdreg s24  }
0xaf: {  	[dreg:$0x3] =	wrdreg $0xA  }
0xb0: {  	_ =	task.clear_ibuf [dreg:s6], $0x4FFFF;
	_ =	strace $0x90000046  }
0xb1: {  	s29 =	simm.s32 $0xA;
	_ =	strace $0x80000048  }
0xb2: {  	_ =	swait.ge [sflag:s29], $0x1  }
0xb3: {  	[sflag:s29] =	ssyncadd.s32 $0xFFFFFFFF  }
0xb4: {  	_ =	strace $0x90000048  }
0xb5: {  	_ =	sfence  }
0xb6: {  	s30 =	sld [smem:$0x0];
	_ =	sdelay $0x2  }
0xb7: {  	s31 =	sshll.u32 s1, $0xD;
	s1 =	sshrl.u32 s1, $0x2  }
0xb8: {  	s3 =	sand.u32 $0x4000, s31;
	s1 =	sadd.s32 s1, s30  }
0xb9: {  	s0 =	sor.u32 s3, s0;
	s1 =	sshll.u32 s1, $0x11  }
0xba: {  	s0 =	sor.u32 s1, s0  }
0xbb: {  	s0 =	sadd.s32 $0x8F2B, s0  }
0xbc: {  	[sflag:s0] =	ssyncadd.remote.s32 $0x1  }
0xbd: {  	_ =	sfence.sel $0xFFFF  }
0xbe: {  	[dreg:$0x0] =	wrdreg $0xFFFFFFFF;
	(pc) =	sbr.abs _section_cstart, $3  }
0xbf: {  	[dreg:$0x1] =	wrdreg $0xFFFFFFFF  }
0xc0: {  	_ =	task.clear_ibuf [dreg:s6], $0x2FFFF;
	_ =	strace $0x9FFFFFFF  }
0xc1: {  	(tm) =	ssettm $0x7FFFFFFF  }
tec
execute0_lowered:
.L_overlay_start_1:
0x0: {  	(tag) =	ssettag $0x1  }
0x1: {  	s8 =	rddreg [dreg:$0x0]  }
0x2: {  	s0 =	rddreg [dreg:$0x1];
	_ =	strace $0x80000047;
	s1 =	stileid.u32  }
0x3: {  	s3 =	srdreg.scid;
	s4 =	simm.s32 $0x1;
	s7 =	simm.s32 $0x1  }
0x4: {  	s9 =	simm.s32 $0x1;
	s10 =	simm.s32 $0x3;
	s13 =	simm.s32 $0x0  }
0x5: {  	s12 =	simm.s32 $0x0;
	s5 =	sand.u32 $0x1, s3;
	s6 =	sshll.u32 s1, $0x1  }
0x6: {  	s2 =	sadd.s32 $0x9200, s8;
	s3 =	sadd.s32 $0x1CE00, s8;
	s5 =	sor.u32 s6, s5  }
.Ltmp0:
0x7: {  	[sflag:s4] =	ssyncpa.u1 $0x0;
	p0 =	slt.u32 s5, $0x9;
	(pc) =	sbr.rel .LBB2_1-.Ltmp0, $4  }
0x8: {  	s6 =	simm.s32 $0x2;
	s7 =	simm.s32 @!p0 $0x0;
	p0 =	sne.s32 s5, $0x8  }
0x9: {  	[sflag:s6] =	ssyncpa.u1 $0x0;
	s5 =	smul.u32 $0x1F40, s5;
	s9 =	simm.s32 @!p0 $0x0  }
0xa: {  	s8 =	sadd.s32 $0x26C00, s8;
	[sflag:s10] =	ssyncpa.u1 $0x0;
	s7 =	sadd.s32 s9, s7  }
0xb: {  	vm0 =	vmmov $0xffff;
	s10 =	simm.s32 $0x0;
	s11 =	smov.u32 s5;
	s9 =	sadd.s32 $0x1, s7  }
.LBB2_4:
0xc: {  	v2 =	vnsel vm1, $0x0, v2  }
0xd: {  	vm1 =	vgt.s32 v0, $0x0;
	v2 =	vmin.u32 v2, $0x4E1FF  }
0xe: {  	v0 =	vnsel vm1, $0x0, v0  }
0xf: {  	v0 =	vmin.u32 v0, $0x4E1FF  }
0x10: {  	[tilespmem:s18], [sflag:$0x1] =	stream.indirect_vreg.gather [hbm4b:s2+s10], $0x1, v1, vm0, $0x4038;
	[tilespmem:$0x7D00] =	vst v63  }
0x11: {  	(ifvalue) =	ssetifvalue $0x7FFFFFFF  }
0x12: {  	[tilespmem:s15], [sflag:$0x1] =	stream.indirect_vreg.gather [hbm4b:s2+s10], $0x1, v2, vm0, $0x4038;
	[tilespmem:$0x7D00] =	vst v63  }
0x13: {  	s29 =	sadd.s32 $0x10, s15;
	(ifvalue) =	ssetifvalue $0x7FFFFFFF  }
0x14: {  	[tilespmem:s29], [sflag:$0x1] =	stream.indirect_vreg.gather [hbm4b:s2+s10], $0x1, v0, vm0, $0x4038;
	[tilespmem:$0x7D00] =	vst v63  }
0x15: {  	_ =	swait.ge [sflag:s4], $0x1F40  }
0x16: {  	s30 =	sshrl.u32 s13, $0x3;
	[sflag:s4] =	ssyncset.done $0x0  }
0x17: {  	s31 =	sand.u32 $0x7, s13;
	s15 =	sadd.s32 s8, s30;
	[sflag:s4] =	ssyncadd.s32 $0xFFFFE0C0  }
0x18: {  	[hbm4b:s15+s31] =	stream.linear.scatter [tilespmem:s14], [sflag:$0x3], $0x1F40, $0x38;
	[tilespmem:$0x7D00] =	vst v63  }
.LBB2_5:
0x19: {  	s15 =	sadd.s32 $0x3E800, s11  }
0x1a: {  	p1 =	sgt.s32 s15, $0x4E1FF  }
0x1b: {  	s15 =	smov.u32 @p1 s5;
	p1 =	sne.s32 s12, s9  }
.Ltmp1:
0x1c: {  	p0 =	slt.u32 s12, $0x2;
	(pc) =	sbr.rel @!p1 .LBB2_6-.Ltmp1, $4  }
0x1d: {  	s14 =	simm.s32 @!p0 $0x3  }
0x1e: {  	_ =	swait.ge @!p0 [sflag:s14], $0x1F40  }
0x1f: {  	s16 =	sadd.s32 $0x1, s12;
	s13 =	smov.u32 s11;
	[sflag:s14] =	ssyncset.done @!p0 $0x0  }
0x20: {  	s12 =	smov.u32 s16;
	s11 =	smov.u32 s15;
	[sflag:s14] =	ssyncadd.s32 @!p0 $0xFFFFE0C0  }
.LBB2_1:
0x21: {  	p0 =	sge.u32 s12, s7  }
0x22: {  	s14 =	sxor.u32 @!p0 $0x1, s12  }
0x23: {  	s14 =	smul.u32 @!p0 $0x7D00, s14  }
0x24: {  	s31 =	sadd.s32 $0xFFFFFFFF, s12;
	s15 =	sshrl.u32 @!p0 s11, $0x3  }
0x25: {  	s16 =	sand.u32 @!p0 $0x7, s11;
	s15 =	sadd.s32 @!p0 s3, s15;
	s14 =	sshra.s32 @!p0 s14, $0x2  }
0x26: {  	[tilespmem:s14], [sflag:$0x2] =	stream.linear.gather @!p0 [hbm4b:s15+s16], $0x1F40, $0x38;
	[tilespmem:$0x7D00] =	vst v63  }
0x27: {  	p0 =	sge.u32 s31, s7  }
.Ltmp2:
0x28: {  	_ = 	snop;
	(pc) =	sbr.rel @p0 .LBB2_5-.Ltmp2, $1  }
0x29: {  	_ =	sdelay $0x3  }
0x2a: {  	s14 =	sand.u32 $0x1, s12  }
0x2b: {  	_ =	swait.ge [sflag:s6], $0x1F40;
	p0 =	seq.s32 s14, $0x1;
	s14 =	simm.s32 $0x1F40  }
0x2c: {  	[sflag:s6] =	ssyncset.done $0x0;
	s14 =	simm.s32 @!p0 $0x0  }
0x2d: {  	[sflag:s6] =	ssyncadd.s32 $0xFFFFE0C0;
	(ifvalue) =	ssetifvalue $0x7FFFFFFF;
	v0 =	vld.msk [tilespmem:s14+$0x0 ss:$0x1], $0xffff;
	_ =	sdelay $0x4  }
0x2e: {  	s15 =	sadd.s32 $0x10, s14;
	vm1 =	vgt.s32 v0, $0x0  }
0x2f: {  	v2 =	vld.msk [tilespmem:s15+$0x0 ss:$0x1], $0xffff;
	v1 =	vnsel vm1, $0x0, v0  }
0x30: {  	v1 =	vmin.u32 v1, $0x4E1FF;
	_ =	sdelay $0x2  }
0x31: {  	s17 =	simm.s32 $0x20;
	s14 =	sadd.s32 $0x3E80, s14;
	s16 =	sadd.s32 $0x10, s15  }
0x32: {  	s15 =	sadd.s32 $0x10, s14;
	s18 =	smov.u32 s14;
	v0 =	vld.msk [tilespmem:s16+$0x0 ss:$0x1], $0xffff;
	vm1 =	vgt.s32 v2, $0x0;
	(ifvalue) =	ssetifvalue $0x7FFFFFFF  }
.LBB2_3:
0x33: {  	[tilespmem:s18], [sflag:$0x1] =	stream.indirect_vreg.gather [hbm4b:s2+s10], $0x1, v1, vm0, $0x4038;
	[tilespmem:$0x7D00] =	vst v63  }
0x34: {  	s17 =	sadd.s32 $0x10, s17  }
0x35: {  	v2 =	vnsel vm1, $0x0, v2;
	p0 =	slt.u32 s17, $0x1F30  }
.Ltmp3:
0x36: {  	s18 =	smov.u32 s15;
	v1 =	vmin.u32 v2, $0x4E1FF;
	(pc) =	sbr.rel @p0 .LBB2_3-.Ltmp3, $3  }
0x37: {  	_ =	sdelay $0x1  }
0x38: {  	s16 =	sadd.s32 $0x10, s16  }
0x39: {  	vm1 =	vgt.s32 v0, $0x0;
	s15 =	sadd.s32 $0x10, s15;
	v2 =	vmov v0;
	(ifvalue) =	ssetifvalue $0x7FFFFFFF;
	v0 =	vld.msk [tilespmem:s16+$0x0 ss:$0x1], $0xffff  }
.Ltmp4:
0x3a: {  	_ = 	snop;
	(pc) =	sbr.rel .LBB2_4-.Ltmp4, $1  }
0x3b: {  	_ =	sdelay $0x3  }
.LBB2_6:
0x3c: {  	_ =	sfence.sel $0x180000  }
0x3d: {  	s2 =	simm.s32 $0x2;
	[bflag:$0x0] =	sbarrier.arrive $0xFFFF  }
0x3e: {  	s30 =	simm.s32 $0x3;
	[sflag:s2] =	ssyncpa.u1 $0x1  }
0x3f: {  	s31 =	simm.s32 $0x1;
	[sflag:s30] =	ssyncpa.u1 $0x1  }
0x40: {  	[sflag:s31] =	ssyncpa.u1 $0x1  }
0x41: {  	p0 =	sne.s32 s1, $0x0;
	_ =	strace $0x90000047  }
0x42: {  	s0 =	sadd.s32 @!p0 $0x100000, s0;
	[bflag:$0x2] =	sbarrier.arrive $0xFFFF  }
0x43: {  	[sflag:s0] =	ssyncadd.tile.s32 @!p0 $0x1;
	_ =	shalt  }
.Lfunc_end2:
_tile_overlayer_lowered:
.L_overlay_start_2:
0x44: {  	(tag) =	ssettag $0x2  }
0x45: {  	s0 =	rddreg [dreg:$0x0];
	s2 =	stileid.u32  }
0x46: {  	s1 =	rddreg [dreg:$0x1];
	p0 =	sne.s32 s2, $0x0  }
0x47: {  	s3 =	rddreg [dreg:$0x2];
	[bflag:$0x3] =	sbarrier.arrive $0xFFFF;
	s2 =	simm.s32 @!p0 $0x1C01  }
0x48: {  	[timem:s3], [sflag:s2] =	dma.local @!p0 [hbm:s0], s1  }
0x49: {  	s0 =	simm.s32 @!p0 $0x1  }
0x4a: {  	_ =	swait.ge @!p0 [sflag:s0], s1  }
0x4b: {  	s1 =	ssub.s32 @!p0 $0x0, s1;
	[sflag:s0] =	ssyncset.done @!p0 $0x0  }
0x4c: {  	[sflag:s0] =	ssyncadd.s32 @!p0 s1  }
0x4d: {  	[bflag:$0x3] =	sbarrier.arrive $0xFFFF  }
0x4e: {  	_ =	shalt  }

// kernel: gather_offload_async_start.2
scs
__scs_entry_jumppad:
0x0: {  	(pc) =	sbr.rel $0x88, $3  }
0x1: {  	(tag) =	ssettag $0x0;
	lr =	simm.s32 $0x1  }
0x2: {  	[smem:$0x3F83] =	sst lr;
	_ =	strace $0xD0000000  }
0x3: {  	_ = 	snop  }
0x4: {  	_ = 	snop  }
0x5: {  	_ = 	snop  }
0x6: {  	_ = 	snop  }
0x7: {  	_ = 	snop  }
__scs_overlays_trampoline_lowered:
0x8: {  	[smem:$0x3F92] =	sst s0  }
0x9: {  	[smem:$0x3F93] =	sst s1  }
0xa: {  	[smem:$0x3F94] =	sst s2  }
0xb: {  	[smem:$0x3F95] =	sst s3  }
0xc: {  	[smem:$0x3F96] =	sst s4  }
0xd: {  	[smem:$0x3F97] =	sst s5  }
0xe: {  	[smem:$0x3F98] =	sst s6  }
0xf: {  	[smem:$0x3F99] =	sst s7  }
0x10: {  	[smem:$0x3F9A] =	sst s8  }
0x11: {  	[smem:$0x3F9B] =	sst s9;
	s0 =	simm.s32 @!p0 $0x0  }
0x12: {  	s1 =	sld [smem:$0x3F81];
	s0 =	simm.s32 @p0 $0x1  }
0x13: {  	[smem:$0x3F9C] =	sst s0;
	s0 =	simm.s32 @!p1 $0x0  }
0x14: {  	s2 =	sld [smem:$0x3F80];
	s0 =	simm.s32 @p1 $0x1  }
0x15: {  	[smem:$0x3F9D] =	sst s0;
	s0 =	simm.s32 @!p2 $0x0  }
0x16: {  	s3 =	sld [smem:$0x3FDB];
	s0 =	simm.s32 @p2 $0x1  }
0x17: {  	s4 =	simm.s32 $0x1BF5;
	[smem:$0x3F9F] =	sst s0  }
0x18: {  	s0 =	sld [smem:$0x3F82];
	_ =	swait.ge [sflag:s4], $0x0  }
0x19: {  	s7 =	sld [smem:$0x3F83]  }
0x1a: {  	s8 =	sadd.s32 $0xFFFFE003, lr  }
0x1b: {  	s9 =	sadd.s32 $0xFFFFFEF7, lr;
	s5 =	simm.s32 $0xFFFFFFFF;
	p2 =	slt.u32 s8, $0xFFFFF086  }
0x1c: {  	p1 =	slt.u32 s9, $0xF7A;
	s5 =	simm.s32 @!p2 $0x0  }
0x1d: {  	s5 =	simm.s32 @p1 $0x1;
	p0 =	seq.s32 s7, s2  }
0x1e: {  	s7 =	smul.u32 @!p0 $0xF7A, s2;
	p2 =	seq.s32 @!p0 s5, $0x0  }
0x1f: {  	s9 =	smul.u32 $0xF7A, s1;
	s8 =	simm.s32 @!p0 $0x1BF5;
	p2 =	por !p2, p0  }
0x20: {  	[sflag:s8] =	ssyncset.s32 @!p0 $0xFFFFF086;
	s6 =	sadd.s32 @!p0 s3, s7;
	s7 =	simm.s32 @!p0 $0x108  }
0x21: {  	s3 =	sadd.s32 s3, s9;
	s6 =	sadd.s32 @!p0 $0x88, s6;
	s7 =	simm.s32 @p2 $0x1082  }
0x22: {  	[simem:s7], [sflag:s8] =	dma.local @!p0 [hbm:s6], $0xF7A  }
0x23: {  	s9 =	sor.u32 $0xD0000000, s2;
	s6 =	simm.s32 $0x108;
	_ =	swait.ge @!p0 [sflag:s8], $0x0  }
0x24: {  	s3 =	sadd.s32 $0x88, s3;
	s6 =	simm.s32 @!p1 $0x1082;
	[sflag:s4] =	ssyncset.s32 $0xFFFFF086  }
0x25: {  	[simem:s6], [sflag:s4] =	dma.local [hbm:s3], $0xF7A  }
0x26: {  	[smem:$0x3F83] =	sst s1;
	(tag) =	ssettag s2;
	_ =	strace s9  }
0x27: {  	s1 =	sld [smem:$0x3F93]  }
0x28: {  	s2 =	sld [smem:$0x3F94]  }
0x29: {  	s4 =	sld [smem:$0x3F96]  }
0x2a: {  	p0 =	seq.s32 s5, $0x0;
	s5 =	sld [smem:$0x3F97]  }
0x2b: {  	s6 =	sld [smem:$0x3F98]  }
0x2c: {  	s7 =	sld [smem:$0x3F99]  }
0x2d: {  	s3 =	simm.s32 $0x108;
	s8 =	sld [smem:$0x3F9A]  }
0x2e: {  	s3 =	simm.s32 @!p0 $0x1082;
	s9 =	sld [smem:$0x3F9B]  }
0x2f: {  	lr =	sadd.s32 s0, s3;
	s0 =	sld [smem:$0x3F92]  }
0x30: {  	s3 =	sld [smem:$0x3F95]  }
0x31: {  	[smem:$0x3F9E] =	sst s10  }
0x32: {  	s10 =	sld [smem:$0x3F9C];
	_ =	sdelay $0x3  }
0x33: {  	p0 =	seq.s32 s10, $0x1;
	s10 =	sld [smem:$0x3F9E];
	_ =	sdelay $0x3  }
0x34: {  	[smem:$0x3F9E] =	sst s10  }
0x35: {  	s10 =	sld [smem:$0x3F9D];
	_ =	sdelay $0x3  }
0x36: {  	p1 =	seq.s32 s10, $0x1;
	s10 =	sld [smem:$0x3F9E];
	_ =	sdelay $0x3  }
0x37: {  	[smem:$0x3F9E] =	sst s10  }
0x38: {  	s10 =	sld [smem:$0x3F9F]  }
0x39: {  	_ = 	snop;
	(pc) =	sbr.ind lr, $3  }
0x3a: {  	_ = 	snop  }
0x3b: {  	_ = 	snop  }
0x3c: {  	p2 =	seq.s32 s10, $0x1;
	s10 =	sld [smem:$0x3F9E]  }
0x3d: {  	_ =	shalt  }
0x3e: {  	_ =	shalt  }
0x3f: {  	_ =	shalt  }
0x40: {  	_ =	shalt  }
0x41: {  	_ =	shalt  }
0x42: {  	_ =	shalt  }
0x43: {  	_ =	shalt  }
0x44: {  	_ =	shalt  }
0x45: {  	_ =	shalt  }
0x46: {  	_ =	shalt  }
0x47: {  	_ =	shalt  }
0x48: {  	_ =	shalt  }
0x49: {  	_ =	shalt  }
0x4a: {  	_ =	shalt  }
0x4b: {  	_ =	shalt  }
0x4c: {  	_ =	shalt  }
0x4d: {  	_ =	shalt  }
0x4e: {  	_ =	shalt  }
0x4f: {  	_ =	shalt  }
0x50: {  	_ =	shalt  }
0x51: {  	_ =	shalt  }
0x52: {  	_ =	shalt  }
0x53: {  	_ =	shalt  }
0x54: {  	_ =	shalt  }
0x55: {  	_ =	shalt  }
0x56: {  	_ =	shalt  }
0x57: {  	_ =	shalt  }
0x58: {  	_ =	shalt  }
0x59: {  	_ =	shalt  }
0x5a: {  	_ =	shalt  }
0x5b: {  	_ =	shalt  }
0x5c: {  	_ =	shalt  }
0x5d: {  	_ =	shalt  }
0x5e: {  	_ =	shalt  }
0x5f: {  	_ =	shalt  }
0x60: {  	_ =	shalt  }
0x61: {  	_ =	shalt  }
0x62: {  	_ =	shalt  }
0x63: {  	_ =	shalt  }
0x64: {  	_ =	shalt  }
0x65: {  	_ =	shalt  }
0x66: {  	_ =	shalt  }
0x67: {  	_ =	shalt  }
0x68: {  	_ =	shalt  }
0x69: {  	_ =	shalt  }
0x6a: {  	_ =	shalt  }
0x6b: {  	_ =	shalt  }
0x6c: {  	_ =	shalt  }
0x6d: {  	_ =	shalt  }
0x6e: {  	_ =	shalt  }
0x6f: {  	_ =	shalt  }
0x70: {  	_ =	shalt  }
0x71: {  	_ =	shalt  }
0x72: {  	_ =	shalt  }
0x73: {  	_ =	shalt  }
0x74: {  	_ =	shalt  }
0x75: {  	_ =	shalt  }
0x76: {  	_ =	shalt  }
0x77: {  	_ =	shalt  }
0x78: {  	_ =	shalt  }
0x79: {  	_ =	shalt  }
0x7a: {  	_ =	shalt  }
0x7b: {  	_ =	shalt  }
0x7c: {  	_ =	shalt  }
0x7d: {  	_ =	shalt  }
0x7e: {  	_ =	shalt  }
0x7f: {  	_ =	shalt  }
0x80: {  	_ =	shalt  }
0x81: {  	_ =	shalt  }
0x82: {  	_ =	shalt  }
0x83: {  	_ =	shalt  }
0x84: {  	_ =	shalt  }
0x85: {  	_ =	shalt  }
0x86: {  	_ =	shalt  }
0x87: {  	_ =	shalt  }
.Lfunc_end0:
.L_simem_size_0:
called_computation.2_lowered:
.L_overlay_start_0:
0x88: {  	s2 =	sld [smem:$0x3FD9]  }
0x89: {  	s3 =	sld [smem:$0x3FFE];
	_ =	sdelay $0x1  }
0x8a: {  	s1 =	srdreg.scid  }
0x8b: {  	s0 =	sand.u32 $0x1, s1  }
0x8c: {  	s17 =	sshll.u32 s0, $0xA;
	s2 =	sadd.s32 s3, s2  }
0x8d: {  	s2 =	sadd.s32 s2, s17  }
0x8e: {  	[smem:$0x3FAA] =	sst s2  }
0x8f: {  	_ = 	snop  }
0x90: {  	s18 =	sld [smem:$0x3FC8];
	(tm) =	ssettm $0x1  }
0x91: {  	s19 =	sld [smem:$0x3FFB];
	_ =	sdelay $0x3  }
0x92: {  	_ =	strace s19  }
0x93: {  	s2 =	sld [smem:$0x3FFC];
	_ =	sdelay $0x3  }
0x94: {  	_ =	strace s2  }
0x95: {  	s2 =	sld [smem:$0x3FFD];
	_ =	sdelay $0x3  }
0x96: {  	_ =	strace s2  }
0x97: {  	_ =	strace $0x8FFFFFFF  }
0x98: {  	s20 =	sld [smem:$0x3FDB];
	_ =	sdelay $0x1  }
0x99: {  	s4 =	simm.s32 $_scs_section_size  }
0x9a: {  	s5 =	simm.s32 $_size__tile_overlayer_lowered;
	s6 =	simm.s32 $_tile_overlayer_lowered  }
0x9b: {  	s7 =	simm.s32 $0x1BFF;
	s21 =	sshll.u32 s6, $0x1;
	s4 =	sadd.s32 s4, s20  }
0x9c: {  	s22 =	simm.s32 $0x0;
	s5 =	sshll.u32 s5, $0x1;
	s6 =	sadd.s32 s21, s4  }
0x9d: {  	[timem:s22], [sflag:s7] =	dma.local [hbm:s6], s5  }
0x9e: {  	_ =	swait.ge [sflag:s7], s5  }
0x9f: {  	s5 =	ssub.s32 $0x0, s5;
	[sflag:s7] =	ssyncset.done $0x0  }
0xa0: {  	[sflag:s7] =	ssyncadd.s32 s5;
	_ =	sdelay $0x1  }
0xa1: {  	s23 =	simm.s32 $0x1B8B  }
0xa2: {  	_ =	swait.ge [sflag:s23], $0x1  }
0xa3: {  	[sflag:s23] =	ssyncset.done $0x0  }
0xa4: {  	[sflag:s23] =	ssyncadd.s32 $0xFFFFFFFF  }
0xa5: {  	s5 =	sld [smem:$0x0]  }
0xa6: {  	s6 =	sand.u32 $0xFFFFFFFE, s1  }
0xa7: {  	p0 =	sne.s32 s1, s6  }
0xa8: {  	s6 =	sshll.u32 @p0 s6, $0xE  }
0xa9: {  	s6 =	sadd.s32 @p0 $0x11B8D, s6;
	s7 =	sshll.u32 @p0 s5, $0x11  }
0xaa: {  	s6 =	sor.u32 @p0 s7, s6  }
0xab: {  	[sflag:s6] =	ssyncadd.remote.s32 @p0 $0x1;
	_ =	sdelay $0x1  }
0xac: {  	s6 =	simm.s32 @p0 $0x1B8D  }
0xad: {  	_ =	swait.eq @p0 [sflag:s6], $0x1  }
0xae: {  	[sflag:s6] =	ssyncadd.s32 @p0 $0xFFFFFFFF  }
0xaf: {  	s7 =	sshll.u32 @!p0 s1, $0xE  }
0xb0: {  	s7 =	sor.u32 @!p0 $0x4000, s7;
	s6 =	simm.s32 @!p0 $0x1B8D  }
0xb1: {  	s5 =	sshll.u32 @!p0 s5, $0x11;
	s7 =	sadd.s32 @!p0 $0x11B8D, s7;
	_ =	swait.eq @!p0 [sflag:s6], $0x1  }
0xb2: {  	s5 =	sor.u32 @!p0 s5, s7;
	[sflag:s6] =	ssyncadd.s32 @!p0 $0xFFFFFFFF  }
0xb3: {  	s25 =	simm.s32 $0x1B8E;
	s24 =	sld [smem:$0x3FFE];
	[sflag:s5] =	ssyncadd.remote.s32 @!p0 $0x1  }
0xb4: {  	s26 =	simm.s32 $execute0_lowered;
	[smem:$0x3FD2] =	sst s25  }
0xb5: {  	s6 =	sshll.u32 s26, $0x1;
	_ =	strace $0x8000004C;
	[dreg:$0x1] =	wrdreg $0xFFFFFFFF  }
0xb6: {  	s28 =	simm.s32 $_size_execute0_lowered;
	s4 =	sadd.s32 s4, s6;
	[dreg:$0x0] =	wrdreg $0x0  }
0xb7: {  	s6 =	sshll.u32 s28, $0x1;
	[dreg:$0x2] =	wrdreg s4  }
0xb8: {  	[dreg:$0x3] =	wrdreg s6  }
0xb9: {  	[dreg:$0x4] =	wrdreg $0xC0  }
0xba: {  	_ =	task [dreg:s22], $0x5FFFF  }
0xbb: {  	[dreg:$0x1] =	wrdreg $0xFFFFFFFF  }
0xbc: {  	[dreg:$0x0] =	wrdreg $0x60  }
0xbd: {  	[dreg:$0x2] =	wrdreg s18  }
0xbe: {  	[dreg:$0x3] =	wrdreg s24  }
0xbf: {  	[dreg:$0x4] =	wrdreg $0x9  }
0xc0: {  	_ =	task.clear_ibuf [dreg:s22], $0x5FFFF;
	_ =	strace $0x9000004C  }
0xc1: {  	s29 =	simm.s32 $0x9;
	_ =	strace $0x8000004E  }
0xc2: {  	_ =	swait.ge [sflag:s29], $0x1  }
0xc3: {  	[sflag:s29] =	ssyncadd.s32 $0xFFFFFFFF  }
0xc4: {  	_ =	strace $0x9000004E  }
0xc5: {  	_ =	sfence  }
0xc6: {  	s30 =	sld [smem:$0x0];
	_ =	sdelay $0x2  }
0xc7: {  	s31 =	sshll.u32 s1, $0xD;
	s1 =	sshrl.u32 s1, $0x2  }
0xc8: {  	s4 =	sand.u32 $0x4000, s31;
	s1 =	sadd.s32 s1, s30  }
0xc9: {  	s0 =	sor.u32 s4, s0;
	s1 =	sshll.u32 s1, $0x11  }
0xca: {  	s0 =	sor.u32 s1, s0  }
0xcb: {  	s0 =	sadd.s32 $0x8F2B, s0  }
0xcc: {  	[sflag:s0] =	ssyncadd.remote.s32 $0x1  }
0xcd: {  	_ =	sfence.sel $0xFFFF  }
0xce: {  	[dreg:$0x0] =	wrdreg $0xFFFFFFFF;
	(pc) =	sbr.abs _section_cstart, $3  }
0xcf: {  	[dreg:$0x1] =	wrdreg $0xFFFFFFFF  }
0xd0: {  	_ =	task.clear_ibuf [dreg:s22], $0x2FFFF;
	_ =	strace $0x9FFFFFFF  }
0xd1: {  	(tm) =	ssettm $0x7FFFFFFF  }
tec
execute0_lowered:
.L_overlay_start_1:
0x0: {  	(tag) =	ssettag $0x1  }
0x1: {  	s2 =	rddreg [dreg:$0x0]  }
0x2: {  	s8 =	rddreg [dreg:$0x1]  }
0x3: {  	s0 =	rddreg [dreg:$0x2];
	s1 =	stileid.u32  }
0x4: {  	s3 =	srdreg.scid;
	_ =	strace $0x8000004D;
	s4 =	simm.s32 $0x1  }
0x5: {  	s7 =	simm.s32 $0x1;
	s9 =	simm.s32 $0x1;
	s10 =	simm.s32 $0x3  }
0x6: {  	s13 =	simm.s32 $0x0;
	s5 =	sand.u32 $0x1, s3;
	s6 =	sshll.u32 s1, $0x1  }
0x7: {  	s12 =	simm.s32 $0x0;
	s3 =	sadd.s32 $0x1CE00, s8;
	s5 =	sor.u32 s6, s5  }
.Ltmp0:
0x8: {  	[sflag:s4] =	ssyncpa.u1 $0x0;
	p0 =	slt.u32 s5, $0x13;
	(pc) =	sbr.rel .LBB2_1-.Ltmp0, $4  }
0x9: {  	s6 =	simm.s32 $0x2;
	s7 =	simm.s32 @!p0 $0x0;
	p0 =	sne.s32 s5, $0x12  }
0xa: {  	[sflag:s6] =	ssyncpa.u1 $0x0;
	s5 =	smul.u32 $0x1900, s5;
	s9 =	simm.s32 @!p0 $0x0  }
0xb: {  	s8 =	sadd.s32 $0x3A800, s8;
	[sflag:s10] =	ssyncpa.u1 $0x0;
	s7 =	sadd.s32 s9, s7  }
0xc: {  	vm0 =	vmmov $0xffff;
	v0 =	vlaneseq.u32;
	s10 =	simm.s32 $0x0;
	s11 =	smov.u32 s5;
	s9 =	sadd.s32 $0x1, s7  }
.LBB2_4:
0xd: {  	_ =	sdelay $0x3  }
0xe: {  	[tilespmem:s22], [sflag:$0x1] =	stream.indirect_vreg.gather [hbm4b:s2+s10], $0x1, v1, vm0, $0x4038;
	[tilespmem:$0xFA00] =	vst v63  }
0xf: {  	s15 =	sadd.s32 s19, s15  }
0x10: {  	v1 =	vld.msk [tilespmem:s15+$0x0 ss:$0x1], $0xffff;
	_ =	sdelay $0x4  }
0x11: {  	vm1 =	vgt.s32 v1, $0x0  }
0x12: {  	p0 =	sgt.s32 s18, $0x0;
	v1 =	vnsel vm1, $0x0, v1  }
0x13: {  	s18 =	simm.s32 @!p0 $0x0;
	v1 =	vmin.u32 v1, $0x4E1FF  }
0x14: {  	s25 =	smin.u32 s18, $0x10;
	v2 =	vshll.u32 v1, $0x2  }
0x15: {  	v3 =	vmov s25;
	v1 =	vand.u32 $0x7F, v1;
	v2 =	vand.u32 $0x1FFE00, v2  }
0x16: {  	vm1 =	vgt.u32 v3, v0;
	v1 =	vor.u32 v1, v2  }
0x17: {  	v2 =	vnsel vm1, $0x7FFFFFFF, v1;
	_ =	sdelay $0x1  }
0x18: {  	s26 =	sand.u32 $0x7E00, s16;
	v3 =	vor.u32 $0x80, v1  }
0x19: {  	s28 =	sand.u32 $0x70, s17;
	(ifvalue) =	ssetifvalue $0x7FFFFFFF;
	s15 =	sadd.s32 s26, s14;
	v3 =	vnsel vm1, $0x7FFFFFFF, v3  }
0x1a: {  	s15 =	sadd.s32 s28, s15;
	(ifvalue) =	ssetifvalue $0x7FFFFFFF  }
0x1b: {  	v4 =	vor.u32 $0x100, v1;
	[tilespmem:s15], [sflag:$0x1] =	stream.indirect_vreg.gather [hbm4b:s2+s10], $0x1, v2, vm0, $0x4038;
	[tilespmem:$0xFA00] =	vst v63  }
0x1c: {  	(ifvalue) =	ssetifvalue $0x7FFFFFFF;
	v2 =	vnsel vm1, $0x7FFFFFFF, v4  }
0x1d: {  	s16 =	sadd.s32 $0x80, s15;
	(ifvalue) =	ssetifvalue $0x7FFFFFFF  }
0x1e: {  	v1 =	vor.u32 $0x180, v1;
	[tilespmem:s16], [sflag:$0x1] =	stream.indirect_vreg.gather [hbm4b:s2+s10], $0x1, v3, vm0, $0x4038;
	[tilespmem:$0xFA00] =	vst v63  }
0x1f: {  	v1 =	vnsel vm1, $0x7FFFFFFF, v1;
	(ifvalue) =	ssetifvalue $0x7FFFFFFF  }
0x20: {  	s29 =	sadd.s32 $0x100, s15;
	(ifvalue) =	ssetifvalue $0x7FFFFFFF  }
0x21: {  	[tilespmem:s29], [sflag:$0x1] =	stream.indirect_vreg.gather [hbm4b:s2+s10], $0x1, v2, vm0, $0x4038;
	[tilespmem:$0xFA00] =	vst v63  }
0x22: {  	(ifvalue) =	ssetifvalue $0x7FFFFFFF  }
0x23: {  	s30 =	sshll.u32 s13, $0x2;
	s15 =	sadd.s32 $0x180, s15;
	(ifvalue) =	ssetifvalue $0x7FFFFFFF  }
0x24: {  	[tilespmem:s15], [sflag:$0x1] =	stream.indirect_vreg.gather [hbm4b:s2+s10], $0x1, v1, vm0, $0x4038;
	[tilespmem:$0xFA00] =	vst v63  }
0x25: {  	s31 =	sand.u32 $0x78, s13;
	s15 =	sand.u32 $0xFFFFFE00, s30  }
0x26: {  	_ =	swait.ge [sflag:s4], $0x6400;
	s13 =	sor.u32 s31, s15  }
0x27: {  	[sflag:s4] =	ssyncset.done $0x0;
	s13 =	sshrl.u32 s13, $0x3  }
0x28: {  	[sflag:s4] =	ssyncadd.s32 $0xFFFF9C00;
	s13 =	sadd.s32 s8, s13  }
0x29: {  	[hbm:s13] =	stream.linear.scatter [tilespmem:s14], [sflag:$0x3], $0x6400, $0x38;
	[tilespmem:$0xFA00] =	vst v63  }
.LBB2_5:
0x2a: {  	s15 =	sadd.s32 $0x32000, s11  }
0x2b: {  	p1 =	sgt.s32 s15, $0x4E1FF  }
0x2c: {  	s15 =	smov.u32 @p1 s5;
	p1 =	sne.s32 s12, s9  }
.Ltmp1:
0x2d: {  	p0 =	slt.u32 s12, $0x2;
	(pc) =	sbr.rel @!p1 .LBB2_6-.Ltmp1, $4  }
0x2e: {  	s14 =	simm.s32 @!p0 $0x3  }
0x2f: {  	_ =	swait.ge @!p0 [sflag:s14], $0x6400  }
0x30: {  	s16 =	sadd.s32 $0x1, s12;
	s13 =	smov.u32 s11;
	[sflag:s14] =	ssyncset.done @!p0 $0x0  }
0x31: {  	s12 =	smov.u32 s16;
	s11 =	smov.u32 s15;
	[sflag:s14] =	ssyncadd.s32 @!p0 $0xFFFF9C00  }
.LBB2_1:
0x32: {  	p0 =	sge.u32 s12, s7  }
0x33: {  	s14 =	sxor.u32 @!p0 $0x1, s12  }
0x34: {  	s14 =	smul.u32 @!p0 $0x6400, s14  }
0x35: {  	s31 =	sadd.s32 $0xFFFFFFFF, s12;
	s15 =	sshrl.u32 @!p0 s11, $0x3  }
0x36: {  	s16 =	sand.u32 @!p0 $0x7, s11;
	s15 =	sadd.s32 @!p0 s3, s15;
	s14 =	sshra.s32 @!p0 s14, $0x2  }
0x37: {  	[tilespmem:s14], [sflag:$0x2] =	stream.linear.gather @!p0 [hbm4b:s15+s16], $0x1900, $0x38;
	[tilespmem:$0xFA00] =	vst v63  }
0x38: {  	p0 =	sge.u32 s31, s7  }
.Ltmp2:
0x39: {  	_ = 	snop;
	(pc) =	sbr.rel @p0 .LBB2_5-.Ltmp2, $1  }
0x3a: {  	_ =	sdelay $0x3  }
0x3b: {  	s14 =	sand.u32 $0x1, s12  }
0x3c: {  	p0 =	seq.s32 s14, $0x1;
	s14 =	simm.s32 $0x6400  }
0x3d: {  	_ =	swait.ge [sflag:s6], $0x1900;
	s14 =	simm.s32 @!p0 $0x0  }
0x3e: {  	[sflag:s6] =	ssyncset.done $0x0;
	s15 =	sshrl.u32 s14, $0x2  }
0x3f: {  	[sflag:s6] =	ssyncadd.s32 $0xFFFFE700;
	s16 =	sadd.s32 $0x0, s15  }
0x40: {  	v1 =	vld.msk [tilespmem:s16+$0x0 ss:$0x1], $0xffff;
	_ =	sdelay $0x2  }
0x41: {  	s17 =	ssub.s32 $0x4E200, s13  }
0x42: {  	p0 =	slt.s32 s17, $0x1900  }
0x43: {  	s17 =	simm.s32 @!p0 $0x1900;
	vm1 =	vgt.s32 v1, $0x0  }
0x44: {  	p0 =	sgt.s32 s17, $0x0;
	s16 =	smov.u32 s17;
	v1 =	vnsel vm1, $0x0, v1  }
0x45: {  	s16 =	simm.s32 @!p0 $0x0;
	v1 =	vmin.u32 v1, $0x4E1FF  }
0x46: {  	s16 =	smin.u32 s16, $0x10;
	v2 =	vshll.u32 v1, $0x2  }
0x47: {  	v3 =	vmov s16;
	v1 =	vand.u32 $0x7F, v1;
	v2 =	vand.u32 $0x1FFE00, v2  }
0x48: {  	vm1 =	vgt.u32 v3, v0;
	v1 =	vor.u32 v1, v2  }
0x49: {  	v2 =	vnsel vm1, $0x7FFFFFFF, v1  }
0x4a: {  	s31 =	simm.s32 $0x0  }
0x4b: {  	s18 =	sand.u32 $0x7E00, s31;
	s14 =	sadd.s32 $0x3200, s14;
	v3 =	vor.u32 $0x80, v1  }
0x4c: {  	s18 =	sadd.s32 s18, s14;
	(ifvalue) =	ssetifvalue $0x7FFFFFFF;
	s16 =	sand.u32 $0x70, s31;
	v3 =	vnsel vm1, $0x7FFFFFFF, v3  }
0x4d: {  	(ifvalue) =	ssetifvalue $0x7FFFFFFF;
	s20 =	sadd.s32 s16, s18  }
0x4e: {  	v4 =	vor.u32 $0x100, v1;
	[tilespmem:s20], [sflag:$0x1] =	stream.indirect_vreg.gather [hbm4b:s2+s10], $0x1, v2, vm0, $0x4038;
	[tilespmem:$0xFA00] =	vst v63  }
0x4f: {  	(ifvalue) =	ssetifvalue $0x7FFFFFFF;
	v2 =	vnsel vm1, $0x7FFFFFFF, v4  }
0x50: {  	s16 =	sadd.s32 $0x80, s20;
	(ifvalue) =	ssetifvalue $0x7FFFFFFF  }
0x51: {  	v1 =	vor.u32 $0x180, v1;
	[tilespmem:s16], [sflag:$0x1] =	stream.indirect_vreg.gather [hbm4b:s2+s10], $0x1, v3, vm0, $0x4038;
	[tilespmem:$0xFA00] =	vst v63  }
0x52: {  	s19 =	simm.s32 $0x10;
	v1 =	vnsel vm1, $0x7FFFFFFF, v1;
	(ifvalue) =	ssetifvalue $0x7FFFFFFF  }
0x53: {  	s21 =	simm.s32 $0x80;
	s18 =	sadd.s32 $0x100, s20;
	(ifvalue) =	ssetifvalue $0x7FFFFFFF  }
0x54: {  	[tilespmem:s18], [sflag:$0x1] =	stream.indirect_vreg.gather [hbm4b:s2+s10], $0x1, v2, vm0, $0x4038;
	[tilespmem:$0xFA00] =	vst v63  }
0x55: {  	s22 =	sadd.s32 $0x180, s20;
	s16 =	simm.s32 $0x40;
	(ifvalue) =	ssetifvalue $0x7FFFFFFF  }
0x56: {  	s18 =	sadd.s32 $0xFFFFFFF0, s17;
	s17 =	simm.s32 $0x10;
	(ifvalue) =	ssetifvalue $0x7FFFFFFF  }
.LBB2_3:
0x57: {  	[tilespmem:s22], [sflag:$0x1] =	stream.indirect_vreg.gather [hbm4b:s2+s10], $0x1, v1, vm0, $0x4038;
	[tilespmem:$0xFA00] =	vst v63  }
0x58: {  	s22 =	smov.u32 s21  }
0x59: {  	s20 =	sadd.s32 $0x40, s21;
	s23 =	sadd.s32 s19, s15;
	s19 =	sshra.s32 s22, $0x2  }
0x5a: {  	p0 =	sne.s32 s21, $0x63C0;
	v1 =	vld.msk [tilespmem:s23+$0x0 ss:$0x1], $0xffff  }
0x5b: {  	(ifvalue) =	ssetifvalue $0x7FFFFFFF;
	_ =	sdelay $0x4  }
0x5c: {  	vm1 =	vgt.s32 v1, $0x0  }
0x5d: {  	p1 =	sgt.s32 s18, $0x0;
	s21 =	smov.u32 s18;
	v1 =	vnsel vm1, $0x0, v1  }
0x5e: {  	s21 =	simm.s32 @!p1 $0x0;
	v1 =	vmin.u32 v1, $0x4E1FF  }
0x5f: {  	s21 =	smin.u32 s21, $0x10;
	v2 =	vshll.u32 v1, $0x2  }
0x60: {  	v3 =	vmov s21;
	v1 =	vand.u32 $0x7F, v1;
	v2 =	vand.u32 $0x1FFE00, v2  }
0x61: {  	vm1 =	vgt.u32 v3, v0;
	v1 =	vor.u32 v1, v2  }
0x62: {  	v2 =	vnsel vm1, $0x7FFFFFFF, v1;
	v3 =	vor.u32 $0x80, v1;
	v4 =	vor.u32 $0x100, v1  }
0x63: {  	v1 =	vor.u32 $0x180, v1  }
0x64: {  	s21 =	sand.u32 $0x7E00, s16;
	s16 =	smov.u32 s22  }
0x65: {  	s22 =	sand.u32 $0x70, s17;
	s21 =	sadd.s32 s21, s14;
	v3 =	vnsel vm1, $0x7FFFFFFF, v3  }
0x66: {  	s21 =	sadd.s32 s22, s21;
	(ifvalue) =	ssetifvalue $0x7FFFFFFF  }
0x67: {  	[tilespmem:s21], [sflag:$0x1] =	stream.indirect_vreg.gather [hbm4b:s2+s10], $0x1, v2, vm0, $0x4038;
	[tilespmem:$0xFA00] =	vst v63  }
0x68: {  	v2 =	vnsel vm1, $0x7FFFFFFF, v4;
	(ifvalue) =	ssetifvalue $0x7FFFFFFF  }
0x69: {  	s22 =	sadd.s32 $0x80, s21;
	(ifvalue) =	ssetifvalue $0x7FFFFFFF  }
0x6a: {  	[tilespmem:s22], [sflag:$0x1] =	stream.indirect_vreg.gather [hbm4b:s2+s10], $0x1, v3, vm0, $0x4038;
	[tilespmem:$0xFA00] =	vst v63  }
.Ltmp3:
0x6b: {  	v1 =	vnsel vm1, $0x7FFFFFFF, v1;
	(ifvalue) =	ssetifvalue $0x7FFFFFFF;
	(pc) =	sbr.rel @p0 .LBB2_3-.Ltmp3, $4  }
0x6c: {  	s22 =	sadd.s32 $0x100, s21;
	(ifvalue) =	ssetifvalue $0x7FFFFFFF  }
0x6d: {  	[tilespmem:s22], [sflag:$0x1] =	stream.indirect_vreg.gather [hbm4b:s2+s10], $0x1, v2, vm0, $0x4038;
	[tilespmem:$0xFA00] =	vst v63  }
0x6e: {  	s18 =	sadd.s32 $0xFFFFFFF0, s18;
	s17 =	sadd.s32 $0x10, s17;
	(ifvalue) =	ssetifvalue $0x7FFFFFFF  }
0x6f: {  	s22 =	sadd.s32 $0x180, s21;
	s21 =	smov.u32 s20;
	(ifvalue) =	ssetifvalue $0x7FFFFFFF  }
.Ltmp4:
0x70: {  	_ = 	snop;
	(pc) =	sbr.rel .LBB2_4-.Ltmp4, $1  }
0x71: {  	_ =	sdelay $0x3  }
.LBB2_6:
0x72: {  	_ =	sfence.sel $0x180000  }
0x73: {  	s2 =	simm.s32 $0x2;
	[bflag:$0x0] =	sbarrier.arrive $0xFFFF  }
0x74: {  	s30 =	simm.s32 $0x3;
	[sflag:s2] =	ssyncpa.u1 $0x1  }
0x75: {  	s31 =	simm.s32 $0x1;
	[sflag:s30] =	ssyncpa.u1 $0x1  }
0x76: {  	[sflag:s31] =	ssyncpa.u1 $0x1  }
0x77: {  	p0 =	sne.s32 s1, $0x0;
	_ =	strace $0x9000004D  }
0x78: {  	s0 =	sadd.s32 @!p0 $0x100000, s0;
	[bflag:$0x2] =	sbarrier.arrive $0xFFFF  }
0x79: {  	[sflag:s0] =	ssyncadd.tile.s32 @!p0 $0x1;
	_ =	shalt  }
.Lfunc_end2:
_tile_overlayer_lowered:
.L_overlay_start_2:
0x7a: {  	(tag) =	ssettag $0x2  }
0x7b: {  	s0 =	rddreg [dreg:$0x0];
	s2 =	stileid.u32  }
0x7c: {  	s1 =	rddreg [dreg:$0x1];
	p0 =	sne.s32 s2, $0x0  }
0x7d: {  	s3 =	rddreg [dreg:$0x2];
	[bflag:$0x3] =	sbarrier.arrive $0xFFFF;
	s2 =	simm.s32 @!p0 $0x1C01  }
0x7e: {  	[timem:s3], [sflag:s2] =	dma.local @!p0 [hbm:s0], s1  }
0x7f: {  	s0 =	simm.s32 @!p0 $0x1  }
0x80: {  	_ =	swait.ge @!p0 [sflag:s0], s1  }
0x81: {  	s1 =	ssub.s32 @!p0 $0x0, s1;
	[sflag:s0] =	ssyncset.done @!p0 $0x0  }
0x82: {  	[sflag:s0] =	ssyncadd.s32 @!p0 s1  }
0x83: {  	[bflag:$0x3] =	sbarrier.arrive $0xFFFF  }
0x84: {  	_ =	shalt  }

// kernel: gather_offload_async_start
scs
__scs_entry_jumppad:
0x0: {  	(pc) =	sbr.rel $0x88, $3  }
0x1: {  	(tag) =	ssettag $0x0;
	lr =	simm.s32 $0x1  }
0x2: {  	[smem:$0x3F83] =	sst lr;
	_ =	strace $0xD0000000  }
0x3: {  	_ = 	snop  }
0x4: {  	_ = 	snop  }
0x5: {  	_ = 	snop  }
0x6: {  	_ = 	snop  }
0x7: {  	_ = 	snop  }
__scs_overlays_trampoline_lowered:
0x8: {  	[smem:$0x3F92] =	sst s0  }
0x9: {  	[smem:$0x3F93] =	sst s1  }
0xa: {  	[smem:$0x3F94] =	sst s2  }
0xb: {  	[smem:$0x3F95] =	sst s3  }
0xc: {  	[smem:$0x3F96] =	sst s4  }
0xd: {  	[smem:$0x3F97] =	sst s5  }
0xe: {  	[smem:$0x3F98] =	sst s6  }
0xf: {  	[smem:$0x3F99] =	sst s7  }
0x10: {  	[smem:$0x3F9A] =	sst s8  }
0x11: {  	[smem:$0x3F9B] =	sst s9;
	s0 =	simm.s32 @!p0 $0x0  }
0x12: {  	s1 =	sld [smem:$0x3F81];
	s0 =	simm.s32 @p0 $0x1  }
0x13: {  	[smem:$0x3F9C] =	sst s0;
	s0 =	simm.s32 @!p1 $0x0  }
0x14: {  	s2 =	sld [smem:$0x3F80];
	s0 =	simm.s32 @p1 $0x1  }
0x15: {  	[smem:$0x3F9D] =	sst s0;
	s0 =	simm.s32 @!p2 $0x0  }
0x16: {  	s3 =	sld [smem:$0x3FDB];
	s0 =	simm.s32 @p2 $0x1  }
0x17: {  	s4 =	simm.s32 $0x1BF5;
	[smem:$0x3F9F] =	sst s0  }
0x18: {  	s0 =	sld [smem:$0x3F82];
	_ =	swait.ge [sflag:s4], $0x0  }
0x19: {  	s7 =	sld [smem:$0x3F83]  }
0x1a: {  	s8 =	sadd.s32 $0xFFFFE003, lr  }
0x1b: {  	s9 =	sadd.s32 $0xFFFFFEF7, lr;
	s5 =	simm.s32 $0xFFFFFFFF;
	p2 =	slt.u32 s8, $0xFFFFF086  }
0x1c: {  	p1 =	slt.u32 s9, $0xF7A;
	s5 =	simm.s32 @!p2 $0x0  }
0x1d: {  	s5 =	simm.s32 @p1 $0x1;
	p0 =	seq.s32 s7, s2  }
0x1e: {  	s7 =	smul.u32 @!p0 $0xF7A, s2;
	p2 =	seq.s32 @!p0 s5, $0x0  }
0x1f: {  	s9 =	smul.u32 $0xF7A, s1;
	s8 =	simm.s32 @!p0 $0x1BF5;
	p2 =	por !p2, p0  }
0x20: {  	[sflag:s8] =	ssyncset.s32 @!p0 $0xFFFFF086;
	s6 =	sadd.s32 @!p0 s3, s7;
	s7 =	simm.s32 @!p0 $0x108  }
0x21: {  	s3 =	sadd.s32 s3, s9;
	s6 =	sadd.s32 @!p0 $0x88, s6;
	s7 =	simm.s32 @p2 $0x1082  }
0x22: {  	[simem:s7], [sflag:s8] =	dma.local @!p0 [hbm:s6], $0xF7A  }
0x23: {  	s9 =	sor.u32 $0xD0000000, s2;
	s6 =	simm.s32 $0x108;
	_ =	swait.ge @!p0 [sflag:s8], $0x0  }
0x24: {  	s3 =	sadd.s32 $0x88, s3;
	s6 =	simm.s32 @!p1 $0x1082;
	[sflag:s4] =	ssyncset.s32 $0xFFFFF086  }
0x25: {  	[simem:s6], [sflag:s4] =	dma.local [hbm:s3], $0xF7A  }
0x26: {  	[smem:$0x3F83] =	sst s1;
	(tag) =	ssettag s2;
	_ =	strace s9  }
0x27: {  	s1 =	sld [smem:$0x3F93]  }
0x28: {  	s2 =	sld [smem:$0x3F94]  }
0x29: {  	s4 =	sld [smem:$0x3F96]  }
0x2a: {  	p0 =	seq.s32 s5, $0x0;
	s5 =	sld [smem:$0x3F97]  }
0x2b: {  	s6 =	sld [smem:$0x3F98]  }
0x2c: {  	s7 =	sld [smem:$0x3F99]  }
0x2d: {  	s3 =	simm.s32 $0x108;
	s8 =	sld [smem:$0x3F9A]  }
0x2e: {  	s3 =	simm.s32 @!p0 $0x1082;
	s9 =	sld [smem:$0x3F9B]  }
0x2f: {  	lr =	sadd.s32 s0, s3;
	s0 =	sld [smem:$0x3F92]  }
0x30: {  	s3 =	sld [smem:$0x3F95]  }
0x31: {  	[smem:$0x3F9E] =	sst s10  }
0x32: {  	s10 =	sld [smem:$0x3F9C];
	_ =	sdelay $0x3  }
0x33: {  	p0 =	seq.s32 s10, $0x1;
	s10 =	sld [smem:$0x3F9E];
	_ =	sdelay $0x3  }
0x34: {  	[smem:$0x3F9E] =	sst s10  }
0x35: {  	s10 =	sld [smem:$0x3F9D];
	_ =	sdelay $0x3  }
0x36: {  	p1 =	seq.s32 s10, $0x1;
	s10 =	sld [smem:$0x3F9E];
	_ =	sdelay $0x3  }
0x37: {  	[smem:$0x3F9E] =	sst s10  }
0x38: {  	s10 =	sld [smem:$0x3F9F]  }
0x39: {  	_ = 	snop;
	(pc) =	sbr.ind lr, $3  }
0x3a: {  	_ = 	snop  }
0x3b: {  	_ = 	snop  }
0x3c: {  	p2 =	seq.s32 s10, $0x1;
	s10 =	sld [smem:$0x3F9E]  }
0x3d: {  	_ =	shalt  }
0x3e: {  	_ =	shalt  }
0x3f: {  	_ =	shalt  }
0x40: {  	_ =	shalt  }
0x41: {  	_ =	shalt  }
0x42: {  	_ =	shalt  }
0x43: {  	_ =	shalt  }
0x44: {  	_ =	shalt  }
0x45: {  	_ =	shalt  }
0x46: {  	_ =	shalt  }
0x47: {  	_ =	shalt  }
0x48: {  	_ =	shalt  }
0x49: {  	_ =	shalt  }
0x4a: {  	_ =	shalt  }
0x4b: {  	_ =	shalt  }
0x4c: {  	_ =	shalt  }
0x4d: {  	_ =	shalt  }
0x4e: {  	_ =	shalt  }
0x4f: {  	_ =	shalt  }
0x50: {  	_ =	shalt  }
0x51: {  	_ =	shalt  }
0x52: {  	_ =	shalt  }
0x53: {  	_ =	shalt  }
0x54: {  	_ =	shalt  }
0x55: {  	_ =	shalt  }
0x56: {  	_ =	shalt  }
0x57: {  	_ =	shalt  }
0x58: {  	_ =	shalt  }
0x59: {  	_ =	shalt  }
0x5a: {  	_ =	shalt  }
0x5b: {  	_ =	shalt  }
0x5c: {  	_ =	shalt  }
0x5d: {  	_ =	shalt  }
0x5e: {  	_ =	shalt  }
0x5f: {  	_ =	shalt  }
0x60: {  	_ =	shalt  }
0x61: {  	_ =	shalt  }
0x62: {  	_ =	shalt  }
0x63: {  	_ =	shalt  }
0x64: {  	_ =	shalt  }
0x65: {  	_ =	shalt  }
0x66: {  	_ =	shalt  }
0x67: {  	_ =	shalt  }
0x68: {  	_ =	shalt  }
0x69: {  	_ =	shalt  }
0x6a: {  	_ =	shalt  }
0x6b: {  	_ =	shalt  }
0x6c: {  	_ =	shalt  }
0x6d: {  	_ =	shalt  }
0x6e: {  	_ =	shalt  }
0x6f: {  	_ =	shalt  }
0x70: {  	_ =	shalt  }
0x71: {  	_ =	shalt  }
0x72: {  	_ =	shalt  }
0x73: {  	_ =	shalt  }
0x74: {  	_ =	shalt  }
0x75: {  	_ =	shalt  }
0x76: {  	_ =	shalt  }
0x77: {  	_ =	shalt  }
0x78: {  	_ =	shalt  }
0x79: {  	_ =	shalt  }
0x7a: {  	_ =	shalt  }
0x7b: {  	_ =	shalt  }
0x7c: {  	_ =	shalt  }
0x7d: {  	_ =	shalt  }
0x7e: {  	_ =	shalt  }
0x7f: {  	_ =	shalt  }
0x80: {  	_ =	shalt  }
0x81: {  	_ =	shalt  }
0x82: {  	_ =	shalt  }
0x83: {  	_ =	shalt  }
0x84: {  	_ =	shalt  }
0x85: {  	_ =	shalt  }
0x86: {  	_ =	shalt  }
0x87: {  	_ =	shalt  }
.Lfunc_end0:
.L_simem_size_0:
called_computation_lowered:
.L_overlay_start_0:
0x88: {  	s2 =	sld [smem:$0x3FD9]  }
0x89: {  	s3 =	sld [smem:$0x3FFE];
	_ =	sdelay $0x1  }
0x8a: {  	s1 =	srdreg.scid  }
0x8b: {  	s0 =	sand.u32 $0x1, s1  }
0x8c: {  	s17 =	sshll.u32 s0, $0xA;
	s2 =	sadd.s32 s3, s2  }
0x8d: {  	s2 =	sadd.s32 s2, s17  }
0x8e: {  	[smem:$0x3FAA] =	sst s2  }
0x8f: {  	_ = 	snop  }
0x90: {  	(tm) =	ssettm $0x1  }
0x91: {  	s18 =	sld [smem:$0x3FFB];
	_ =	sdelay $0x3  }
0x92: {  	_ =	strace s18  }
0x93: {  	s2 =	sld [smem:$0x3FFC];
	_ =	sdelay $0x3  }
0x94: {  	_ =	strace s2  }
0x95: {  	s2 =	sld [smem:$0x3FFD];
	_ =	sdelay $0x3  }
0x96: {  	_ =	strace s2  }
0x97: {  	_ =	strace $0x8FFFFFFF  }
0x98: {  	s19 =	sld [smem:$0x3FDB];
	_ =	sdelay $0x1  }
0x99: {  	s20 =	simm.s32 $_scs_section_size  }
0x9a: {  	s4 =	simm.s32 $_size__tile_overlayer_lowered;
	s5 =	simm.s32 $_tile_overlayer_lowered  }
0x9b: {  	s6 =	simm.s32 $0x1BFF;
	s21 =	sshll.u32 s5, $0x1;
	s3 =	sadd.s32 s20, s19  }
0x9c: {  	s22 =	simm.s32 $0x0;
	s4 =	sshll.u32 s4, $0x1;
	s5 =	sadd.s32 s21, s3  }
0x9d: {  	[timem:s22], [sflag:s6] =	dma.local [hbm:s5], s4  }
0x9e: {  	_ =	swait.ge [sflag:s6], s4  }
0x9f: {  	s4 =	ssub.s32 $0x0, s4;
	[sflag:s6] =	ssyncset.done $0x0  }
0xa0: {  	[sflag:s6] =	ssyncadd.s32 s4;
	_ =	sdelay $0x1  }
0xa1: {  	s23 =	simm.s32 $0x1B8B  }
0xa2: {  	_ =	swait.ge [sflag:s23], $0x1  }
0xa3: {  	[sflag:s23] =	ssyncset.done $0x0  }
0xa4: {  	[sflag:s23] =	ssyncadd.s32 $0xFFFFFFFF  }
0xa5: {  	s4 =	sld [smem:$0x0]  }
0xa6: {  	s5 =	sand.u32 $0xFFFFFFFE, s1  }
0xa7: {  	p0 =	sne.s32 s1, s5  }
0xa8: {  	s5 =	sshll.u32 @p0 s5, $0xE  }
0xa9: {  	s5 =	sadd.s32 @p0 $0x11B8D, s5;
	s6 =	sshll.u32 @p0 s4, $0x11  }
0xaa: {  	s5 =	sor.u32 @p0 s6, s5  }
0xab: {  	[sflag:s5] =	ssyncadd.remote.s32 @p0 $0x1;
	_ =	sdelay $0x1  }
0xac: {  	s5 =	simm.s32 @p0 $0x1B8D  }
0xad: {  	_ =	swait.eq @p0 [sflag:s5], $0x1  }
0xae: {  	[sflag:s5] =	ssyncadd.s32 @p0 $0xFFFFFFFF  }
0xaf: {  	s6 =	sshll.u32 @!p0 s1, $0xE  }
0xb0: {  	s6 =	sor.u32 @!p0 $0x4000, s6;
	s5 =	simm.s32 @!p0 $0x1B8D  }
0xb1: {  	s4 =	sshll.u32 @!p0 s4, $0x11;
	s6 =	sadd.s32 @!p0 $0x11B8D, s6;
	_ =	swait.eq @!p0 [sflag:s5], $0x1  }
0xb2: {  	s4 =	sor.u32 @!p0 s4, s6;
	[sflag:s5] =	ssyncadd.s32 @!p0 $0xFFFFFFFF  }
0xb3: {  	s25 =	simm.s32 $0x1B8E;
	s24 =	sld [smem:$0x3FFE];
	[sflag:s4] =	ssyncadd.remote.s32 @!p0 $0x1  }
0xb4: {  	s26 =	simm.s32 $execute0_lowered;
	[smem:$0x3FD2] =	sst s25  }
0xb5: {  	s5 =	sshll.u32 s26, $0x1;
	_ =	strace $0x80000049;
	[dreg:$0x1] =	wrdreg $0xFFFFFFFF  }
0xb6: {  	s28 =	simm.s32 $_size_execute0_lowered;
	s3 =	sadd.s32 s3, s5;
	[dreg:$0x0] =	wrdreg $0x0  }
0xb7: {  	s5 =	sshll.u32 s28, $0x1;
	[dreg:$0x2] =	wrdreg s3  }
0xb8: {  	[dreg:$0x3] =	wrdreg s5  }
0xb9: {  	[dreg:$0x4] =	wrdreg $0xC0  }
0xba: {  	_ =	task [dreg:s22], $0x5FFFF  }
0xbb: {  	[dreg:$0x1] =	wrdreg $0xFFFFFFFF  }
0xbc: {  	[dreg:$0x0] =	wrdreg $0x60  }
0xbd: {  	[dreg:$0x2] =	wrdreg s24  }
0xbe: {  	[dreg:$0x3] =	wrdreg $0xB  }
0xbf: {  	_ =	task.clear_ibuf [dreg:s22], $0x4FFFF;
	_ =	strace $0x90000049  }
0xc0: {  	s29 =	simm.s32 $0xB;
	_ =	strace $0x8000004B  }
0xc1: {  	_ =	swait.ge [sflag:s29], $0x1  }
0xc2: {  	[sflag:s29] =	ssyncadd.s32 $0xFFFFFFFF  }
0xc3: {  	_ =	strace $0x9000004B  }
0xc4: {  	_ =	sfence  }
0xc5: {  	s30 =	sld [smem:$0x0];
	_ =	sdelay $0x2  }
0xc6: {  	s31 =	sshll.u32 s1, $0xD;
	s1 =	sshrl.u32 s1, $0x2  }
0xc7: {  	s4 =	sand.u32 $0x4000, s31;
	s1 =	sadd.s32 s1, s30  }
0xc8: {  	s0 =	sor.u32 s4, s0;
	s1 =	sshll.u32 s1, $0x11  }
0xc9: {  	s0 =	sor.u32 s1, s0  }
0xca: {  	s0 =	sadd.s32 $0x8F2B, s0  }
0xcb: {  	[sflag:s0] =	ssyncadd.remote.s32 $0x1  }
0xcc: {  	_ =	sfence.sel $0xFFFF  }
0xcd: {  	[dreg:$0x0] =	wrdreg $0xFFFFFFFF;
	(pc) =	sbr.abs _section_cstart, $3  }
0xce: {  	[dreg:$0x1] =	wrdreg $0xFFFFFFFF  }
0xcf: {  	_ =	task.clear_ibuf [dreg:s22], $0x2FFFF;
	_ =	strace $0x9FFFFFFF  }
0xd0: {  	(tm) =	ssettm $0x7FFFFFFF  }
0xd1: {  	_ =	shalt  }
tec
execute0_lowered:
.L_overlay_start_1:
0x0: {  	(tag) =	ssettag $0x1  }
0x1: {  	s8 =	rddreg [dreg:$0x0]  }
0x2: {  	s0 =	rddreg [dreg:$0x1];
	_ =	strace $0x8000004A;
	s1 =	stileid.u32  }
0x3: {  	s3 =	srdreg.scid;
	s4 =	simm.s32 $0x1;
	s7 =	simm.s32 $0x1  }
0x4: {  	s9 =	simm.s32 $0x1;
	s10 =	simm.s32 $0x3;
	s13 =	simm.s32 $0x0  }
0x5: {  	s12 =	simm.s32 $0x0;
	s5 =	sand.u32 $0x1, s3;
	s6 =	sshll.u32 s1, $0x1  }
0x6: {  	s2 =	sadd.s32 $0x13000, s8;
	s3 =	sadd.s32 $0x1CE00, s8;
	s5 =	sor.u32 s6, s5  }
.Ltmp0:
0x7: {  	[sflag:s4] =	ssyncpa.u1 $0x0;
	p0 =	slt.u32 s5, $0x9;
	(pc) =	sbr.rel .LBB2_1-.Ltmp0, $4  }
0x8: {  	s6 =	simm.s32 $0x2;
	s7 =	simm.s32 @!p0 $0x0;
	p0 =	sne.s32 s5, $0x8  }
0x9: {  	[sflag:s6] =	ssyncpa.u1 $0x0;
	s5 =	smul.u32 $0x1F40, s5;
	s9 =	simm.s32 @!p0 $0x0  }
0xa: {  	s8 =	sadd.s32 $0x30A00, s8;
	[sflag:s10] =	ssyncpa.u1 $0x0;
	s7 =	sadd.s32 s9, s7  }
0xb: {  	vm0 =	vmmov $0xffff;
	s10 =	simm.s32 $0x0;
	s11 =	smov.u32 s5;
	s9 =	sadd.s32 $0x1, s7  }
.LBB2_4:
0xc: {  	v2 =	vnsel vm1, $0x0, v2  }
0xd: {  	vm1 =	vgt.s32 v0, $0x0;
	v2 =	vmin.u32 v2, $0x4E1FF  }
0xe: {  	v0 =	vnsel vm1, $0x0, v0  }
0xf: {  	v0 =	vmin.u32 v0, $0x4E1FF  }
0x10: {  	[tilespmem:s18], [sflag:$0x1] =	stream.indirect_vreg.gather [hbm4b:s2+s10], $0x1, v1, vm0, $0x4038;
	[tilespmem:$0x7D00] =	vst v63  }
0x11: {  	(ifvalue) =	ssetifvalue $0x7FFFFFFF  }
0x12: {  	[tilespmem:s15], [sflag:$0x1] =	stream.indirect_vreg.gather [hbm4b:s2+s10], $0x1, v2, vm0, $0x4038;
	[tilespmem:$0x7D00] =	vst v63  }
0x13: {  	s29 =	sadd.s32 $0x10, s15;
	(ifvalue) =	ssetifvalue $0x7FFFFFFF  }
0x14: {  	[tilespmem:s29], [sflag:$0x1] =	stream.indirect_vreg.gather [hbm4b:s2+s10], $0x1, v0, vm0, $0x4038;
	[tilespmem:$0x7D00] =	vst v63  }
0x15: {  	_ =	swait.ge [sflag:s4], $0x1F40  }
0x16: {  	s30 =	sshrl.u32 s13, $0x3;
	[sflag:s4] =	ssyncset.done $0x0  }
0x17: {  	s31 =	sand.u32 $0x7, s13;
	s15 =	sadd.s32 s8, s30;
	[sflag:s4] =	ssyncadd.s32 $0xFFFFE0C0  }
0x18: {  	[hbm4b:s15+s31] =	stream.linear.scatter [tilespmem:s14], [sflag:$0x3], $0x1F40, $0x38;
	[tilespmem:$0x7D00] =	vst v63  }
.LBB2_5:
0x19: {  	s15 =	sadd.s32 $0x3E800, s11  }
0x1a: {  	p1 =	sgt.s32 s15, $0x4E1FF  }
0x1b: {  	s15 =	smov.u32 @p1 s5;
	p1 =	sne.s32 s12, s9  }
.Ltmp1:
0x1c: {  	p0 =	slt.u32 s12, $0x2;
	(pc) =	sbr.rel @!p1 .LBB2_6-.Ltmp1, $4  }
0x1d: {  	s14 =	simm.s32 @!p0 $0x3  }
0x1e: {  	_ =	swait.ge @!p0 [sflag:s14], $0x1F40  }
0x1f: {  	s16 =	sadd.s32 $0x1, s12;
	s13 =	smov.u32 s11;
	[sflag:s14] =	ssyncset.done @!p0 $0x0  }
0x20: {  	s12 =	smov.u32 s16;
	s11 =	smov.u32 s15;
	[sflag:s14] =	ssyncadd.s32 @!p0 $0xFFFFE0C0  }
.LBB2_1:
0x21: {  	p0 =	sge.u32 s12, s7  }
0x22: {  	s14 =	sxor.u32 @!p0 $0x1, s12  }
0x23: {  	s14 =	smul.u32 @!p0 $0x7D00, s14  }
0x24: {  	s31 =	sadd.s32 $0xFFFFFFFF, s12;
	s15 =	sshrl.u32 @!p0 s11, $0x3  }
0x25: {  	s16 =	sand.u32 @!p0 $0x7, s11;
	s15 =	sadd.s32 @!p0 s3, s15;
	s14 =	sshra.s32 @!p0 s14, $0x2  }
0x26: {  	[tilespmem:s14], [sflag:$0x2] =	stream.linear.gather @!p0 [hbm4b:s15+s16], $0x1F40, $0x38;
	[tilespmem:$0x7D00] =	vst v63  }
0x27: {  	p0 =	sge.u32 s31, s7  }
.Ltmp2:
0x28: {  	_ = 	snop;
	(pc) =	sbr.rel @p0 .LBB2_5-.Ltmp2, $1  }
0x29: {  	_ =	sdelay $0x3  }
0x2a: {  	s14 =	sand.u32 $0x1, s12  }
0x2b: {  	_ =	swait.ge [sflag:s6], $0x1F40;
	p0 =	seq.s32 s14, $0x1;
	s14 =	simm.s32 $0x1F40  }
0x2c: {  	[sflag:s6] =	ssyncset.done $0x0;
	s14 =	simm.s32 @!p0 $0x0  }
0x2d: {  	[sflag:s6] =	ssyncadd.s32 $0xFFFFE0C0;
	(ifvalue) =	ssetifvalue $0x7FFFFFFF;
	v0 =	vld.msk [tilespmem:s14+$0x0 ss:$0x1], $0xffff;
	_ =	sdelay $0x4  }
0x2e: {  	s15 =	sadd.s32 $0x10, s14;
	vm1 =	vgt.s32 v0, $0x0  }
0x2f: {  	v2 =	vld.msk [tilespmem:s15+$0x0 ss:$0x1], $0xffff;
	v1 =	vnsel vm1, $0x0, v0  }
0x30: {  	v1 =	vmin.u32 v1, $0x4E1FF;
	_ =	sdelay $0x2  }
0x31: {  	s17 =	simm.s32 $0x20;
	s14 =	sadd.s32 $0x3E80, s14;
	s16 =	sadd.s32 $0x10, s15  }
0x32: {  	s15 =	sadd.s32 $0x10, s14;
	s18 =	smov.u32 s14;
	v0 =	vld.msk [tilespmem:s16+$0x0 ss:$0x1], $0xffff;
	vm1 =	vgt.s32 v2, $0x0;
	(ifvalue) =	ssetifvalue $0x7FFFFFFF  }
.LBB2_3:
0x33: {  	[tilespmem:s18], [sflag:$0x1] =	stream.indirect_vreg.gather [hbm4b:s2+s10], $0x1, v1, vm0, $0x4038;
	[tilespmem:$0x7D00] =	vst v63  }
0x34: {  	s17 =	sadd.s32 $0x10, s17  }
0x35: {  	v2 =	vnsel vm1, $0x0, v2;
	p0 =	slt.u32 s17, $0x1F30  }
.Ltmp3:
0x36: {  	s18 =	smov.u32 s15;
	v1 =	vmin.u32 v2, $0x4E1FF;
	(pc) =	sbr.rel @p0 .LBB2_3-.Ltmp3, $3  }
0x37: {  	_ =	sdelay $0x1  }
0x38: {  	s16 =	sadd.s32 $0x10, s16  }
0x39: {  	vm1 =	vgt.s32 v0, $0x0;
	s15 =	sadd.s32 $0x10, s15;
	v2 =	vmov v0;
	(ifvalue) =	ssetifvalue $0x7FFFFFFF;
	v0 =	vld.msk [tilespmem:s16+$0x0 ss:$0x1], $0xffff  }
.Ltmp4:
0x3a: {  	_ = 	snop;
	(pc) =	sbr.rel .LBB2_4-.Ltmp4, $1  }
0x3b: {  	_ =	sdelay $0x3  }
.LBB2_6:
0x3c: {  	_ =	sfence.sel $0x180000  }
0x3d: {  	s2 =	simm.s32 $0x2;
	[bflag:$0x0] =	sbarrier.arrive $0xFFFF  }
0x3e: {  	s30 =	simm.s32 $0x3;
	[sflag:s2] =	ssyncpa.u1 $0x1  }
0x3f: {  	s31 =	simm.s32 $0x1;
	[sflag:s30] =	ssyncpa.u1 $0x1  }
0x40: {  	[sflag:s31] =	ssyncpa.u1 $0x1  }
0x41: {  	p0 =	sne.s32 s1, $0x0;
	_ =	strace $0x9000004A  }
0x42: {  	s0 =	sadd.s32 @!p0 $0x100000, s0;
	[bflag:$0x2] =	sbarrier.arrive $0xFFFF  }
0x43: {  	[sflag:s0] =	ssyncadd.tile.s32 @!p0 $0x1;
	_ =	shalt  }
.Lfunc_end2:
_tile_overlayer_lowered:
.L_overlay_start_2:
0x44: {  	(tag) =	ssettag $0x2  }
0x45: {  	s0 =	rddreg [dreg:$0x0];
	s2 =	stileid.u32  }
0x46: {  	s1 =	rddreg [dreg:$0x1];
	p0 =	sne.s32 s2, $0x0  }
0x47: {  	s3 =	rddreg [dreg:$0x2];
	[bflag:$0x3] =	sbarrier.arrive $0xFFFF;
	s2 =	simm.s32 @!p0 $0x1C01  }
0x48: {  	[timem:s3], [sflag:s2] =	dma.local @!p0 [hbm:s0], s1  }
0x49: {  	s0 =	simm.s32 @!p0 $0x1  }
0x4a: {  	_ =	swait.ge @!p0 [sflag:s0], s1  }
0x4b: {  	s1 =	ssub.s32 @!p0 $0x0, s1;
	[sflag:s0] =	ssyncset.done @!p0 $0x0  }
0x4c: {  	[sflag:s0] =	ssyncadd.s32 @!p0 s1  }
0x4d: {  	[bflag:$0x3] =	sbarrier.arrive $0xFFFF  }
0x4e: {  	_ =	shalt  }

// kernel: kernel.18.cloned.1.call-start
scs
__scs_entry_jumppad:
0x0: {  	(pc) =	sbr.rel $0x88, $3  }
0x1: {  	(tag) =	ssettag $0x0;
	lr =	simm.s32 $0x1  }
0x2: {  	[smem:$0x3F83] =	sst lr;
	_ =	strace $0xD0000000  }
0x3: {  	_ = 	snop  }
0x4: {  	_ = 	snop  }
0x5: {  	_ = 	snop  }
0x6: {  	_ = 	snop  }
0x7: {  	_ = 	snop  }
__scs_overlays_trampoline_lowered:
0x8: {  	[smem:$0x3F92] =	sst s0  }
0x9: {  	[smem:$0x3F93] =	sst s1  }
0xa: {  	[smem:$0x3F94] =	sst s2  }
0xb: {  	[smem:$0x3F95] =	sst s3  }
0xc: {  	[smem:$0x3F96] =	sst s4  }
0xd: {  	[smem:$0x3F97] =	sst s5  }
0xe: {  	[smem:$0x3F98] =	sst s6  }
0xf: {  	[smem:$0x3F99] =	sst s7  }
0x10: {  	[smem:$0x3F9A] =	sst s8  }
0x11: {  	[smem:$0x3F9B] =	sst s9;
	s0 =	simm.s32 @!p0 $0x0  }
0x12: {  	s1 =	sld [smem:$0x3F81];
	s0 =	simm.s32 @p0 $0x1  }
0x13: {  	[smem:$0x3F9C] =	sst s0;
	s0 =	simm.s32 @!p1 $0x0  }
0x14: {  	s2 =	sld [smem:$0x3F80];
	s0 =	simm.s32 @p1 $0x1  }
0x15: {  	[smem:$0x3F9D] =	sst s0;
	s0 =	simm.s32 @!p2 $0x0  }
0x16: {  	s3 =	sld [smem:$0x3FDB];
	s0 =	simm.s32 @p2 $0x1  }
0x17: {  	s4 =	simm.s32 $0x1BF5;
	[smem:$0x3F9F] =	sst s0  }
0x18: {  	s0 =	sld [smem:$0x3F82];
	_ =	swait.ge [sflag:s4], $0x0  }
0x19: {  	s7 =	sld [smem:$0x3F83]  }
0x1a: {  	s8 =	sadd.s32 $0xFFFFE003, lr  }
0x1b: {  	s9 =	sadd.s32 $0xFFFFFEF7, lr;
	s5 =	simm.s32 $0xFFFFFFFF;
	p2 =	slt.u32 s8, $0xFFFFF086  }
0x1c: {  	p1 =	slt.u32 s9, $0xF7A;
	s5 =	simm.s32 @!p2 $0x0  }
0x1d: {  	s5 =	simm.s32 @p1 $0x1;
	p0 =	seq.s32 s7, s2  }
0x1e: {  	s7 =	smul.u32 @!p0 $0xF7A, s2;
	p2 =	seq.s32 @!p0 s5, $0x0  }
0x1f: {  	s9 =	smul.u32 $0xF7A, s1;
	s8 =	simm.s32 @!p0 $0x1BF5;
	p2 =	por !p2, p0  }
0x20: {  	[sflag:s8] =	ssyncset.s32 @!p0 $0xFFFFF086;
	s6 =	sadd.s32 @!p0 s3, s7;
	s7 =	simm.s32 @!p0 $0x108  }
0x21: {  	s3 =	sadd.s32 s3, s9;
	s6 =	sadd.s32 @!p0 $0x88, s6;
	s7 =	simm.s32 @p2 $0x1082  }
0x22: {  	[simem:s7], [sflag:s8] =	dma.local @!p0 [hbm:s6], $0xF7A  }
0x23: {  	s9 =	sor.u32 $0xD0000000, s2;
	s6 =	simm.s32 $0x108;
	_ =	swait.ge @!p0 [sflag:s8], $0x0  }
0x24: {  	s3 =	sadd.s32 $0x88, s3;
	s6 =	simm.s32 @!p1 $0x1082;
	[sflag:s4] =	ssyncset.s32 $0xFFFFF086  }
0x25: {  	[simem:s6], [sflag:s4] =	dma.local [hbm:s3], $0xF7A  }
0x26: {  	[smem:$0x3F83] =	sst s1;
	(tag) =	ssettag s2;
	_ =	strace s9  }
0x27: {  	s1 =	sld [smem:$0x3F93]  }
0x28: {  	s2 =	sld [smem:$0x3F94]  }
0x29: {  	s4 =	sld [smem:$0x3F96]  }
0x2a: {  	p0 =	seq.s32 s5, $0x0;
	s5 =	sld [smem:$0x3F97]  }
0x2b: {  	s6 =	sld [smem:$0x3F98]  }
0x2c: {  	s7 =	sld [smem:$0x3F99]  }
0x2d: {  	s3 =	simm.s32 $0x108;
	s8 =	sld [smem:$0x3F9A]  }
0x2e: {  	s3 =	simm.s32 @!p0 $0x1082;
	s9 =	sld [smem:$0x3F9B]  }
0x2f: {  	lr =	sadd.s32 s0, s3;
	s0 =	sld [smem:$0x3F92]  }
0x30: {  	s3 =	sld [smem:$0x3F95]  }
0x31: {  	[smem:$0x3F9E] =	sst s10  }
0x32: {  	s10 =	sld [smem:$0x3F9C];
	_ =	sdelay $0x3  }
0x33: {  	p0 =	seq.s32 s10, $0x1;
	s10 =	sld [smem:$0x3F9E];
	_ =	sdelay $0x3  }
0x34: {  	[smem:$0x3F9E] =	sst s10  }
0x35: {  	s10 =	sld [smem:$0x3F9D];
	_ =	sdelay $0x3  }
0x36: {  	p1 =	seq.s32 s10, $0x1;
	s10 =	sld [smem:$0x3F9E];
	_ =	sdelay $0x3  }
0x37: {  	[smem:$0x3F9E] =	sst s10  }
0x38: {  	s10 =	sld [smem:$0x3F9F]  }
0x39: {  	_ = 	snop;
	(pc) =	sbr.ind lr, $3  }
0x3a: {  	_ = 	snop  }
0x3b: {  	_ = 	snop  }
0x3c: {  	p2 =	seq.s32 s10, $0x1;
	s10 =	sld [smem:$0x3F9E]  }
0x3d: {  	_ =	shalt  }
0x3e: {  	_ =	shalt  }
0x3f: {  	_ =	shalt  }
0x40: {  	_ =	shalt  }
0x41: {  	_ =	shalt  }
0x42: {  	_ =	shalt  }
0x43: {  	_ =	shalt  }
0x44: {  	_ =	shalt  }
0x45: {  	_ =	shalt  }
0x46: {  	_ =	shalt  }
0x47: {  	_ =	shalt  }
0x48: {  	_ =	shalt  }
0x49: {  	_ =	shalt  }
0x4a: {  	_ =	shalt  }
0x4b: {  	_ =	shalt  }
0x4c: {  	_ =	shalt  }
0x4d: {  	_ =	shalt  }
0x4e: {  	_ =	shalt  }
0x4f: {  	_ =	shalt  }
0x50: {  	_ =	shalt  }
0x51: {  	_ =	shalt  }
0x52: {  	_ =	shalt  }
0x53: {  	_ =	shalt  }
0x54: {  	_ =	shalt  }
0x55: {  	_ =	shalt  }
0x56: {  	_ =	shalt  }
0x57: {  	_ =	shalt  }
0x58: {  	_ =	shalt  }
0x59: {  	_ =	shalt  }
0x5a: {  	_ =	shalt  }
0x5b: {  	_ =	shalt  }
0x5c: {  	_ =	shalt  }
0x5d: {  	_ =	shalt  }
0x5e: {  	_ =	shalt  }
0x5f: {  	_ =	shalt  }
0x60: {  	_ =	shalt  }
0x61: {  	_ =	shalt  }
0x62: {  	_ =	shalt  }
0x63: {  	_ =	shalt  }
0x64: {  	_ =	shalt  }
0x65: {  	_ =	shalt  }
0x66: {  	_ =	shalt  }
0x67: {  	_ =	shalt  }
0x68: {  	_ =	shalt  }
0x69: {  	_ =	shalt  }
0x6a: {  	_ =	shalt  }
0x6b: {  	_ =	shalt  }
0x6c: {  	_ =	shalt  }
0x6d: {  	_ =	shalt  }
0x6e: {  	_ =	shalt  }
0x6f: {  	_ =	shalt  }
0x70: {  	_ =	shalt  }
0x71: {  	_ =	shalt  }
0x72: {  	_ =	shalt  }
0x73: {  	_ =	shalt  }
0x74: {  	_ =	shalt  }
0x75: {  	_ =	shalt  }
0x76: {  	_ =	shalt  }
0x77: {  	_ =	shalt  }
0x78: {  	_ =	shalt  }
0x79: {  	_ =	shalt  }
0x7a: {  	_ =	shalt  }
0x7b: {  	_ =	shalt  }
0x7c: {  	_ =	shalt  }
0x7d: {  	_ =	shalt  }
0x7e: {  	_ =	shalt  }
0x7f: {  	_ =	shalt  }
0x80: {  	_ =	shalt  }
0x81: {  	_ =	shalt  }
0x82: {  	_ =	shalt  }
0x83: {  	_ =	shalt  }
0x84: {  	_ =	shalt  }
0x85: {  	_ =	shalt  }
0x86: {  	_ =	shalt  }
0x87: {  	_ =	shalt  }
.Lfunc_end0:
.L_simem_size_0:
called_computation.3_lowered:
.L_overlay_start_0:
0x88: {  	s2 =	sld [smem:$0x3FD9]  }
0x89: {  	s3 =	sld [smem:$0x3FFE];
	_ =	sdelay $0x1  }
0x8a: {  	s1 =	srdreg.scid  }
0x8b: {  	s0 =	sand.u32 $0x1, s1  }
0x8c: {  	s17 =	sshll.u32 s0, $0xA;
	s2 =	sadd.s32 s3, s2  }
0x8d: {  	s2 =	sadd.s32 s2, s17  }
0x8e: {  	[smem:$0x3FAA] =	sst s2  }
0x8f: {  	_ = 	snop  }
0x90: {  	(tm) =	ssettm $0x1  }
0x91: {  	s18 =	sld [smem:$0x3FFB];
	_ =	sdelay $0x3  }
0x92: {  	_ =	strace s18  }
0x93: {  	s2 =	sld [smem:$0x3FFC];
	_ =	sdelay $0x3  }
0x94: {  	_ =	strace s2  }
0x95: {  	s2 =	sld [smem:$0x3FFD];
	_ =	sdelay $0x3  }
0x96: {  	_ =	strace s2  }
0x97: {  	_ =	strace $0x8FFFFFFF  }
0x98: {  	s19 =	sld [smem:$0x3FDB];
	_ =	sdelay $0x1  }
0x99: {  	s20 =	simm.s32 $_scs_section_size  }
0x9a: {  	s4 =	simm.s32 $_size__tile_overlayer_lowered;
	s5 =	simm.s32 $_tile_overlayer_lowered  }
0x9b: {  	s6 =	simm.s32 $0x1BFF;
	s21 =	sshll.u32 s5, $0x1;
	s3 =	sadd.s32 s20, s19  }
0x9c: {  	s22 =	simm.s32 $0x0;
	s4 =	sshll.u32 s4, $0x1;
	s5 =	sadd.s32 s21, s3  }
0x9d: {  	[timem:s22], [sflag:s6] =	dma.local [hbm:s5], s4  }
0x9e: {  	_ =	swait.ge [sflag:s6], s4  }
0x9f: {  	s4 =	ssub.s32 $0x0, s4;
	[sflag:s6] =	ssyncset.done $0x0  }
0xa0: {  	[sflag:s6] =	ssyncadd.s32 s4;
	_ =	sdelay $0x1  }
0xa1: {  	s23 =	simm.s32 $0x1B8B  }
0xa2: {  	_ =	swait.ge [sflag:s23], $0x1  }
0xa3: {  	[sflag:s23] =	ssyncset.done $0x0  }
0xa4: {  	[sflag:s23] =	ssyncadd.s32 $0xFFFFFFFF  }
0xa5: {  	s4 =	sld [smem:$0x0]  }
0xa6: {  	s5 =	sand.u32 $0xFFFFFFFE, s1  }
0xa7: {  	p0 =	sne.s32 s1, s5  }
0xa8: {  	s5 =	sshll.u32 @p0 s5, $0xE  }
0xa9: {  	s5 =	sadd.s32 @p0 $0x11B8D, s5;
	s6 =	sshll.u32 @p0 s4, $0x11  }
0xaa: {  	s5 =	sor.u32 @p0 s6, s5  }
0xab: {  	[sflag:s5] =	ssyncadd.remote.s32 @p0 $0x1;
	_ =	sdelay $0x1  }
0xac: {  	s5 =	simm.s32 @p0 $0x1B8D  }
0xad: {  	_ =	swait.eq @p0 [sflag:s5], $0x1  }
0xae: {  	[sflag:s5] =	ssyncadd.s32 @p0 $0xFFFFFFFF  }
0xaf: {  	s6 =	sshll.u32 @!p0 s1, $0xE  }
0xb0: {  	s6 =	sor.u32 @!p0 $0x4000, s6;
	s5 =	simm.s32 @!p0 $0x1B8D  }
0xb1: {  	s4 =	sshll.u32 @!p0 s4, $0x11;
	s6 =	sadd.s32 @!p0 $0x11B8D, s6;
	_ =	swait.eq @!p0 [sflag:s5], $0x1  }
0xb2: {  	s4 =	sor.u32 @!p0 s4, s6;
	[sflag:s5] =	ssyncadd.s32 @!p0 $0xFFFFFFFF  }
0xb3: {  	s25 =	simm.s32 $0x1B8E;
	s24 =	sld [smem:$0x3FFE];
	[sflag:s4] =	ssyncadd.remote.s32 @!p0 $0x1  }
0xb4: {  	s26 =	simm.s32 $execute0_lowered;
	[smem:$0x3FD2] =	sst s25  }
0xb5: {  	s5 =	sshll.u32 s26, $0x1;
	_ =	strace $0x8000004F;
	[dreg:$0x1] =	wrdreg $0xFFFFFFFF  }
0xb6: {  	s28 =	simm.s32 $_size_execute0_lowered;
	s3 =	sadd.s32 s3, s5;
	[dreg:$0x0] =	wrdreg $0x0  }
0xb7: {  	s5 =	sshll.u32 s28, $0x1;
	[dreg:$0x2] =	wrdreg s3  }
0xb8: {  	[dreg:$0x3] =	wrdreg s5  }
0xb9: {  	[dreg:$0x4] =	wrdreg $0xC0  }
0xba: {  	_ =	task [dreg:s22], $0x5FFFF  }
0xbb: {  	[dreg:$0x1] =	wrdreg $0xFFFFFFFF  }
0xbc: {  	[dreg:$0x0] =	wrdreg $0x60  }
0xbd: {  	[dreg:$0x2] =	wrdreg s24  }
0xbe: {  	[dreg:$0x3] =	wrdreg $0xA  }
0xbf: {  	_ =	task.clear_ibuf [dreg:s22], $0x4FFFF;
	_ =	strace $0x9000004F  }
0xc0: {  	s29 =	simm.s32 $0xA;
	_ =	strace $0x80000051  }
0xc1: {  	_ =	swait.ge [sflag:s29], $0x1  }
0xc2: {  	[sflag:s29] =	ssyncadd.s32 $0xFFFFFFFF  }
0xc3: {  	_ =	strace $0x90000051  }
0xc4: {  	_ =	sfence  }
0xc5: {  	s30 =	sld [smem:$0x0];
	_ =	sdelay $0x2  }
0xc6: {  	s31 =	sshll.u32 s1, $0xD;
	s1 =	sshrl.u32 s1, $0x2  }
0xc7: {  	s4 =	sand.u32 $0x4000, s31;
	s1 =	sadd.s32 s1, s30  }
0xc8: {  	s0 =	sor.u32 s4, s0;
	s1 =	sshll.u32 s1, $0x11  }
0xc9: {  	s0 =	sor.u32 s1, s0  }
0xca: {  	s0 =	sadd.s32 $0x8F2B, s0  }
0xcb: {  	[sflag:s0] =	ssyncadd.remote.s32 $0x1  }
0xcc: {  	_ =	sfence.sel $0xFFFF  }
0xcd: {  	[dreg:$0x0] =	wrdreg $0xFFFFFFFF;
	(pc) =	sbr.abs _section_cstart, $3  }
0xce: {  	[dreg:$0x1] =	wrdreg $0xFFFFFFFF  }
0xcf: {  	_ =	task.clear_ibuf [dreg:s22], $0x2FFFF;
	_ =	strace $0x9FFFFFFF  }
0xd0: {  	(tm) =	ssettm $0x7FFFFFFF  }
0xd1: {  	_ =	shalt  }
tec
execute0_lowered:
.L_overlay_start_1:
0x0: {  	(tag) =	ssettag $0x1  }
0x1: {  	s4 =	rddreg [dreg:$0x0]  }
0x2: {  	s0 =	rddreg [dreg:$0x1]  }
0x3: {  	s3 =	srdreg.scid;
	s1 =	stileid.u32;
	s2 =	simm.s32 $0x0  }
0x4: {  	s10 =	simm.s32 $0x1;
	s11 =	simm.s32 $0x0;
	s6 =	smul.u32 $0x4E20, s1  }
0x5: {  	s5 =	sand.u32 $0x1, s3;
	[smem:$0x7FF] =	sst s2;
	s8 =	smul.u32 $0x4E200, s1  }
0x6: {  	s3 =	sadd.s32 $0x61A00, s4;
	s7 =	smul.u32 $0x2710, s5;
	s9 =	ssub.s32 $0x2, s5  }
0x7: {  	_ =	strace $0x80000050;
	s5 =	smul.u32 $0x27100, s5;
	s31 =	sshrl.u32 s9, $0x1  }
0x8: {  	s30 =	sadd.s32 s8, s4;
	s6 =	sadd.s32 s7, s6;
	s8 =	ssub.s32 s9, s31  }
0x9: {  	s5 =	sadd.s32 s5, s30;
	s7 =	simm.s32 $0x2;
	s6 =	sshrl.u32 s6, $0x3  }
0xa: {  	s9 =	simm.s32 $0x100;
	s5 =	sadd.s32 $0x88C00, s5;
	s6 =	sadd.s32 s6, s4  }
0xb: {  	s4 =	smax.u32 s8, $0x1;
	s8 =	simm.s32 $0xC8;
	s6 =	sadd.s32 $0x26C00, s6  }
.LBB2_1:
0xc: {  	s12 =	sadd.s32 $0x0, s6  }
0xd: {  	[tilespmem:s2], [sflag:$0x2] =	stream.linear.gather [hbm4b:s12+s2], $0xC8, $0x38;
	[tilespmem:$0x6500] =	vst v63  }
0xe: {  	_ =	swait.ge [sflag:s7], $0xC8  }
0xf: {  	[sflag:s7] =	ssyncset.done $0x0  }
0x10: {  	[sflag:s7] =	ssyncadd.s32 $0xFFFFFF38  }
0x11: {  	[tilespmem:s9], [sflag:$0x1] =	stream.indirect.gather [hbm4b:s3+s8], $0x80, s2, s8, $0xb8;
	[tilespmem:$0x6500] =	vst v63  }
0x12: {  	_ =	swait.ge [sflag:s10], $0x6400  }
0x13: {  	[sflag:s10] =	ssyncset.done $0x0  }
0x14: {  	[sflag:s10] =	ssyncadd.s32 $0xFFFF9C00  }
0x15: {  	[hbm4b:s5+s2] =	stream.linear.scatter [tilespmem:s9], [sflag:$0x2], $0x6400, $0x38;
	[tilespmem:$0x6500] =	vst v63  }
0x16: {  	s13 =	simm.s32 $0x19;
	_ =	swait.ge [sflag:s7], $0x6400  }
0x17: {  	s14 =	simm.s32 $0x32;
	s12 =	sadd.s32 $0xC80, s5;
	[sflag:s7] =	ssyncset.done $0x0  }
.LBB2_2:
0x18: {  	s15 =	sadd.s32 s13, s6  }
0x19: {  	[sflag:s7] =	ssyncadd.s32 $0xFFFF9C00;
	s13 =	smov.u32 s14;
	s16 =	sadd.s32 $0x19, s14  }
0x1a: {  	[tilespmem:s2], [sflag:$0x2] =	stream.linear.gather [hbm4b:s15+s2], $0xC8, $0x38;
	[tilespmem:$0x6500] =	vst v63  }
0x1b: {  	p0 =	sne.s32 s14, $0x4C9;
	_ =	swait.ge [sflag:s7], $0xC8  }
0x1c: {  	[sflag:s7] =	ssyncset.done $0x0  }
0x1d: {  	[sflag:s7] =	ssyncadd.s32 $0xFFFFFF38  }
0x1e: {  	[tilespmem:s9], [sflag:$0x1] =	stream.indirect.gather [hbm4b:s3+s8], $0x80, s2, s8, $0xb8;
	[tilespmem:$0x6500] =	vst v63  }
0x1f: {  	_ =	swait.ge [sflag:s10], $0x6400  }
.Ltmp0:
0x20: {  	[sflag:s10] =	ssyncset.done $0x0;
	(pc) =	sbr.rel @p0 .LBB2_2-.Ltmp0, $4  }
0x21: {  	[sflag:s10] =	ssyncadd.s32 $0xFFFF9C00  }
0x22: {  	[hbm4b:s12+s2] =	stream.linear.scatter [tilespmem:s9], [sflag:$0x2], $0x6400, $0x38;
	[tilespmem:$0x6500] =	vst v63  }
0x23: {  	_ =	swait.ge [sflag:s7], $0x6400  }
0x24: {  	s14 =	smov.u32 s16;
	s12 =	sadd.s32 $0xC80, s12;
	[sflag:s7] =	ssyncset.done $0x0  }
0x25: {  	s13 =	sadd.s32 s13, s6;
	[sflag:s7] =	ssyncadd.s32 $0xFFFF9C00  }
0x26: {  	[tilespmem:s2], [sflag:$0x2] =	stream.linear.gather [hbm4b:s13+s2], $0xC8, $0x38;
	[tilespmem:$0x6500] =	vst v63  }
0x27: {  	_ =	swait.ge [sflag:s7], $0xC8  }
0x28: {  	[sflag:s7] =	ssyncset.done $0x0  }
0x29: {  	[sflag:s7] =	ssyncadd.s32 $0xFFFFFF38  }
0x2a: {  	[tilespmem:s9], [sflag:$0x1] =	stream.indirect.gather [hbm4b:s3+s8], $0x80, s2, s8, $0xb8;
	[tilespmem:$0x6500] =	vst v63  }
0x2b: {  	s11 =	sadd.s32 $0x1, s11;
	_ =	swait.ge [sflag:s10], $0x6400  }
0x2c: {  	p0 =	sne.s32 s11, s4;
	[sflag:s10] =	ssyncset.done $0x0  }
.Ltmp1:
0x2d: {  	[sflag:s10] =	ssyncadd.s32 $0xFFFF9C00;
	(pc) =	sbr.rel @p0 .LBB2_1-.Ltmp1, $4  }
0x2e: {  	[hbm4b:s12+s2] =	stream.linear.scatter [tilespmem:s9], [sflag:$0x2], $0x6400, $0x38;
	[tilespmem:$0x6500] =	vst v63  }
0x2f: {  	_ =	swait.ge [sflag:s7], $0x6400  }
0x30: {  	[sflag:s7] =	ssyncset.done $0x0  }
0x31: {  	[sflag:s7] =	ssyncadd.s32 $0xFFFF9C00  }
0x32: {  	_ =	sfence.sel $0x180000  }
0x33: {  	[bflag:$0x0] =	sbarrier.arrive $0xFFFF  }
0x34: {  	p0 =	sne.s32 s1, $0x0;
	_ =	strace $0x90000050  }
0x35: {  	s0 =	sadd.s32 @!p0 $0x100000, s0;
	[bflag:$0x2] =	sbarrier.arrive $0xFFFF  }
0x36: {  	[sflag:s0] =	ssyncadd.tile.s32 @!p0 $0x1;
	_ =	shalt  }
.Lfunc_end2:
_tile_overlayer_lowered:
.L_overlay_start_2:
0x37: {  	(tag) =	ssettag $0x2  }
0x38: {  	s0 =	rddreg [dreg:$0x0];
	s2 =	stileid.u32  }
0x39: {  	s1 =	rddreg [dreg:$0x1];
	p0 =	sne.s32 s2, $0x0  }
0x3a: {  	s3 =	rddreg [dreg:$0x2];
	[bflag:$0x3] =	sbarrier.arrive $0xFFFF;
	s2 =	simm.s32 @!p0 $0x1C02  }
0x3b: {  	[timem:s3], [sflag:s2] =	dma.local @!p0 [hbm:s0], s1  }
0x3c: {  	s0 =	simm.s32 @!p0 $0x2  }
0x3d: {  	_ =	swait.ge @!p0 [sflag:s0], s1  }
0x3e: {  	s1 =	ssub.s32 @!p0 $0x0, s1;
	[sflag:s0] =	ssyncset.done @!p0 $0x0  }
0x3f: {  	[sflag:s0] =	ssyncadd.s32 @!p0 s1  }
0x40: {  	[bflag:$0x3] =	sbarrier.arrive $0xFFFF  }
0x41: {  	_ =	shalt  }

// kernel: kernel.21.cloned.1.call-start
scs
__scs_entry_jumppad:
0x0: {  	(pc) =	sbr.rel $0x88, $3  }
0x1: {  	(tag) =	ssettag $0x0;
	lr =	simm.s32 $0x1  }
0x2: {  	[smem:$0x3F83] =	sst lr;
	_ =	strace $0xD0000000  }
0x3: {  	_ = 	snop  }
0x4: {  	_ = 	snop  }
0x5: {  	_ = 	snop  }
0x6: {  	_ = 	snop  }
0x7: {  	_ = 	snop  }
__scs_overlays_trampoline_lowered:
0x8: {  	[smem:$0x3F92] =	sst s0  }
0x9: {  	[smem:$0x3F93] =	sst s1  }
0xa: {  	[smem:$0x3F94] =	sst s2  }
0xb: {  	[smem:$0x3F95] =	sst s3  }
0xc: {  	[smem:$0x3F96] =	sst s4  }
0xd: {  	[smem:$0x3F97] =	sst s5  }
0xe: {  	[smem:$0x3F98] =	sst s6  }
0xf: {  	[smem:$0x3F99] =	sst s7  }
0x10: {  	[smem:$0x3F9A] =	sst s8  }
0x11: {  	[smem:$0x3F9B] =	sst s9;
	s0 =	simm.s32 @!p0 $0x0  }
0x12: {  	s1 =	sld [smem:$0x3F81];
	s0 =	simm.s32 @p0 $0x1  }
0x13: {  	[smem:$0x3F9C] =	sst s0;
	s0 =	simm.s32 @!p1 $0x0  }
0x14: {  	s2 =	sld [smem:$0x3F80];
	s0 =	simm.s32 @p1 $0x1  }
0x15: {  	[smem:$0x3F9D] =	sst s0;
	s0 =	simm.s32 @!p2 $0x0  }
0x16: {  	s3 =	sld [smem:$0x3FDB];
	s0 =	simm.s32 @p2 $0x1  }
0x17: {  	s4 =	simm.s32 $0x1BF5;
	[smem:$0x3F9F] =	sst s0  }
0x18: {  	s0 =	sld [smem:$0x3F82];
	_ =	swait.ge [sflag:s4], $0x0  }
0x19: {  	s7 =	sld [smem:$0x3F83]  }
0x1a: {  	s8 =	sadd.s32 $0xFFFFE003, lr  }
0x1b: {  	s9 =	sadd.s32 $0xFFFFFEF7, lr;
	s5 =	simm.s32 $0xFFFFFFFF;
	p2 =	slt.u32 s8, $0xFFFFF086  }
0x1c: {  	p1 =	slt.u32 s9, $0xF7A;
	s5 =	simm.s32 @!p2 $0x0  }
0x1d: {  	s5 =	simm.s32 @p1 $0x1;
	p0 =	seq.s32 s7, s2  }
0x1e: {  	s7 =	smul.u32 @!p0 $0xF7A, s2;
	p2 =	seq.s32 @!p0 s5, $0x0  }
0x1f: {  	s9 =	smul.u32 $0xF7A, s1;
	s8 =	simm.s32 @!p0 $0x1BF5;
	p2 =	por !p2, p0  }
0x20: {  	[sflag:s8] =	ssyncset.s32 @!p0 $0xFFFFF086;
	s6 =	sadd.s32 @!p0 s3, s7;
	s7 =	simm.s32 @!p0 $0x108  }
0x21: {  	s3 =	sadd.s32 s3, s9;
	s6 =	sadd.s32 @!p0 $0x88, s6;
	s7 =	simm.s32 @p2 $0x1082  }
0x22: {  	[simem:s7], [sflag:s8] =	dma.local @!p0 [hbm:s6], $0xF7A  }
0x23: {  	s9 =	sor.u32 $0xD0000000, s2;
	s6 =	simm.s32 $0x108;
	_ =	swait.ge @!p0 [sflag:s8], $0x0  }
0x24: {  	s3 =	sadd.s32 $0x88, s3;
	s6 =	simm.s32 @!p1 $0x1082;
	[sflag:s4] =	ssyncset.s32 $0xFFFFF086  }
0x25: {  	[simem:s6], [sflag:s4] =	dma.local [hbm:s3], $0xF7A  }
0x26: {  	[smem:$0x3F83] =	sst s1;
	(tag) =	ssettag s2;
	_ =	strace s9  }
0x27: {  	s1 =	sld [smem:$0x3F93]  }
0x28: {  	s2 =	sld [smem:$0x3F94]  }
0x29: {  	s4 =	sld [smem:$0x3F96]  }
0x2a: {  	p0 =	seq.s32 s5, $0x0;
	s5 =	sld [smem:$0x3F97]  }
0x2b: {  	s6 =	sld [smem:$0x3F98]  }
0x2c: {  	s7 =	sld [smem:$0x3F99]  }
0x2d: {  	s3 =	simm.s32 $0x108;
	s8 =	sld [smem:$0x3F9A]  }
0x2e: {  	s3 =	simm.s32 @!p0 $0x1082;
	s9 =	sld [smem:$0x3F9B]  }
0x2f: {  	lr =	sadd.s32 s0, s3;
	s0 =	sld [smem:$0x3F92]  }
0x30: {  	s3 =	sld [smem:$0x3F95]  }
0x31: {  	[smem:$0x3F9E] =	sst s10  }
0x32: {  	s10 =	sld [smem:$0x3F9C];
	_ =	sdelay $0x3  }
0x33: {  	p0 =	seq.s32 s10, $0x1;
	s10 =	sld [smem:$0x3F9E];
	_ =	sdelay $0x3  }
0x34: {  	[smem:$0x3F9E] =	sst s10  }
0x35: {  	s10 =	sld [smem:$0x3F9D];
	_ =	sdelay $0x3  }
0x36: {  	p1 =	seq.s32 s10, $0x1;
	s10 =	sld [smem:$0x3F9E];
	_ =	sdelay $0x3  }
0x37: {  	[smem:$0x3F9E] =	sst s10  }
0x38: {  	s10 =	sld [smem:$0x3F9F]  }
0x39: {  	_ = 	snop;
	(pc) =	sbr.ind lr, $3  }
0x3a: {  	_ = 	snop  }
0x3b: {  	_ = 	snop  }
0x3c: {  	p2 =	seq.s32 s10, $0x1;
	s10 =	sld [smem:$0x3F9E]  }
0x3d: {  	_ =	shalt  }
0x3e: {  	_ =	shalt  }
0x3f: {  	_ =	shalt  }
0x40: {  	_ =	shalt  }
0x41: {  	_ =	shalt  }
0x42: {  	_ =	shalt  }
0x43: {  	_ =	shalt  }
0x44: {  	_ =	shalt  }
0x45: {  	_ =	shalt  }
0x46: {  	_ =	shalt  }
0x47: {  	_ =	shalt  }
0x48: {  	_ =	shalt  }
0x49: {  	_ =	shalt  }
0x4a: {  	_ =	shalt  }
0x4b: {  	_ =	shalt  }
0x4c: {  	_ =	shalt  }
0x4d: {  	_ =	shalt  }
0x4e: {  	_ =	shalt  }
0x4f: {  	_ =	shalt  }
0x50: {  	_ =	shalt  }
0x51: {  	_ =	shalt  }
0x52: {  	_ =	shalt  }
0x53: {  	_ =	shalt  }
0x54: {  	_ =	shalt  }
0x55: {  	_ =	shalt  }
0x56: {  	_ =	shalt  }
0x57: {  	_ =	shalt  }
0x58: {  	_ =	shalt  }
0x59: {  	_ =	shalt  }
0x5a: {  	_ =	shalt  }
0x5b: {  	_ =	shalt  }
0x5c: {  	_ =	shalt  }
0x5d: {  	_ =	shalt  }
0x5e: {  	_ =	shalt  }
0x5f: {  	_ =	shalt  }
0x60: {  	_ =	shalt  }
0x61: {  	_ =	shalt  }
0x62: {  	_ =	shalt  }
0x63: {  	_ =	shalt  }
0x64: {  	_ =	shalt  }
0x65: {  	_ =	shalt  }
0x66: {  	_ =	shalt  }
0x67: {  	_ =	shalt  }
0x68: {  	_ =	shalt  }
0x69: {  	_ =	shalt  }
0x6a: {  	_ =	shalt  }
0x6b: {  	_ =	shalt  }
0x6c: {  	_ =	shalt  }
0x6d: {  	_ =	shalt  }
0x6e: {  	_ =	shalt  }
0x6f: {  	_ =	shalt  }
0x70: {  	_ =	shalt  }
0x71: {  	_ =	shalt  }
0x72: {  	_ =	shalt  }
0x73: {  	_ =	shalt  }
0x74: {  	_ =	shalt  }
0x75: {  	_ =	shalt  }
0x76: {  	_ =	shalt  }
0x77: {  	_ =	shalt  }
0x78: {  	_ =	shalt  }
0x79: {  	_ =	shalt  }
0x7a: {  	_ =	shalt  }
0x7b: {  	_ =	shalt  }
0x7c: {  	_ =	shalt  }
0x7d: {  	_ =	shalt  }
0x7e: {  	_ =	shalt  }
0x7f: {  	_ =	shalt  }
0x80: {  	_ =	shalt  }
0x81: {  	_ =	shalt  }
0x82: {  	_ =	shalt  }
0x83: {  	_ =	shalt  }
0x84: {  	_ =	shalt  }
0x85: {  	_ =	shalt  }
0x86: {  	_ =	shalt  }
0x87: {  	_ =	shalt  }
.Lfunc_end0:
.L_simem_size_0:
called_computation.4_lowered:
.L_overlay_start_0:
0x88: {  	s2 =	sld [smem:$0x3FD9]  }
0x89: {  	s3 =	sld [smem:$0x3FFE];
	_ =	sdelay $0x1  }
0x8a: {  	s1 =	srdreg.scid  }
0x8b: {  	s0 =	sand.u32 $0x1, s1  }
0x8c: {  	s17 =	sshll.u32 s0, $0xA;
	s2 =	sadd.s32 s3, s2  }
0x8d: {  	s2 =	sadd.s32 s2, s17  }
0x8e: {  	[smem:$0x3FAA] =	sst s2  }
0x8f: {  	_ = 	snop  }
0x90: {  	(tm) =	ssettm $0x1  }
0x91: {  	s18 =	sld [smem:$0x3FFB];
	_ =	sdelay $0x3  }
0x92: {  	_ =	strace s18  }
0x93: {  	s2 =	sld [smem:$0x3FFC];
	_ =	sdelay $0x3  }
0x94: {  	_ =	strace s2  }
0x95: {  	s2 =	sld [smem:$0x3FFD];
	_ =	sdelay $0x3  }
0x96: {  	_ =	strace s2  }
0x97: {  	_ =	strace $0x8FFFFFFF  }
0x98: {  	s19 =	sld [smem:$0x3FDB];
	_ =	sdelay $0x1  }
0x99: {  	s20 =	simm.s32 $_scs_section_size  }
0x9a: {  	s4 =	simm.s32 $_size__tile_overlayer_lowered;
	s5 =	simm.s32 $_tile_overlayer_lowered  }
0x9b: {  	s6 =	simm.s32 $0x1BFF;
	s21 =	sshll.u32 s5, $0x1;
	s3 =	sadd.s32 s20, s19  }
0x9c: {  	s22 =	simm.s32 $0x0;
	s4 =	sshll.u32 s4, $0x1;
	s5 =	sadd.s32 s21, s3  }
0x9d: {  	[timem:s22], [sflag:s6] =	dma.local [hbm:s5], s4  }
0x9e: {  	_ =	swait.ge [sflag:s6], s4  }
0x9f: {  	s4 =	ssub.s32 $0x0, s4;
	[sflag:s6] =	ssyncset.done $0x0  }
0xa0: {  	[sflag:s6] =	ssyncadd.s32 s4;
	_ =	sdelay $0x1  }
0xa1: {  	s23 =	simm.s32 $0x1B8B  }
0xa2: {  	_ =	swait.ge [sflag:s23], $0x1  }
0xa3: {  	[sflag:s23] =	ssyncset.done $0x0  }
0xa4: {  	[sflag:s23] =	ssyncadd.s32 $0xFFFFFFFF  }
0xa5: {  	s4 =	sld [smem:$0x0]  }
0xa6: {  	s5 =	sand.u32 $0xFFFFFFFE, s1  }
0xa7: {  	p0 =	sne.s32 s1, s5  }
0xa8: {  	s5 =	sshll.u32 @p0 s5, $0xE  }
0xa9: {  	s5 =	sadd.s32 @p0 $0x11B8D, s5;
	s6 =	sshll.u32 @p0 s4, $0x11  }
0xaa: {  	s5 =	sor.u32 @p0 s6, s5  }
0xab: {  	[sflag:s5] =	ssyncadd.remote.s32 @p0 $0x1;
	_ =	sdelay $0x1  }
0xac: {  	s5 =	simm.s32 @p0 $0x1B8D  }
0xad: {  	_ =	swait.eq @p0 [sflag:s5], $0x1  }
0xae: {  	[sflag:s5] =	ssyncadd.s32 @p0 $0xFFFFFFFF  }
0xaf: {  	s6 =	sshll.u32 @!p0 s1, $0xE  }
0xb0: {  	s6 =	sor.u32 @!p0 $0x4000, s6;
	s5 =	simm.s32 @!p0 $0x1B8D  }
0xb1: {  	s4 =	sshll.u32 @!p0 s4, $0x11;
	s6 =	sadd.s32 @!p0 $0x11B8D, s6;
	_ =	swait.eq @!p0 [sflag:s5], $0x1  }
0xb2: {  	s4 =	sor.u32 @!p0 s4, s6;
	[sflag:s5] =	ssyncadd.s32 @!p0 $0xFFFFFFFF  }
0xb3: {  	s25 =	simm.s32 $0x1B8E;
	s24 =	sld [smem:$0x3FFE];
	[sflag:s4] =	ssyncadd.remote.s32 @!p0 $0x1  }
0xb4: {  	s26 =	simm.s32 $execute0_lowered;
	[smem:$0x3FD2] =	sst s25  }
0xb5: {  	s5 =	sshll.u32 s26, $0x1;
	_ =	strace $0x80000052;
	[dreg:$0x1] =	wrdreg $0xFFFFFFFF  }
0xb6: {  	s28 =	simm.s32 $_size_execute0_lowered;
	s3 =	sadd.s32 s3, s5;
	[dreg:$0x0] =	wrdreg $0x0  }
0xb7: {  	s5 =	sshll.u32 s28, $0x1;
	[dreg:$0x2] =	wrdreg s3  }
0xb8: {  	[dreg:$0x3] =	wrdreg s5  }
0xb9: {  	[dreg:$0x4] =	wrdreg $0xC0  }
0xba: {  	_ =	task [dreg:s22], $0x5FFFF  }
0xbb: {  	[dreg:$0x1] =	wrdreg $0xFFFFFFFF  }
0xbc: {  	[dreg:$0x0] =	wrdreg $0x60  }
0xbd: {  	[dreg:$0x2] =	wrdreg s24  }
0xbe: {  	[dreg:$0x3] =	wrdreg $0xB  }
0xbf: {  	_ =	task.clear_ibuf [dreg:s22], $0x4FFFF;
	_ =	strace $0x90000052  }
0xc0: {  	s29 =	simm.s32 $0xB;
	_ =	strace $0x80000054  }
0xc1: {  	_ =	swait.ge [sflag:s29], $0x1  }
0xc2: {  	[sflag:s29] =	ssyncadd.s32 $0xFFFFFFFF  }
0xc3: {  	_ =	strace $0x90000054  }
0xc4: {  	_ =	sfence  }
0xc5: {  	s30 =	sld [smem:$0x0];
	_ =	sdelay $0x2  }
0xc6: {  	s31 =	sshll.u32 s1, $0xD;
	s1 =	sshrl.u32 s1, $0x2  }
0xc7: {  	s4 =	sand.u32 $0x4000, s31;
	s1 =	sadd.s32 s1, s30  }
0xc8: {  	s0 =	sor.u32 s4, s0;
	s1 =	sshll.u32 s1, $0x11  }
0xc9: {  	s0 =	sor.u32 s1, s0  }
0xca: {  	s0 =	sadd.s32 $0x8F2B, s0  }
0xcb: {  	[sflag:s0] =	ssyncadd.remote.s32 $0x1  }
0xcc: {  	_ =	sfence.sel $0xFFFF  }
0xcd: {  	[dreg:$0x0] =	wrdreg $0xFFFFFFFF;
	(pc) =	sbr.abs _section_cstart, $3  }
0xce: {  	[dreg:$0x1] =	wrdreg $0xFFFFFFFF  }
0xcf: {  	_ =	task.clear_ibuf [dreg:s22], $0x2FFFF;
	_ =	strace $0x9FFFFFFF  }
0xd0: {  	(tm) =	ssettm $0x7FFFFFFF  }
0xd1: {  	_ =	shalt  }
tec
execute0_lowered:
.L_overlay_start_1:
0x0: {  	(tag) =	ssettag $0x1  }
0x1: {  	s4 =	rddreg [dreg:$0x0]  }
0x2: {  	s0 =	rddreg [dreg:$0x1]  }
0x3: {  	s3 =	srdreg.scid;
	s1 =	stileid.u32;
	s2 =	simm.s32 $0x0  }
0x4: {  	s10 =	simm.s32 $0x1;
	s11 =	simm.s32 $0x0;
	s6 =	smul.u32 $0x4E20, s1  }
0x5: {  	s5 =	sand.u32 $0x1, s3;
	[smem:$0x7FF] =	sst s2;
	s8 =	smul.u32 $0x4E200, s1  }
0x6: {  	s3 =	sadd.s32 $0x61A00, s4;
	s7 =	smul.u32 $0x2710, s5;
	s9 =	ssub.s32 $0x2, s5  }
0x7: {  	_ =	strace $0x80000053;
	s5 =	smul.u32 $0x27100, s5;
	s31 =	sshrl.u32 s9, $0x1  }
0x8: {  	s30 =	sadd.s32 s8, s4;
	s6 =	sadd.s32 s7, s6;
	s8 =	ssub.s32 s9, s31  }
0x9: {  	s5 =	sadd.s32 s5, s30;
	s7 =	simm.s32 $0x2;
	s6 =	sshrl.u32 s6, $0x3  }
0xa: {  	s9 =	simm.s32 $0x100;
	s5 =	sadd.s32 $0x56AC00, s5;
	s6 =	sadd.s32 s6, s4  }
0xb: {  	s4 =	smax.u32 s8, $0x1;
	s8 =	simm.s32 $0xC8;
	s6 =	sadd.s32 $0x30A00, s6  }
.LBB2_1:
0xc: {  	s12 =	sadd.s32 $0x0, s6  }
0xd: {  	[tilespmem:s2], [sflag:$0x2] =	stream.linear.gather [hbm4b:s12+s2], $0xC8, $0x38;
	[tilespmem:$0x6500] =	vst v63  }
0xe: {  	_ =	swait.ge [sflag:s7], $0xC8  }
0xf: {  	[sflag:s7] =	ssyncset.done $0x0  }
0x10: {  	[sflag:s7] =	ssyncadd.s32 $0xFFFFFF38  }
0x11: {  	[tilespmem:s9], [sflag:$0x1] =	stream.indirect.gather [hbm4b:s3+s8], $0x80, s2, s8, $0xb8;
	[tilespmem:$0x6500] =	vst v63  }
0x12: {  	_ =	swait.ge [sflag:s10], $0x6400  }
0x13: {  	[sflag:s10] =	ssyncset.done $0x0  }
0x14: {  	[sflag:s10] =	ssyncadd.s32 $0xFFFF9C00  }
0x15: {  	[hbm4b:s5+s2] =	stream.linear.scatter [tilespmem:s9], [sflag:$0x2], $0x6400, $0x38;
	[tilespmem:$0x6500] =	vst v63  }
0x16: {  	s13 =	simm.s32 $0x19;
	_ =	swait.ge [sflag:s7], $0x6400  }
0x17: {  	s14 =	simm.s32 $0x32;
	s12 =	sadd.s32 $0xC80, s5;
	[sflag:s7] =	ssyncset.done $0x0  }
.LBB2_2:
0x18: {  	s15 =	sadd.s32 s13, s6  }
0x19: {  	[sflag:s7] =	ssyncadd.s32 $0xFFFF9C00;
	s13 =	smov.u32 s14;
	s16 =	sadd.s32 $0x19, s14  }
0x1a: {  	[tilespmem:s2], [sflag:$0x2] =	stream.linear.gather [hbm4b:s15+s2], $0xC8, $0x38;
	[tilespmem:$0x6500] =	vst v63  }
0x1b: {  	p0 =	sne.s32 s14, $0x4C9;
	_ =	swait.ge [sflag:s7], $0xC8  }
0x1c: {  	[sflag:s7] =	ssyncset.done $0x0  }
0x1d: {  	[sflag:s7] =	ssyncadd.s32 $0xFFFFFF38  }
0x1e: {  	[tilespmem:s9], [sflag:$0x1] =	stream.indirect.gather [hbm4b:s3+s8], $0x80, s2, s8, $0xb8;
	[tilespmem:$0x6500] =	vst v63  }
0x1f: {  	_ =	swait.ge [sflag:s10], $0x6400  }
.Ltmp0:
0x20: {  	[sflag:s10] =	ssyncset.done $0x0;
	(pc) =	sbr.rel @p0 .LBB2_2-.Ltmp0, $4  }
0x21: {  	[sflag:s10] =	ssyncadd.s32 $0xFFFF9C00  }
0x22: {  	[hbm4b:s12+s2] =	stream.linear.scatter [tilespmem:s9], [sflag:$0x2], $0x6400, $0x38;
	[tilespmem:$0x6500] =	vst v63  }
0x23: {  	_ =	swait.ge [sflag:s7], $0x6400  }
0x24: {  	s14 =	smov.u32 s16;
	s12 =	sadd.s32 $0xC80, s12;
	[sflag:s7] =	ssyncset.done $0x0  }
0x25: {  	s13 =	sadd.s32 s13, s6;
	[sflag:s7] =	ssyncadd.s32 $0xFFFF9C00  }
0x26: {  	[tilespmem:s2], [sflag:$0x2] =	stream.linear.gather [hbm4b:s13+s2], $0xC8, $0x38;
	[tilespmem:$0x6500] =	vst v63  }
0x27: {  	_ =	swait.ge [sflag:s7], $0xC8  }
0x28: {  	[sflag:s7] =	ssyncset.done $0x0  }
0x29: {  	[sflag:s7] =	ssyncadd.s32 $0xFFFFFF38  }
0x2a: {  	[tilespmem:s9], [sflag:$0x1] =	stream.indirect.gather [hbm4b:s3+s8], $0x80, s2, s8, $0xb8;
	[tilespmem:$0x6500] =	vst v63  }
0x2b: {  	s11 =	sadd.s32 $0x1, s11;
	_ =	swait.ge [sflag:s10], $0x6400  }
0x2c: {  	p0 =	sne.s32 s11, s4;
	[sflag:s10] =	ssyncset.done $0x0  }
.Ltmp1:
0x2d: {  	[sflag:s10] =	ssyncadd.s32 $0xFFFF9C00;
	(pc) =	sbr.rel @p0 .LBB2_1-.Ltmp1, $4  }
0x2e: {  	[hbm4b:s12+s2] =	stream.linear.scatter [tilespmem:s9], [sflag:$0x2], $0x6400, $0x38;
	[tilespmem:$0x6500] =	vst v63  }
0x2f: {  	_ =	swait.ge [sflag:s7], $0x6400  }
0x30: {  	[sflag:s7] =	ssyncset.done $0x0  }
0x31: {  	[sflag:s7] =	ssyncadd.s32 $0xFFFF9C00  }
0x32: {  	_ =	sfence.sel $0x180000  }
0x33: {  	[bflag:$0x0] =	sbarrier.arrive $0xFFFF  }
0x34: {  	p0 =	sne.s32 s1, $0x0;
	_ =	strace $0x90000053  }
0x35: {  	s0 =	sadd.s32 @!p0 $0x100000, s0;
	[bflag:$0x2] =	sbarrier.arrive $0xFFFF  }
0x36: {  	[sflag:s0] =	ssyncadd.tile.s32 @!p0 $0x1;
	_ =	shalt  }
.Lfunc_end2:
_tile_overlayer_lowered:
.L_overlay_start_2:
0x37: {  	(tag) =	ssettag $0x2  }
0x38: {  	s0 =	rddreg [dreg:$0x0];
	s2 =	stileid.u32  }
0x39: {  	s1 =	rddreg [dreg:$0x1];
	p0 =	sne.s32 s2, $0x0  }
0x3a: {  	s3 =	rddreg [dreg:$0x2];
	[bflag:$0x3] =	sbarrier.arrive $0xFFFF;
	s2 =	simm.s32 @!p0 $0x1C02  }
0x3b: {  	[timem:s3], [sflag:s2] =	dma.local @!p0 [hbm:s0], s1  }
0x3c: {  	s0 =	simm.s32 @!p0 $0x2  }
0x3d: {  	_ =	swait.ge @!p0 [sflag:s0], s1  }
0x3e: {  	s1 =	ssub.s32 @!p0 $0x0, s1;
	[sflag:s0] =	ssyncset.done @!p0 $0x0  }
0x3f: {  	[sflag:s0] =	ssyncadd.s32 @!p0 s1  }
0x40: {  	[bflag:$0x3] =	sbarrier.arrive $0xFFFF  }
0x41: {  	_ =	shalt  }

// kernel: kernel.24.cloned.1.call-start
scs
__scs_entry_jumppad:
0x0: {  	(pc) =	sbr.rel $0x88, $3  }
0x1: {  	(tag) =	ssettag $0x0;
	lr =	simm.s32 $0x1  }
0x2: {  	[smem:$0x3F83] =	sst lr;
	_ =	strace $0xD0000000  }
0x3: {  	_ = 	snop  }
0x4: {  	_ = 	snop  }
0x5: {  	_ = 	snop  }
0x6: {  	_ = 	snop  }
0x7: {  	_ = 	snop  }
__scs_overlays_trampoline_lowered:
0x8: {  	[smem:$0x3F92] =	sst s0  }
0x9: {  	[smem:$0x3F93] =	sst s1  }
0xa: {  	[smem:$0x3F94] =	sst s2  }
0xb: {  	[smem:$0x3F95] =	sst s3  }
0xc: {  	[smem:$0x3F96] =	sst s4  }
0xd: {  	[smem:$0x3F97] =	sst s5  }
0xe: {  	[smem:$0x3F98] =	sst s6  }
0xf: {  	[smem:$0x3F99] =	sst s7  }
0x10: {  	[smem:$0x3F9A] =	sst s8  }
0x11: {  	[smem:$0x3F9B] =	sst s9;
	s0 =	simm.s32 @!p0 $0x0  }
0x12: {  	s1 =	sld [smem:$0x3F81];
	s0 =	simm.s32 @p0 $0x1  }
0x13: {  	[smem:$0x3F9C] =	sst s0;
	s0 =	simm.s32 @!p1 $0x0  }
0x14: {  	s2 =	sld [smem:$0x3F80];
	s0 =	simm.s32 @p1 $0x1  }
0x15: {  	[smem:$0x3F9D] =	sst s0;
	s0 =	simm.s32 @!p2 $0x0  }
0x16: {  	s3 =	sld [smem:$0x3FDB];
	s0 =	simm.s32 @p2 $0x1  }
0x17: {  	s4 =	simm.s32 $0x1BF5;
	[smem:$0x3F9F] =	sst s0  }
0x18: {  	s0 =	sld [smem:$0x3F82];
	_ =	swait.ge [sflag:s4], $0x0  }
0x19: {  	s7 =	sld [smem:$0x3F83]  }
0x1a: {  	s8 =	sadd.s32 $0xFFFFE003, lr  }
0x1b: {  	s9 =	sadd.s32 $0xFFFFFEF7, lr;
	s5 =	simm.s32 $0xFFFFFFFF;
	p2 =	slt.u32 s8, $0xFFFFF086  }
0x1c: {  	p1 =	slt.u32 s9, $0xF7A;
	s5 =	simm.s32 @!p2 $0x0  }
0x1d: {  	s5 =	simm.s32 @p1 $0x1;
	p0 =	seq.s32 s7, s2  }
0x1e: {  	s7 =	smul.u32 @!p0 $0xF7A, s2;
	p2 =	seq.s32 @!p0 s5, $0x0  }
0x1f: {  	s9 =	smul.u32 $0xF7A, s1;
	s8 =	simm.s32 @!p0 $0x1BF5;
	p2 =	por !p2, p0  }
0x20: {  	[sflag:s8] =	ssyncset.s32 @!p0 $0xFFFFF086;
	s6 =	sadd.s32 @!p0 s3, s7;
	s7 =	simm.s32 @!p0 $0x108  }
0x21: {  	s3 =	sadd.s32 s3, s9;
	s6 =	sadd.s32 @!p0 $0x88, s6;
	s7 =	simm.s32 @p2 $0x1082  }
0x22: {  	[simem:s7], [sflag:s8] =	dma.local @!p0 [hbm:s6], $0xF7A  }
0x23: {  	s9 =	sor.u32 $0xD0000000, s2;
	s6 =	simm.s32 $0x108;
	_ =	swait.ge @!p0 [sflag:s8], $0x0  }
0x24: {  	s3 =	sadd.s32 $0x88, s3;
	s6 =	simm.s32 @!p1 $0x1082;
	[sflag:s4] =	ssyncset.s32 $0xFFFFF086  }
0x25: {  	[simem:s6], [sflag:s4] =	dma.local [hbm:s3], $0xF7A  }
0x26: {  	[smem:$0x3F83] =	sst s1;
	(tag) =	ssettag s2;
	_ =	strace s9  }
0x27: {  	s1 =	sld [smem:$0x3F93]  }
0x28: {  	s2 =	sld [smem:$0x3F94]  }
0x29: {  	s4 =	sld [smem:$0x3F96]  }
0x2a: {  	p0 =	seq.s32 s5, $0x0;
	s5 =	sld [smem:$0x3F97]  }
0x2b: {  	s6 =	sld [smem:$0x3F98]  }
0x2c: {  	s7 =	sld [smem:$0x3F99]  }
0x2d: {  	s3 =	simm.s32 $0x108;
	s8 =	sld [smem:$0x3F9A]  }
0x2e: {  	s3 =	simm.s32 @!p0 $0x1082;
	s9 =	sld [smem:$0x3F9B]  }
0x2f: {  	lr =	sadd.s32 s0, s3;
	s0 =	sld [smem:$0x3F92]  }
0x30: {  	s3 =	sld [smem:$0x3F95]  }
0x31: {  	[smem:$0x3F9E] =	sst s10  }
0x32: {  	s10 =	sld [smem:$0x3F9C];
	_ =	sdelay $0x3  }
0x33: {  	p0 =	seq.s32 s10, $0x1;
	s10 =	sld [smem:$0x3F9E];
	_ =	sdelay $0x3  }
0x34: {  	[smem:$0x3F9E] =	sst s10  }
0x35: {  	s10 =	sld [smem:$0x3F9D];
	_ =	sdelay $0x3  }
0x36: {  	p1 =	seq.s32 s10, $0x1;
	s10 =	sld [smem:$0x3F9E];
	_ =	sdelay $0x3  }
0x37: {  	[smem:$0x3F9E] =	sst s10  }
0x38: {  	s10 =	sld [smem:$0x3F9F]  }
0x39: {  	_ = 	snop;
	(pc) =	sbr.ind lr, $3  }
0x3a: {  	_ = 	snop  }
0x3b: {  	_ = 	snop  }
0x3c: {  	p2 =	seq.s32 s10, $0x1;
	s10 =	sld [smem:$0x3F9E]  }
0x3d: {  	_ =	shalt  }
0x3e: {  	_ =	shalt  }
0x3f: {  	_ =	shalt  }
0x40: {  	_ =	shalt  }
0x41: {  	_ =	shalt  }
0x42: {  	_ =	shalt  }
0x43: {  	_ =	shalt  }
0x44: {  	_ =	shalt  }
0x45: {  	_ =	shalt  }
0x46: {  	_ =	shalt  }
0x47: {  	_ =	shalt  }
0x48: {  	_ =	shalt  }
0x49: {  	_ =	shalt  }
0x4a: {  	_ =	shalt  }
0x4b: {  	_ =	shalt  }
0x4c: {  	_ =	shalt  }
0x4d: {  	_ =	shalt  }
0x4e: {  	_ =	shalt  }
0x4f: {  	_ =	shalt  }
0x50: {  	_ =	shalt  }
0x51: {  	_ =	shalt  }
0x52: {  	_ =	shalt  }
0x53: {  	_ =	shalt  }
0x54: {  	_ =	shalt  }
0x55: {  	_ =	shalt  }
0x56: {  	_ =	shalt  }
0x57: {  	_ =	shalt  }
0x58: {  	_ =	shalt  }
0x59: {  	_ =	shalt  }
0x5a: {  	_ =	shalt  }
0x5b: {  	_ =	shalt  }
0x5c: {  	_ =	shalt  }
0x5d: {  	_ =	shalt  }
0x5e: {  	_ =	shalt  }
0x5f: {  	_ =	shalt  }
0x60: {  	_ =	shalt  }
0x61: {  	_ =	shalt  }
0x62: {  	_ =	shalt  }
0x63: {  	_ =	shalt  }
0x64: {  	_ =	shalt  }
0x65: {  	_ =	shalt  }
0x66: {  	_ =	shalt  }
0x67: {  	_ =	shalt  }
0x68: {  	_ =	shalt  }
0x69: {  	_ =	shalt  }
0x6a: {  	_ =	shalt  }
0x6b: {  	_ =	shalt  }
0x6c: {  	_ =	shalt  }
0x6d: {  	_ =	shalt  }
0x6e: {  	_ =	shalt  }
0x6f: {  	_ =	shalt  }
0x70: {  	_ =	shalt  }
0x71: {  	_ =	shalt  }
0x72: {  	_ =	shalt  }
0x73: {  	_ =	shalt  }
0x74: {  	_ =	shalt  }
0x75: {  	_ =	shalt  }
0x76: {  	_ =	shalt  }
0x77: {  	_ =	shalt  }
0x78: {  	_ =	shalt  }
0x79: {  	_ =	shalt  }
0x7a: {  	_ =	shalt  }
0x7b: {  	_ =	shalt  }
0x7c: {  	_ =	shalt  }
0x7d: {  	_ =	shalt  }
0x7e: {  	_ =	shalt  }
0x7f: {  	_ =	shalt  }
0x80: {  	_ =	shalt  }
0x81: {  	_ =	shalt  }
0x82: {  	_ =	shalt  }
0x83: {  	_ =	shalt  }
0x84: {  	_ =	shalt  }
0x85: {  	_ =	shalt  }
0x86: {  	_ =	shalt  }
0x87: {  	_ =	shalt  }
.Lfunc_end0:
.L_simem_size_0:
called_computation.5_lowered:
.L_overlay_start_0:
0x88: {  	s2 =	sld [smem:$0x3FD9]  }
0x89: {  	s3 =	sld [smem:$0x3FFE];
	_ =	sdelay $0x1  }
0x8a: {  	s1 =	srdreg.scid  }
0x8b: {  	s0 =	sand.u32 $0x1, s1  }
0x8c: {  	s17 =	sshll.u32 s0, $0xA;
	s2 =	sadd.s32 s3, s2  }
0x8d: {  	s2 =	sadd.s32 s2, s17  }
0x8e: {  	[smem:$0x3FAA] =	sst s2  }
0x8f: {  	_ = 	snop  }
0x90: {  	(tm) =	ssettm $0x1  }
0x91: {  	s18 =	sld [smem:$0x3FFB];
	_ =	sdelay $0x3  }
0x92: {  	_ =	strace s18  }
0x93: {  	s2 =	sld [smem:$0x3FFC];
	_ =	sdelay $0x3  }
0x94: {  	_ =	strace s2  }
0x95: {  	s2 =	sld [smem:$0x3FFD];
	_ =	sdelay $0x3  }
0x96: {  	_ =	strace s2  }
0x97: {  	_ =	strace $0x8FFFFFFF  }
0x98: {  	s19 =	sld [smem:$0x3FDB];
	_ =	sdelay $0x1  }
0x99: {  	s20 =	simm.s32 $_scs_section_size  }
0x9a: {  	s4 =	simm.s32 $_size__tile_overlayer_lowered;
	s5 =	simm.s32 $_tile_overlayer_lowered  }
0x9b: {  	s6 =	simm.s32 $0x1BFF;
	s21 =	sshll.u32 s5, $0x1;
	s3 =	sadd.s32 s20, s19  }
0x9c: {  	s22 =	simm.s32 $0x0;
	s4 =	sshll.u32 s4, $0x1;
	s5 =	sadd.s32 s21, s3  }
0x9d: {  	[timem:s22], [sflag:s6] =	dma.local [hbm:s5], s4  }
0x9e: {  	_ =	swait.ge [sflag:s6], s4  }
0x9f: {  	s4 =	ssub.s32 $0x0, s4;
	[sflag:s6] =	ssyncset.done $0x0  }
0xa0: {  	[sflag:s6] =	ssyncadd.s32 s4;
	_ =	sdelay $0x1  }
0xa1: {  	s23 =	simm.s32 $0x1B8B  }
0xa2: {  	_ =	swait.ge [sflag:s23], $0x1  }
0xa3: {  	[sflag:s23] =	ssyncset.done $0x0  }
0xa4: {  	[sflag:s23] =	ssyncadd.s32 $0xFFFFFFFF  }
0xa5: {  	s4 =	sld [smem:$0x0]  }
0xa6: {  	s5 =	sand.u32 $0xFFFFFFFE, s1  }
0xa7: {  	p0 =	sne.s32 s1, s5  }
0xa8: {  	s5 =	sshll.u32 @p0 s5, $0xE  }
0xa9: {  	s5 =	sadd.s32 @p0 $0x11B8D, s5;
	s6 =	sshll.u32 @p0 s4, $0x11  }
0xaa: {  	s5 =	sor.u32 @p0 s6, s5  }
0xab: {  	[sflag:s5] =	ssyncadd.remote.s32 @p0 $0x1;
	_ =	sdelay $0x1  }
0xac: {  	s5 =	simm.s32 @p0 $0x1B8D  }
0xad: {  	_ =	swait.eq @p0 [sflag:s5], $0x1  }
0xae: {  	[sflag:s5] =	ssyncadd.s32 @p0 $0xFFFFFFFF  }
0xaf: {  	s6 =	sshll.u32 @!p0 s1, $0xE  }
0xb0: {  	s6 =	sor.u32 @!p0 $0x4000, s6;
	s5 =	simm.s32 @!p0 $0x1B8D  }
0xb1: {  	s4 =	sshll.u32 @!p0 s4, $0x11;
	s6 =	sadd.s32 @!p0 $0x11B8D, s6;
	_ =	swait.eq @!p0 [sflag:s5], $0x1  }
0xb2: {  	s4 =	sor.u32 @!p0 s4, s6;
	[sflag:s5] =	ssyncadd.s32 @!p0 $0xFFFFFFFF  }
0xb3: {  	s25 =	simm.s32 $0x1B8E;
	s24 =	sld [smem:$0x3FFE];
	[sflag:s4] =	ssyncadd.remote.s32 @!p0 $0x1  }
0xb4: {  	s26 =	simm.s32 $execute0_lowered;
	[smem:$0x3FD2] =	sst s25  }
0xb5: {  	s5 =	sshll.u32 s26, $0x1;
	_ =	strace $0x80000055;
	[dreg:$0x1] =	wrdreg $0xFFFFFFFF  }
0xb6: {  	s28 =	simm.s32 $_size_execute0_lowered;
	s3 =	sadd.s32 s3, s5;
	[dreg:$0x0] =	wrdreg $0x0  }
0xb7: {  	s5 =	sshll.u32 s28, $0x1;
	[dreg:$0x2] =	wrdreg s3  }
0xb8: {  	[dreg:$0x3] =	wrdreg s5  }
0xb9: {  	[dreg:$0x4] =	wrdreg $0xC0  }
0xba: {  	_ =	task [dreg:s22], $0x5FFFF  }
0xbb: {  	[dreg:$0x1] =	wrdreg $0xFFFFFFFF  }
0xbc: {  	[dreg:$0x0] =	wrdreg $0x60  }
0xbd: {  	[dreg:$0x2] =	wrdreg s24  }
0xbe: {  	[dreg:$0x3] =	wrdreg $0xC  }
0xbf: {  	_ =	task.clear_ibuf [dreg:s22], $0x4FFFF;
	_ =	strace $0x90000055  }
0xc0: {  	s29 =	simm.s32 $0xC;
	_ =	strace $0x80000057  }
0xc1: {  	_ =	swait.ge [sflag:s29], $0x1  }
0xc2: {  	[sflag:s29] =	ssyncadd.s32 $0xFFFFFFFF  }
0xc3: {  	_ =	strace $0x90000057  }
0xc4: {  	_ =	sfence  }
0xc5: {  	s30 =	sld [smem:$0x0];
	_ =	sdelay $0x2  }
0xc6: {  	s31 =	sshll.u32 s1, $0xD;
	s1 =	sshrl.u32 s1, $0x2  }
0xc7: {  	s4 =	sand.u32 $0x4000, s31;
	s1 =	sadd.s32 s1, s30  }
0xc8: {  	s0 =	sor.u32 s4, s0;
	s1 =	sshll.u32 s1, $0x11  }
0xc9: {  	s0 =	sor.u32 s1, s0  }
0xca: {  	s0 =	sadd.s32 $0x8F2B, s0  }
0xcb: {  	[sflag:s0] =	ssyncadd.remote.s32 $0x1  }
0xcc: {  	_ =	sfence.sel $0xFFFF  }
0xcd: {  	[dreg:$0x0] =	wrdreg $0xFFFFFFFF;
	(pc) =	sbr.abs _section_cstart, $3  }
0xce: {  	[dreg:$0x1] =	wrdreg $0xFFFFFFFF  }
0xcf: {  	_ =	task.clear_ibuf [dreg:s22], $0x2FFFF;
	_ =	strace $0x9FFFFFFF  }
0xd0: {  	(tm) =	ssettm $0x7FFFFFFF  }
0xd1: {  	_ =	shalt  }
tec
execute0_lowered:
.L_overlay_start_1:
0x0: {  	(tag) =	ssettag $0x1  }
0x1: {  	s4 =	rddreg [dreg:$0x0]  }
0x2: {  	s0 =	rddreg [dreg:$0x1]  }
0x3: {  	s3 =	srdreg.scid;
	s1 =	stileid.u32;
	s2 =	simm.s32 $0x0  }
0x4: {  	s10 =	simm.s32 $0x1;
	s11 =	simm.s32 $0x0;
	s6 =	smul.u32 $0x4E20, s1  }
0x5: {  	s5 =	sand.u32 $0x1, s3;
	[smem:$0x7FF] =	sst s2;
	s8 =	smul.u32 $0x4E200, s1  }
0x6: {  	s3 =	sadd.s32 $0xA4CC00, s4;
	s7 =	smul.u32 $0x2710, s5;
	s9 =	ssub.s32 $0x2, s5  }
0x7: {  	_ =	strace $0x80000056;
	s5 =	smul.u32 $0x27100, s5;
	s31 =	sshrl.u32 s9, $0x1  }
0x8: {  	s30 =	sadd.s32 s8, s4;
	s6 =	sadd.s32 s7, s6;
	s8 =	ssub.s32 s9, s31  }
0x9: {  	s5 =	sadd.s32 s5, s30;
	s7 =	simm.s32 $0x2;
	s6 =	sshrl.u32 s6, $0x3  }
0xa: {  	s9 =	simm.s32 $0x100;
	s5 =	sadd.s32 $0xA73E00, s5;
	s6 =	sadd.s32 s6, s4  }
0xb: {  	s4 =	smax.u32 s8, $0x1;
	s8 =	simm.s32 $0xC8;
	s6 =	sadd.s32 $0x26C00, s6  }
.LBB2_1:
0xc: {  	s12 =	sadd.s32 $0x0, s6  }
0xd: {  	[tilespmem:s2], [sflag:$0x2] =	stream.linear.gather [hbm4b:s12+s2], $0xC8, $0x38;
	[tilespmem:$0x6500] =	vst v63  }
0xe: {  	_ =	swait.ge [sflag:s7], $0xC8  }
0xf: {  	[sflag:s7] =	ssyncset.done $0x0  }
0x10: {  	[sflag:s7] =	ssyncadd.s32 $0xFFFFFF38  }
0x11: {  	[tilespmem:s9], [sflag:$0x1] =	stream.indirect.gather [hbm4b:s3+s8], $0x80, s2, s8, $0xb8;
	[tilespmem:$0x6500] =	vst v63  }
0x12: {  	_ =	swait.ge [sflag:s10], $0x6400  }
0x13: {  	[sflag:s10] =	ssyncset.done $0x0  }
0x14: {  	[sflag:s10] =	ssyncadd.s32 $0xFFFF9C00  }
0x15: {  	[hbm4b:s5+s2] =	stream.linear.scatter [tilespmem:s9], [sflag:$0x2], $0x6400, $0x38;
	[tilespmem:$0x6500] =	vst v63  }
0x16: {  	s13 =	simm.s32 $0x19;
	_ =	swait.ge [sflag:s7], $0x6400  }
0x17: {  	s14 =	simm.s32 $0x32;
	s12 =	sadd.s32 $0xC80, s5;
	[sflag:s7] =	ssyncset.done $0x0  }
.LBB2_2:
0x18: {  	s15 =	sadd.s32 s13, s6  }
0x19: {  	[sflag:s7] =	ssyncadd.s32 $0xFFFF9C00;
	s13 =	smov.u32 s14;
	s16 =	sadd.s32 $0x19, s14  }
0x1a: {  	[tilespmem:s2], [sflag:$0x2] =	stream.linear.gather [hbm4b:s15+s2], $0xC8, $0x38;
	[tilespmem:$0x6500] =	vst v63  }
0x1b: {  	p0 =	sne.s32 s14, $0x4C9;
	_ =	swait.ge [sflag:s7], $0xC8  }
0x1c: {  	[sflag:s7] =	ssyncset.done $0x0  }
0x1d: {  	[sflag:s7] =	ssyncadd.s32 $0xFFFFFF38  }
0x1e: {  	[tilespmem:s9], [sflag:$0x1] =	stream.indirect.gather [hbm4b:s3+s8], $0x80, s2, s8, $0xb8;
	[tilespmem:$0x6500] =	vst v63  }
0x1f: {  	_ =	swait.ge [sflag:s10], $0x6400  }
.Ltmp0:
0x20: {  	[sflag:s10] =	ssyncset.done $0x0;
	(pc) =	sbr.rel @p0 .LBB2_2-.Ltmp0, $4  }
0x21: {  	[sflag:s10] =	ssyncadd.s32 $0xFFFF9C00  }
0x22: {  	[hbm4b:s12+s2] =	stream.linear.scatter [tilespmem:s9], [sflag:$0x2], $0x6400, $0x38;
	[tilespmem:$0x6500] =	vst v63  }
0x23: {  	_ =	swait.ge [sflag:s7], $0x6400  }
0x24: {  	s14 =	smov.u32 s16;
	s12 =	sadd.s32 $0xC80, s12;
	[sflag:s7] =	ssyncset.done $0x0  }
0x25: {  	s13 =	sadd.s32 s13, s6;
	[sflag:s7] =	ssyncadd.s32 $0xFFFF9C00  }
0x26: {  	[tilespmem:s2], [sflag:$0x2] =	stream.linear.gather [hbm4b:s13+s2], $0xC8, $0x38;
	[tilespmem:$0x6500] =	vst v63  }
0x27: {  	_ =	swait.ge [sflag:s7], $0xC8  }
0x28: {  	[sflag:s7] =	ssyncset.done $0x0  }
0x29: {  	[sflag:s7] =	ssyncadd.s32 $0xFFFFFF38  }
0x2a: {  	[tilespmem:s9], [sflag:$0x1] =	stream.indirect.gather [hbm4b:s3+s8], $0x80, s2, s8, $0xb8;
	[tilespmem:$0x6500] =	vst v63  }
0x2b: {  	s11 =	sadd.s32 $0x1, s11;
	_ =	swait.ge [sflag:s10], $0x6400  }
0x2c: {  	p0 =	sne.s32 s11, s4;
	[sflag:s10] =	ssyncset.done $0x0  }
.Ltmp1:
0x2d: {  	[sflag:s10] =	ssyncadd.s32 $0xFFFF9C00;
	(pc) =	sbr.rel @p0 .LBB2_1-.Ltmp1, $4  }
0x2e: {  	[hbm4b:s12+s2] =	stream.linear.scatter [tilespmem:s9], [sflag:$0x2], $0x6400, $0x38;
	[tilespmem:$0x6500] =	vst v63  }
0x2f: {  	_ =	swait.ge [sflag:s7], $0x6400  }
0x30: {  	[sflag:s7] =	ssyncset.done $0x0  }
0x31: {  	[sflag:s7] =	ssyncadd.s32 $0xFFFF9C00  }
0x32: {  	_ =	sfence.sel $0x180000  }
0x33: {  	[bflag:$0x0] =	sbarrier.arrive $0xFFFF  }
0x34: {  	p0 =	sne.s32 s1, $0x0;
	_ =	strace $0x90000056  }
0x35: {  	s0 =	sadd.s32 @!p0 $0x100000, s0;
	[bflag:$0x2] =	sbarrier.arrive $0xFFFF  }
0x36: {  	[sflag:s0] =	ssyncadd.tile.s32 @!p0 $0x1;
	_ =	shalt  }
.Lfunc_end2:
_tile_overlayer_lowered:
.L_overlay_start_2:
0x37: {  	(tag) =	ssettag $0x2  }
0x38: {  	s0 =	rddreg [dreg:$0x0];
	s2 =	stileid.u32  }
0x39: {  	s1 =	rddreg [dreg:$0x1];
	p0 =	sne.s32 s2, $0x0  }
0x3a: {  	s3 =	rddreg [dreg:$0x2];
	[bflag:$0x3] =	sbarrier.arrive $0xFFFF;
	s2 =	simm.s32 @!p0 $0x1C02  }
0x3b: {  	[timem:s3], [sflag:s2] =	dma.local @!p0 [hbm:s0], s1  }
0x3c: {  	s0 =	simm.s32 @!p0 $0x2  }
0x3d: {  	_ =	swait.ge @!p0 [sflag:s0], s1  }
0x3e: {  	s1 =	ssub.s32 @!p0 $0x0, s1;
	[sflag:s0] =	ssyncset.done @!p0 $0x0  }
0x3f: {  	[sflag:s0] =	ssyncadd.s32 @!p0 s1  }
0x40: {  	[bflag:$0x3] =	sbarrier.arrive $0xFFFF  }
0x41: {  	_ =	shalt  }

// kernel: kernel.27.cloned.1.call-start
scs
__scs_entry_jumppad:
0x0: {  	(pc) =	sbr.rel $0x88, $3  }
0x1: {  	(tag) =	ssettag $0x0;
	lr =	simm.s32 $0x1  }
0x2: {  	[smem:$0x3F83] =	sst lr;
	_ =	strace $0xD0000000  }
0x3: {  	_ = 	snop  }
0x4: {  	_ = 	snop  }
0x5: {  	_ = 	snop  }
0x6: {  	_ = 	snop  }
0x7: {  	_ = 	snop  }
__scs_overlays_trampoline_lowered:
0x8: {  	[smem:$0x3F92] =	sst s0  }
0x9: {  	[smem:$0x3F93] =	sst s1  }
0xa: {  	[smem:$0x3F94] =	sst s2  }
0xb: {  	[smem:$0x3F95] =	sst s3  }
0xc: {  	[smem:$0x3F96] =	sst s4  }
0xd: {  	[smem:$0x3F97] =	sst s5  }
0xe: {  	[smem:$0x3F98] =	sst s6  }
0xf: {  	[smem:$0x3F99] =	sst s7  }
0x10: {  	[smem:$0x3F9A] =	sst s8  }
0x11: {  	[smem:$0x3F9B] =	sst s9;
	s0 =	simm.s32 @!p0 $0x0  }
0x12: {  	s1 =	sld [smem:$0x3F81];
	s0 =	simm.s32 @p0 $0x1  }
0x13: {  	[smem:$0x3F9C] =	sst s0;
	s0 =	simm.s32 @!p1 $0x0  }
0x14: {  	s2 =	sld [smem:$0x3F80];
	s0 =	simm.s32 @p1 $0x1  }
0x15: {  	[smem:$0x3F9D] =	sst s0;
	s0 =	simm.s32 @!p2 $0x0  }
0x16: {  	s3 =	sld [smem:$0x3FDB];
	s0 =	simm.s32 @p2 $0x1  }
0x17: {  	s4 =	simm.s32 $0x1BF5;
	[smem:$0x3F9F] =	sst s0  }
0x18: {  	s0 =	sld [smem:$0x3F82];
	_ =	swait.ge [sflag:s4], $0x0  }
0x19: {  	s7 =	sld [smem:$0x3F83]  }
0x1a: {  	s8 =	sadd.s32 $0xFFFFE003, lr  }
0x1b: {  	s9 =	sadd.s32 $0xFFFFFEF7, lr;
	s5 =	simm.s32 $0xFFFFFFFF;
	p2 =	slt.u32 s8, $0xFFFFF086  }
0x1c: {  	p1 =	slt.u32 s9, $0xF7A;
	s5 =	simm.s32 @!p2 $0x0  }
0x1d: {  	s5 =	simm.s32 @p1 $0x1;
	p0 =	seq.s32 s7, s2  }
0x1e: {  	s7 =	smul.u32 @!p0 $0xF7A, s2;
	p2 =	seq.s32 @!p0 s5, $0x0  }
0x1f: {  	s9 =	smul.u32 $0xF7A, s1;
	s8 =	simm.s32 @!p0 $0x1BF5;
	p2 =	por !p2, p0  }
0x20: {  	[sflag:s8] =	ssyncset.s32 @!p0 $0xFFFFF086;
	s6 =	sadd.s32 @!p0 s3, s7;
	s7 =	simm.s32 @!p0 $0x108  }
0x21: {  	s3 =	sadd.s32 s3, s9;
	s6 =	sadd.s32 @!p0 $0x88, s6;
	s7 =	simm.s32 @p2 $0x1082  }
0x22: {  	[simem:s7], [sflag:s8] =	dma.local @!p0 [hbm:s6], $0xF7A  }
0x23: {  	s9 =	sor.u32 $0xD0000000, s2;
	s6 =	simm.s32 $0x108;
	_ =	swait.ge @!p0 [sflag:s8], $0x0  }
0x24: {  	s3 =	sadd.s32 $0x88, s3;
	s6 =	simm.s32 @!p1 $0x1082;
	[sflag:s4] =	ssyncset.s32 $0xFFFFF086  }
0x25: {  	[simem:s6], [sflag:s4] =	dma.local [hbm:s3], $0xF7A  }
0x26: {  	[smem:$0x3F83] =	sst s1;
	(tag) =	ssettag s2;
	_ =	strace s9  }
0x27: {  	s1 =	sld [smem:$0x3F93]  }
0x28: {  	s2 =	sld [smem:$0x3F94]  }
0x29: {  	s4 =	sld [smem:$0x3F96]  }
0x2a: {  	p0 =	seq.s32 s5, $0x0;
	s5 =	sld [smem:$0x3F97]  }
0x2b: {  	s6 =	sld [smem:$0x3F98]  }
0x2c: {  	s7 =	sld [smem:$0x3F99]  }
0x2d: {  	s3 =	simm.s32 $0x108;
	s8 =	sld [smem:$0x3F9A]  }
0x2e: {  	s3 =	simm.s32 @!p0 $0x1082;
	s9 =	sld [smem:$0x3F9B]  }
0x2f: {  	lr =	sadd.s32 s0, s3;
	s0 =	sld [smem:$0x3F92]  }
0x30: {  	s3 =	sld [smem:$0x3F95]  }
0x31: {  	[smem:$0x3F9E] =	sst s10  }
0x32: {  	s10 =	sld [smem:$0x3F9C];
	_ =	sdelay $0x3  }
0x33: {  	p0 =	seq.s32 s10, $0x1;
	s10 =	sld [smem:$0x3F9E];
	_ =	sdelay $0x3  }
0x34: {  	[smem:$0x3F9E] =	sst s10  }
0x35: {  	s10 =	sld [smem:$0x3F9D];
	_ =	sdelay $0x3  }
0x36: {  	p1 =	seq.s32 s10, $0x1;
	s10 =	sld [smem:$0x3F9E];
	_ =	sdelay $0x3  }
0x37: {  	[smem:$0x3F9E] =	sst s10  }
0x38: {  	s10 =	sld [smem:$0x3F9F]  }
0x39: {  	_ = 	snop;
	(pc) =	sbr.ind lr, $3  }
0x3a: {  	_ = 	snop  }
0x3b: {  	_ = 	snop  }
0x3c: {  	p2 =	seq.s32 s10, $0x1;
	s10 =	sld [smem:$0x3F9E]  }
0x3d: {  	_ =	shalt  }
0x3e: {  	_ =	shalt  }
0x3f: {  	_ =	shalt  }
0x40: {  	_ =	shalt  }
0x41: {  	_ =	shalt  }
0x42: {  	_ =	shalt  }
0x43: {  	_ =	shalt  }
0x44: {  	_ =	shalt  }
0x45: {  	_ =	shalt  }
0x46: {  	_ =	shalt  }
0x47: {  	_ =	shalt  }
0x48: {  	_ =	shalt  }
0x49: {  	_ =	shalt  }
0x4a: {  	_ =	shalt  }
0x4b: {  	_ =	shalt  }
0x4c: {  	_ =	shalt  }
0x4d: {  	_ =	shalt  }
0x4e: {  	_ =	shalt  }
0x4f: {  	_ =	shalt  }
0x50: {  	_ =	shalt  }
0x51: {  	_ =	shalt  }
0x52: {  	_ =	shalt  }
0x53: {  	_ =	shalt  }
0x54: {  	_ =	shalt  }
0x55: {  	_ =	shalt  }
0x56: {  	_ =	shalt  }
0x57: {  	_ =	shalt  }
0x58: {  	_ =	shalt  }
0x59: {  	_ =	shalt  }
0x5a: {  	_ =	shalt  }
0x5b: {  	_ =	shalt  }
0x5c: {  	_ =	shalt  }
0x5d: {  	_ =	shalt  }
0x5e: {  	_ =	shalt  }
0x5f: {  	_ =	shalt  }
0x60: {  	_ =	shalt  }
0x61: {  	_ =	shalt  }
0x62: {  	_ =	shalt  }
0x63: {  	_ =	shalt  }
0x64: {  	_ =	shalt  }
0x65: {  	_ =	shalt  }
0x66: {  	_ =	shalt  }
0x67: {  	_ =	shalt  }
0x68: {  	_ =	shalt  }
0x69: {  	_ =	shalt  }
0x6a: {  	_ =	shalt  }
0x6b: {  	_ =	shalt  }
0x6c: {  	_ =	shalt  }
0x6d: {  	_ =	shalt  }
0x6e: {  	_ =	shalt  }
0x6f: {  	_ =	shalt  }
0x70: {  	_ =	shalt  }
0x71: {  	_ =	shalt  }
0x72: {  	_ =	shalt  }
0x73: {  	_ =	shalt  }
0x74: {  	_ =	shalt  }
0x75: {  	_ =	shalt  }
0x76: {  	_ =	shalt  }
0x77: {  	_ =	shalt  }
0x78: {  	_ =	shalt  }
0x79: {  	_ =	shalt  }
0x7a: {  	_ =	shalt  }
0x7b: {  	_ =	shalt  }
0x7c: {  	_ =	shalt  }
0x7d: {  	_ =	shalt  }
0x7e: {  	_ =	shalt  }
0x7f: {  	_ =	shalt  }
0x80: {  	_ =	shalt  }
0x81: {  	_ =	shalt  }
0x82: {  	_ =	shalt  }
0x83: {  	_ =	shalt  }
0x84: {  	_ =	shalt  }
0x85: {  	_ =	shalt  }
0x86: {  	_ =	shalt  }
0x87: {  	_ =	shalt  }
.Lfunc_end0:
.L_simem_size_0:
called_computation.6_lowered:
.L_overlay_start_0:
0x88: {  	s2 =	sld [smem:$0x3FD9]  }
0x89: {  	s3 =	sld [smem:$0x3FFE];
	_ =	sdelay $0x1  }
0x8a: {  	s1 =	srdreg.scid  }
0x8b: {  	s0 =	sand.u32 $0x1, s1  }
0x8c: {  	s16 =	sshll.u32 s0, $0xA;
	s2 =	sadd.s32 s3, s2  }
0x8d: {  	s2 =	sadd.s32 s2, s16  }
0x8e: {  	[smem:$0x3FAA] =	sst s2  }
0x8f: {  	_ = 	snop  }
0x90: {  	(tm) =	ssettm $0x1  }
0x91: {  	s17 =	sld [smem:$0x3FFB];
	_ =	sdelay $0x3  }
0x92: {  	_ =	strace s17  }
0x93: {  	s2 =	sld [smem:$0x3FFC];
	_ =	sdelay $0x3  }
0x94: {  	_ =	strace s2  }
0x95: {  	s2 =	sld [smem:$0x3FFD];
	_ =	sdelay $0x3  }
0x96: {  	_ =	strace s2  }
0x97: {  	_ =	strace $0x8FFFFFFF  }
0x98: {  	s18 =	sld [smem:$0x3FDB];
	_ =	sdelay $0x1  }
0x99: {  	s19 =	simm.s32 $_scs_section_size  }
0x9a: {  	s4 =	simm.s32 $_size__tile_overlayer_lowered;
	s5 =	simm.s32 $_tile_overlayer_lowered  }
0x9b: {  	s22 =	simm.s32 $0x1BFF;
	s21 =	sshll.u32 s5, $0x1;
	s2 =	sadd.s32 s19, s18  }
0x9c: {  	s6 =	simm.s32 $0x0;
	s20 =	sshll.u32 s4, $0x1;
	s4 =	sadd.s32 s21, s2  }
0x9d: {  	[timem:s6], [sflag:s22] =	dma.local [hbm:s4], s20  }
0x9e: {  	_ =	swait.ge [sflag:s22], s20  }
0x9f: {  	s3 =	ssub.s32 $0x0, s20;
	[sflag:s22] =	ssyncset.done $0x0  }
0xa0: {  	[sflag:s22] =	ssyncadd.s32 s3;
	_ =	sdelay $0x1  }
0xa1: {  	s23 =	simm.s32 $0x1B8B  }
0xa2: {  	_ =	swait.ge [sflag:s23], $0x1  }
0xa3: {  	[sflag:s23] =	ssyncset.done $0x0  }
0xa4: {  	s25 =	simm.s32 $0x1B8E;
	s24 =	sld [smem:$0x3FFE];
	[sflag:s23] =	ssyncadd.s32 $0xFFFFFFFF  }
0xa5: {  	s26 =	simm.s32 $execute0_lowered;
	[smem:$0x3FD2] =	sst s25  }
0xa6: {  	s4 =	sshll.u32 s26, $0x1;
	_ =	strace $0x80000058;
	[dreg:$0x1] =	wrdreg $0xFFFFFFFF  }
0xa7: {  	s28 =	simm.s32 $_size_execute0_lowered;
	s2 =	sadd.s32 s2, s4;
	[dreg:$0x0] =	wrdreg $0x0  }
0xa8: {  	s4 =	sshll.u32 s28, $0x1;
	[dreg:$0x2] =	wrdreg s2  }
0xa9: {  	[dreg:$0x3] =	wrdreg s4  }
0xaa: {  	[dreg:$0x4] =	wrdreg $0xC0  }
0xab: {  	_ =	task [dreg:s6], $0x5FFFF  }
0xac: {  	[dreg:$0x1] =	wrdreg $0xFFFFFFFF  }
0xad: {  	[dreg:$0x0] =	wrdreg $0x60  }
0xae: {  	[dreg:$0x2] =	wrdreg s24  }
0xaf: {  	[dreg:$0x3] =	wrdreg $0x9  }
0xb0: {  	_ =	task.clear_ibuf [dreg:s6], $0x4FFFF;
	_ =	strace $0x90000058  }
0xb1: {  	s29 =	simm.s32 $0x9;
	_ =	strace $0x8000005A  }
0xb2: {  	_ =	swait.ge [sflag:s29], $0x1  }
0xb3: {  	[sflag:s29] =	ssyncadd.s32 $0xFFFFFFFF  }
0xb4: {  	_ =	strace $0x9000005A  }
0xb5: {  	_ =	sfence  }
0xb6: {  	s30 =	sld [smem:$0x0];
	_ =	sdelay $0x2  }
0xb7: {  	s31 =	sshll.u32 s1, $0xD;
	s1 =	sshrl.u32 s1, $0x2  }
0xb8: {  	s3 =	sand.u32 $0x4000, s31;
	s1 =	sadd.s32 s1, s30  }
0xb9: {  	s0 =	sor.u32 s3, s0;
	s1 =	sshll.u32 s1, $0x11  }
0xba: {  	s0 =	sor.u32 s1, s0  }
0xbb: {  	s0 =	sadd.s32 $0x8F2B, s0  }
0xbc: {  	[sflag:s0] =	ssyncadd.remote.s32 $0x1  }
0xbd: {  	_ =	sfence.sel $0xFFFF  }
0xbe: {  	[dreg:$0x0] =	wrdreg $0xFFFFFFFF;
	(pc) =	sbr.abs _section_cstart, $3  }
0xbf: {  	[dreg:$0x1] =	wrdreg $0xFFFFFFFF  }
0xc0: {  	_ =	task.clear_ibuf [dreg:s6], $0x2FFFF;
	_ =	strace $0x9FFFFFFF  }
0xc1: {  	(tm) =	ssettm $0x7FFFFFFF  }
tec
execute0_lowered:
.L_overlay_start_1:
0x0: {  	(tag) =	ssettag $0x1  }
0x1: {  	s4 =	rddreg [dreg:$0x0]  }
0x2: {  	s0 =	rddreg [dreg:$0x1]  }
0x3: {  	s3 =	srdreg.scid;
	s1 =	stileid.u32;
	s2 =	simm.s32 $0x0  }
0x4: {  	s10 =	simm.s32 $0x1;
	s11 =	simm.s32 $0x0;
	s6 =	smul.u32 $0x4E20, s1  }
0x5: {  	s5 =	sand.u32 $0x1, s3;
	[smem:$0x7FF] =	sst s2;
	s8 =	smul.u32 $0x4E200, s1  }
0x6: {  	s3 =	sadd.s32 $0x30A00, s4;
	s7 =	smul.u32 $0x2710, s5;
	s9 =	ssub.s32 $0x2, s5  }
0x7: {  	_ =	strace $0x80000059;
	s5 =	smul.u32 $0x27100, s5;
	s31 =	sshrl.u32 s9, $0x1  }
0x8: {  	s30 =	sadd.s32 s8, s4;
	s6 =	sadd.s32 s7, s6;
	s8 =	ssub.s32 s9, s31  }
0x9: {  	s5 =	sadd.s32 s5, s30;
	s7 =	simm.s32 $0x2;
	s6 =	sshrl.u32 s6, $0x3  }
0xa: {  	s9 =	simm.s32 $0x100;
	s5 =	sadd.s32 $0x80A00, s5;
	s6 =	sadd.s32 s6, s4  }
0xb: {  	s4 =	smax.u32 s8, $0x1;
	s8 =	simm.s32 $0xC8;
	s6 =	sadd.s32 $0x26C00, s6  }
.LBB2_1:
0xc: {  	s12 =	sadd.s32 $0x0, s6  }
0xd: {  	[tilespmem:s2], [sflag:$0x2] =	stream.linear.gather [hbm4b:s12+s2], $0xC8, $0x38;
	[tilespmem:$0x6500] =	vst v63  }
0xe: {  	_ =	swait.ge [sflag:s7], $0xC8  }
0xf: {  	[sflag:s7] =	ssyncset.done $0x0  }
0x10: {  	[sflag:s7] =	ssyncadd.s32 $0xFFFFFF38  }
0x11: {  	[tilespmem:s9], [sflag:$0x1] =	stream.indirect.gather [hbm4b:s3+s8], $0x80, s2, s8, $0xb8;
	[tilespmem:$0x6500] =	vst v63  }
0x12: {  	_ =	swait.ge [sflag:s10], $0x6400  }
0x13: {  	[sflag:s10] =	ssyncset.done $0x0  }
0x14: {  	[sflag:s10] =	ssyncadd.s32 $0xFFFF9C00  }
0x15: {  	[hbm4b:s5+s2] =	stream.linear.scatter [tilespmem:s9], [sflag:$0x2], $0x6400, $0x38;
	[tilespmem:$0x6500] =	vst v63  }
0x16: {  	s13 =	simm.s32 $0x19;
	_ =	swait.ge [sflag:s7], $0x6400  }
0x17: {  	s14 =	simm.s32 $0x32;
	s12 =	sadd.s32 $0xC80, s5;
	[sflag:s7] =	ssyncset.done $0x0  }
.LBB2_2:
0x18: {  	s15 =	sadd.s32 s13, s6  }
0x19: {  	[sflag:s7] =	ssyncadd.s32 $0xFFFF9C00;
	s13 =	smov.u32 s14;
	s16 =	sadd.s32 $0x19, s14  }
0x1a: {  	[tilespmem:s2], [sflag:$0x2] =	stream.linear.gather [hbm4b:s15+s2], $0xC8, $0x38;
	[tilespmem:$0x6500] =	vst v63  }
0x1b: {  	p0 =	sne.s32 s14, $0x4C9;
	_ =	swait.ge [sflag:s7], $0xC8  }
0x1c: {  	[sflag:s7] =	ssyncset.done $0x0  }
0x1d: {  	[sflag:s7] =	ssyncadd.s32 $0xFFFFFF38  }
0x1e: {  	[tilespmem:s9], [sflag:$0x1] =	stream.indirect.gather [hbm4b:s3+s8], $0x80, s2, s8, $0xb8;
	[tilespmem:$0x6500] =	vst v63  }
0x1f: {  	_ =	swait.ge [sflag:s10], $0x6400  }
.Ltmp0:
0x20: {  	[sflag:s10] =	ssyncset.done $0x0;
	(pc) =	sbr.rel @p0 .LBB2_2-.Ltmp0, $4  }
0x21: {  	[sflag:s10] =	ssyncadd.s32 $0xFFFF9C00  }
0x22: {  	[hbm4b:s12+s2] =	stream.linear.scatter [tilespmem:s9], [sflag:$0x2], $0x6400, $0x38;
	[tilespmem:$0x6500] =	vst v63  }
0x23: {  	_ =	swait.ge [sflag:s7], $0x6400  }
0x24: {  	s14 =	smov.u32 s16;
	s12 =	sadd.s32 $0xC80, s12;
	[sflag:s7] =	ssyncset.done $0x0  }
0x25: {  	s13 =	sadd.s32 s13, s6;
	[sflag:s7] =	ssyncadd.s32 $0xFFFF9C00  }
0x26: {  	[tilespmem:s2], [sflag:$0x2] =	stream.linear.gather [hbm4b:s13+s2], $0xC8, $0x38;
	[tilespmem:$0x6500] =	vst v63  }
0x27: {  	_ =	swait.ge [sflag:s7], $0xC8  }
0x28: {  	[sflag:s7] =	ssyncset.done $0x0  }
0x29: {  	[sflag:s7] =	ssyncadd.s32 $0xFFFFFF38  }
0x2a: {  	[tilespmem:s9], [sflag:$0x1] =	stream.indirect.gather [hbm4b:s3+s8], $0x80, s2, s8, $0xb8;
	[tilespmem:$0x6500] =	vst v63  }
0x2b: {  	s11 =	sadd.s32 $0x1, s11;
	_ =	swait.ge [sflag:s10], $0x6400  }
0x2c: {  	p0 =	sne.s32 s11, s4;
	[sflag:s10] =	ssyncset.done $0x0  }
.Ltmp1:
0x2d: {  	[sflag:s10] =	ssyncadd.s32 $0xFFFF9C00;
	(pc) =	sbr.rel @p0 .LBB2_1-.Ltmp1, $4  }
0x2e: {  	[hbm4b:s12+s2] =	stream.linear.scatter [tilespmem:s9], [sflag:$0x2], $0x6400, $0x38;
	[tilespmem:$0x6500] =	vst v63  }
0x2f: {  	_ =	swait.ge [sflag:s7], $0x6400  }
0x30: {  	[sflag:s7] =	ssyncset.done $0x0  }
0x31: {  	[sflag:s7] =	ssyncadd.s32 $0xFFFF9C00  }
0x32: {  	_ =	sfence.sel $0x180000  }
0x33: {  	[bflag:$0x0] =	sbarrier.arrive $0xFFFF  }
0x34: {  	p0 =	sne.s32 s1, $0x0;
	_ =	strace $0x90000059  }
0x35: {  	s0 =	sadd.s32 @!p0 $0x100000, s0;
	[bflag:$0x2] =	sbarrier.arrive $0xFFFF  }
0x36: {  	[sflag:s0] =	ssyncadd.tile.s32 @!p0 $0x1;
	_ =	shalt  }
.Lfunc_end2:
_tile_overlayer_lowered:
.L_overlay_start_2:
0x37: {  	(tag) =	ssettag $0x2  }
0x38: {  	s0 =	rddreg [dreg:$0x0];
	s2 =	stileid.u32  }
0x39: {  	s1 =	rddreg [dreg:$0x1];
	p0 =	sne.s32 s2, $0x0  }
0x3a: {  	s3 =	rddreg [dreg:$0x2];
	[bflag:$0x3] =	sbarrier.arrive $0xFFFF;
	s2 =	simm.s32 @!p0 $0x1C02  }
0x3b: {  	[timem:s3], [sflag:s2] =	dma.local @!p0 [hbm:s0], s1  }
0x3c: {  	s0 =	simm.s32 @!p0 $0x2  }
0x3d: {  	_ =	swait.ge @!p0 [sflag:s0], s1  }
0x3e: {  	s1 =	ssub.s32 @!p0 $0x0, s1;
	[sflag:s0] =	ssyncset.done @!p0 $0x0  }
0x3f: {  	[sflag:s0] =	ssyncadd.s32 @!p0 s1  }
0x40: {  	[bflag:$0x3] =	sbarrier.arrive $0xFFFF  }
0x41: {  	_ =	shalt  }

// kernel: kernel.30.cloned.1.call-start
scs
__scs_entry_jumppad:
0x0: {  	(pc) =	sbr.rel $0x88, $3  }
0x1: {  	(tag) =	ssettag $0x0;
	lr =	simm.s32 $0x1  }
0x2: {  	[smem:$0x3F83] =	sst lr;
	_ =	strace $0xD0000000  }
0x3: {  	_ = 	snop  }
0x4: {  	_ = 	snop  }
0x5: {  	_ = 	snop  }
0x6: {  	_ = 	snop  }
0x7: {  	_ = 	snop  }
__scs_overlays_trampoline_lowered:
0x8: {  	[smem:$0x3F92] =	sst s0  }
0x9: {  	[smem:$0x3F93] =	sst s1  }
0xa: {  	[smem:$0x3F94] =	sst s2  }
0xb: {  	[smem:$0x3F95] =	sst s3  }
0xc: {  	[smem:$0x3F96] =	sst s4  }
0xd: {  	[smem:$0x3F97] =	sst s5  }
0xe: {  	[smem:$0x3F98] =	sst s6  }
0xf: {  	[smem:$0x3F99] =	sst s7  }
0x10: {  	[smem:$0x3F9A] =	sst s8  }
0x11: {  	[smem:$0x3F9B] =	sst s9;
	s0 =	simm.s32 @!p0 $0x0  }
0x12: {  	s1 =	sld [smem:$0x3F81];
	s0 =	simm.s32 @p0 $0x1  }
0x13: {  	[smem:$0x3F9C] =	sst s0;
	s0 =	simm.s32 @!p1 $0x0  }
0x14: {  	s2 =	sld [smem:$0x3F80];
	s0 =	simm.s32 @p1 $0x1  }
0x15: {  	[smem:$0x3F9D] =	sst s0;
	s0 =	simm.s32 @!p2 $0x0  }
0x16: {  	s3 =	sld [smem:$0x3FDB];
	s0 =	simm.s32 @p2 $0x1  }
0x17: {  	s4 =	simm.s32 $0x1BF5;
	[smem:$0x3F9F] =	sst s0  }
0x18: {  	s0 =	sld [smem:$0x3F82];
	_ =	swait.ge [sflag:s4], $0x0  }
0x19: {  	s7 =	sld [smem:$0x3F83]  }
0x1a: {  	s8 =	sadd.s32 $0xFFFFE003, lr  }
0x1b: {  	s9 =	sadd.s32 $0xFFFFFEF7, lr;
	s5 =	simm.s32 $0xFFFFFFFF;
	p2 =	slt.u32 s8, $0xFFFFF086  }
0x1c: {  	p1 =	slt.u32 s9, $0xF7A;
	s5 =	simm.s32 @!p2 $0x0  }
0x1d: {  	s5 =	simm.s32 @p1 $0x1;
	p0 =	seq.s32 s7, s2  }
0x1e: {  	s7 =	smul.u32 @!p0 $0xF7A, s2;
	p2 =	seq.s32 @!p0 s5, $0x0  }
0x1f: {  	s9 =	smul.u32 $0xF7A, s1;
	s8 =	simm.s32 @!p0 $0x1BF5;
	p2 =	por !p2, p0  }
0x20: {  	[sflag:s8] =	ssyncset.s32 @!p0 $0xFFFFF086;
	s6 =	sadd.s32 @!p0 s3, s7;
	s7 =	simm.s32 @!p0 $0x108  }
0x21: {  	s3 =	sadd.s32 s3, s9;
	s6 =	sadd.s32 @!p0 $0x88, s6;
	s7 =	simm.s32 @p2 $0x1082  }
0x22: {  	[simem:s7], [sflag:s8] =	dma.local @!p0 [hbm:s6], $0xF7A  }
0x23: {  	s9 =	sor.u32 $0xD0000000, s2;
	s6 =	simm.s32 $0x108;
	_ =	swait.ge @!p0 [sflag:s8], $0x0  }
0x24: {  	s3 =	sadd.s32 $0x88, s3;
	s6 =	simm.s32 @!p1 $0x1082;
	[sflag:s4] =	ssyncset.s32 $0xFFFFF086  }
0x25: {  	[simem:s6], [sflag:s4] =	dma.local [hbm:s3], $0xF7A  }
0x26: {  	[smem:$0x3F83] =	sst s1;
	(tag) =	ssettag s2;
	_ =	strace s9  }
0x27: {  	s1 =	sld [smem:$0x3F93]  }
0x28: {  	s2 =	sld [smem:$0x3F94]  }
0x29: {  	s4 =	sld [smem:$0x3F96]  }
0x2a: {  	p0 =	seq.s32 s5, $0x0;
	s5 =	sld [smem:$0x3F97]  }
0x2b: {  	s6 =	sld [smem:$0x3F98]  }
0x2c: {  	s7 =	sld [smem:$0x3F99]  }
0x2d: {  	s3 =	simm.s32 $0x108;
	s8 =	sld [smem:$0x3F9A]  }
0x2e: {  	s3 =	simm.s32 @!p0 $0x1082;
	s9 =	sld [smem:$0x3F9B]  }
0x2f: {  	lr =	sadd.s32 s0, s3;
	s0 =	sld [smem:$0x3F92]  }
0x30: {  	s3 =	sld [smem:$0x3F95]  }
0x31: {  	[smem:$0x3F9E] =	sst s10  }
0x32: {  	s10 =	sld [smem:$0x3F9C];
	_ =	sdelay $0x3  }
0x33: {  	p0 =	seq.s32 s10, $0x1;
	s10 =	sld [smem:$0x3F9E];
	_ =	sdelay $0x3  }
0x34: {  	[smem:$0x3F9E] =	sst s10  }
0x35: {  	s10 =	sld [smem:$0x3F9D];
	_ =	sdelay $0x3  }
0x36: {  	p1 =	seq.s32 s10, $0x1;
	s10 =	sld [smem:$0x3F9E];
	_ =	sdelay $0x3  }
0x37: {  	[smem:$0x3F9E] =	sst s10  }
0x38: {  	s10 =	sld [smem:$0x3F9F]  }
0x39: {  	_ = 	snop;
	(pc) =	sbr.ind lr, $3  }
0x3a: {  	_ = 	snop  }
0x3b: {  	_ = 	snop  }
0x3c: {  	p2 =	seq.s32 s10, $0x1;
	s10 =	sld [smem:$0x3F9E]  }
0x3d: {  	_ =	shalt  }
0x3e: {  	_ =	shalt  }
0x3f: {  	_ =	shalt  }
0x40: {  	_ =	shalt  }
0x41: {  	_ =	shalt  }
0x42: {  	_ =	shalt  }
0x43: {  	_ =	shalt  }
0x44: {  	_ =	shalt  }
0x45: {  	_ =	shalt  }
0x46: {  	_ =	shalt  }
0x47: {  	_ =	shalt  }
0x48: {  	_ =	shalt  }
0x49: {  	_ =	shalt  }
0x4a: {  	_ =	shalt  }
0x4b: {  	_ =	shalt  }
0x4c: {  	_ =	shalt  }
0x4d: {  	_ =	shalt  }
0x4e: {  	_ =	shalt  }
0x4f: {  	_ =	shalt  }
0x50: {  	_ =	shalt  }
0x51: {  	_ =	shalt  }
0x52: {  	_ =	shalt  }
0x53: {  	_ =	shalt  }
0x54: {  	_ =	shalt  }
0x55: {  	_ =	shalt  }
0x56: {  	_ =	shalt  }
0x57: {  	_ =	shalt  }
0x58: {  	_ =	shalt  }
0x59: {  	_ =	shalt  }
0x5a: {  	_ =	shalt  }
0x5b: {  	_ =	shalt  }
0x5c: {  	_ =	shalt  }
0x5d: {  	_ =	shalt  }
0x5e: {  	_ =	shalt  }
0x5f: {  	_ =	shalt  }
0x60: {  	_ =	shalt  }
0x61: {  	_ =	shalt  }
0x62: {  	_ =	shalt  }
0x63: {  	_ =	shalt  }
0x64: {  	_ =	shalt  }
0x65: {  	_ =	shalt  }
0x66: {  	_ =	shalt  }
0x67: {  	_ =	shalt  }
0x68: {  	_ =	shalt  }
0x69: {  	_ =	shalt  }
0x6a: {  	_ =	shalt  }
0x6b: {  	_ =	shalt  }
0x6c: {  	_ =	shalt  }
0x6d: {  	_ =	shalt  }
0x6e: {  	_ =	shalt  }
0x6f: {  	_ =	shalt  }
0x70: {  	_ =	shalt  }
0x71: {  	_ =	shalt  }
0x72: {  	_ =	shalt  }
0x73: {  	_ =	shalt  }
0x74: {  	_ =	shalt  }
0x75: {  	_ =	shalt  }
0x76: {  	_ =	shalt  }
0x77: {  	_ =	shalt  }
0x78: {  	_ =	shalt  }
0x79: {  	_ =	shalt  }
0x7a: {  	_ =	shalt  }
0x7b: {  	_ =	shalt  }
0x7c: {  	_ =	shalt  }
0x7d: {  	_ =	shalt  }
0x7e: {  	_ =	shalt  }
0x7f: {  	_ =	shalt  }
0x80: {  	_ =	shalt  }
0x81: {  	_ =	shalt  }
0x82: {  	_ =	shalt  }
0x83: {  	_ =	shalt  }
0x84: {  	_ =	shalt  }
0x85: {  	_ =	shalt  }
0x86: {  	_ =	shalt  }
0x87: {  	_ =	shalt  }
.Lfunc_end0:
.L_simem_size_0:
called_computation.7_lowered:
.L_overlay_start_0:
0x88: {  	s2 =	sld [smem:$0x3FD9]  }
0x89: {  	s3 =	sld [smem:$0x3FFE];
	_ =	sdelay $0x1  }
0x8a: {  	s1 =	srdreg.scid  }
0x8b: {  	s0 =	sand.u32 $0x1, s1  }
0x8c: {  	s16 =	sshll.u32 s0, $0xA;
	s2 =	sadd.s32 s3, s2  }
0x8d: {  	s2 =	sadd.s32 s2, s16  }
0x8e: {  	[smem:$0x3FAA] =	sst s2  }
0x8f: {  	_ = 	snop  }
0x90: {  	(tm) =	ssettm $0x1  }
0x91: {  	s17 =	sld [smem:$0x3FFB];
	_ =	sdelay $0x3  }
0x92: {  	_ =	strace s17  }
0x93: {  	s2 =	sld [smem:$0x3FFC];
	_ =	sdelay $0x3  }
0x94: {  	_ =	strace s2  }
0x95: {  	s2 =	sld [smem:$0x3FFD];
	_ =	sdelay $0x3  }
0x96: {  	_ =	strace s2  }
0x97: {  	_ =	strace $0x8FFFFFFF  }
0x98: {  	s18 =	sld [smem:$0x3FDB];
	_ =	sdelay $0x1  }
0x99: {  	s19 =	simm.s32 $_scs_section_size  }
0x9a: {  	s4 =	simm.s32 $_size__tile_overlayer_lowered;
	s5 =	simm.s32 $_tile_overlayer_lowered  }
0x9b: {  	s22 =	simm.s32 $0x1BFF;
	s21 =	sshll.u32 s5, $0x1;
	s2 =	sadd.s32 s19, s18  }
0x9c: {  	s6 =	simm.s32 $0x0;
	s20 =	sshll.u32 s4, $0x1;
	s4 =	sadd.s32 s21, s2  }
0x9d: {  	[timem:s6], [sflag:s22] =	dma.local [hbm:s4], s20  }
0x9e: {  	_ =	swait.ge [sflag:s22], s20  }
0x9f: {  	s3 =	ssub.s32 $0x0, s20;
	[sflag:s22] =	ssyncset.done $0x0  }
0xa0: {  	[sflag:s22] =	ssyncadd.s32 s3;
	_ =	sdelay $0x1  }
0xa1: {  	s23 =	simm.s32 $0x1B8B  }
0xa2: {  	_ =	swait.ge [sflag:s23], $0x1  }
0xa3: {  	[sflag:s23] =	ssyncset.done $0x0  }
0xa4: {  	s25 =	simm.s32 $0x1B8E;
	s24 =	sld [smem:$0x3FFE];
	[sflag:s23] =	ssyncadd.s32 $0xFFFFFFFF  }
0xa5: {  	s26 =	simm.s32 $execute0_lowered;
	[smem:$0x3FD2] =	sst s25  }
0xa6: {  	s4 =	sshll.u32 s26, $0x1;
	_ =	strace $0x8000005B;
	[dreg:$0x1] =	wrdreg $0xFFFFFFFF  }
0xa7: {  	s28 =	simm.s32 $_size_execute0_lowered;
	s2 =	sadd.s32 s2, s4;
	[dreg:$0x0] =	wrdreg $0x0  }
0xa8: {  	s4 =	sshll.u32 s28, $0x1;
	[dreg:$0x2] =	wrdreg s2  }
0xa9: {  	[dreg:$0x3] =	wrdreg s4  }
0xaa: {  	[dreg:$0x4] =	wrdreg $0xC0  }
0xab: {  	_ =	task [dreg:s6], $0x5FFFF  }
0xac: {  	[dreg:$0x1] =	wrdreg $0xFFFFFFFF  }
0xad: {  	[dreg:$0x0] =	wrdreg $0x60  }
0xae: {  	[dreg:$0x2] =	wrdreg s24  }
0xaf: {  	[dreg:$0x3] =	wrdreg $0x9  }
0xb0: {  	_ =	task.clear_ibuf [dreg:s6], $0x4FFFF;
	_ =	strace $0x9000005B  }
0xb1: {  	s29 =	simm.s32 $0x9;
	_ =	strace $0x8000005D  }
0xb2: {  	_ =	swait.ge [sflag:s29], $0x1  }
0xb3: {  	[sflag:s29] =	ssyncadd.s32 $0xFFFFFFFF  }
0xb4: {  	_ =	strace $0x9000005D  }
0xb5: {  	_ =	sfence  }
0xb6: {  	s30 =	sld [smem:$0x0];
	_ =	sdelay $0x2  }
0xb7: {  	s31 =	sshll.u32 s1, $0xD;
	s1 =	sshrl.u32 s1, $0x2  }
0xb8: {  	s3 =	sand.u32 $0x4000, s31;
	s1 =	sadd.s32 s1, s30  }
0xb9: {  	s0 =	sor.u32 s3, s0;
	s1 =	sshll.u32 s1, $0x11  }
0xba: {  	s0 =	sor.u32 s1, s0  }
0xbb: {  	s0 =	sadd.s32 $0x8F2B, s0  }
0xbc: {  	[sflag:s0] =	ssyncadd.remote.s32 $0x1  }
0xbd: {  	_ =	sfence.sel $0xFFFF  }
0xbe: {  	[dreg:$0x0] =	wrdreg $0xFFFFFFFF;
	(pc) =	sbr.abs _section_cstart, $3  }
0xbf: {  	[dreg:$0x1] =	wrdreg $0xFFFFFFFF  }
0xc0: {  	_ =	task.clear_ibuf [dreg:s6], $0x2FFFF;
	_ =	strace $0x9FFFFFFF  }
0xc1: {  	(tm) =	ssettm $0x7FFFFFFF  }
tec
execute0_lowered:
.L_overlay_start_1:
0x0: {  	(tag) =	ssettag $0x1  }
0x1: {  	s4 =	rddreg [dreg:$0x0]  }
0x2: {  	s0 =	rddreg [dreg:$0x1]  }
0x3: {  	s3 =	srdreg.scid;
	s1 =	stileid.u32;
	s2 =	simm.s32 $0x0  }
0x4: {  	s10 =	simm.s32 $0x1;
	s11 =	simm.s32 $0x0;
	s6 =	smul.u32 $0x4E20, s1  }
0x5: {  	s5 =	sand.u32 $0x1, s3;
	[smem:$0x7FF] =	sst s2;
	s8 =	smul.u32 $0x4E200, s1  }
0x6: {  	s3 =	sadd.s32 $0x30A00, s4;
	s7 =	smul.u32 $0x2710, s5;
	s9 =	ssub.s32 $0x2, s5  }
0x7: {  	_ =	strace $0x8000005C;
	s5 =	smul.u32 $0x27100, s5;
	s31 =	sshrl.u32 s9, $0x1  }
0x8: {  	s30 =	sadd.s32 s8, s4;
	s6 =	sadd.s32 s7, s6;
	s8 =	ssub.s32 s9, s31  }
0x9: {  	s5 =	sadd.s32 s5, s30;
	s7 =	simm.s32 $0x2;
	s6 =	sshrl.u32 s6, $0x3  }
0xa: {  	s9 =	simm.s32 $0x100;
	s5 =	sadd.s32 $0x80A00, s5;
	s6 =	sadd.s32 s6, s4  }
0xb: {  	s4 =	smax.u32 s8, $0x1;
	s8 =	simm.s32 $0xC8;
	s6 =	sadd.s32 $0x26C00, s6  }
.LBB2_1:
0xc: {  	s12 =	sadd.s32 $0x0, s6  }
0xd: {  	[tilespmem:s2], [sflag:$0x2] =	stream.linear.gather [hbm4b:s12+s2], $0xC8, $0x38;
	[tilespmem:$0x6500] =	vst v63  }
0xe: {  	_ =	swait.ge [sflag:s7], $0xC8  }
0xf: {  	[sflag:s7] =	ssyncset.done $0x0  }
0x10: {  	[sflag:s7] =	ssyncadd.s32 $0xFFFFFF38  }
0x11: {  	[tilespmem:s9], [sflag:$0x1] =	stream.indirect.gather [hbm4b:s3+s8], $0x80, s2, s8, $0xb8;
	[tilespmem:$0x6500] =	vst v63  }
0x12: {  	_ =	swait.ge [sflag:s10], $0x6400  }
0x13: {  	[sflag:s10] =	ssyncset.done $0x0  }
0x14: {  	[sflag:s10] =	ssyncadd.s32 $0xFFFF9C00  }
0x15: {  	[hbm4b:s5+s2] =	stream.linear.scatter [tilespmem:s9], [sflag:$0x2], $0x6400, $0x38;
	[tilespmem:$0x6500] =	vst v63  }
0x16: {  	s13 =	simm.s32 $0x19;
	_ =	swait.ge [sflag:s7], $0x6400  }
0x17: {  	s14 =	simm.s32 $0x32;
	s12 =	sadd.s32 $0xC80, s5;
	[sflag:s7] =	ssyncset.done $0x0  }
.LBB2_2:
0x18: {  	s15 =	sadd.s32 s13, s6  }
0x19: {  	[sflag:s7] =	ssyncadd.s32 $0xFFFF9C00;
	s13 =	smov.u32 s14;
	s16 =	sadd.s32 $0x19, s14  }
0x1a: {  	[tilespmem:s2], [sflag:$0x2] =	stream.linear.gather [hbm4b:s15+s2], $0xC8, $0x38;
	[tilespmem:$0x6500] =	vst v63  }
0x1b: {  	p0 =	sne.s32 s14, $0x4C9;
	_ =	swait.ge [sflag:s7], $0xC8  }
0x1c: {  	[sflag:s7] =	ssyncset.done $0x0  }
0x1d: {  	[sflag:s7] =	ssyncadd.s32 $0xFFFFFF38  }
0x1e: {  	[tilespmem:s9], [sflag:$0x1] =	stream.indirect.gather [hbm4b:s3+s8], $0x80, s2, s8, $0xb8;
	[tilespmem:$0x6500] =	vst v63  }
0x1f: {  	_ =	swait.ge [sflag:s10], $0x6400  }
.Ltmp0:
0x20: {  	[sflag:s10] =	ssyncset.done $0x0;
	(pc) =	sbr.rel @p0 .LBB2_2-.Ltmp0, $4  }
0x21: {  	[sflag:s10] =	ssyncadd.s32 $0xFFFF9C00  }
0x22: {  	[hbm4b:s12+s2] =	stream.linear.scatter [tilespmem:s9], [sflag:$0x2], $0x6400, $0x38;
	[tilespmem:$0x6500] =	vst v63  }
0x23: {  	_ =	swait.ge [sflag:s7], $0x6400  }
0x24: {  	s14 =	smov.u32 s16;
	s12 =	sadd.s32 $0xC80, s12;
	[sflag:s7] =	ssyncset.done $0x0  }
0x25: {  	s13 =	sadd.s32 s13, s6;
	[sflag:s7] =	ssyncadd.s32 $0xFFFF9C00  }
0x26: {  	[tilespmem:s2], [sflag:$0x2] =	stream.linear.gather [hbm4b:s13+s2], $0xC8, $0x38;
	[tilespmem:$0x6500] =	vst v63  }
0x27: {  	_ =	swait.ge [sflag:s7], $0xC8  }
0x28: {  	[sflag:s7] =	ssyncset.done $0x0  }
0x29: {  	[sflag:s7] =	ssyncadd.s32 $0xFFFFFF38  }
0x2a: {  	[tilespmem:s9], [sflag:$0x1] =	stream.indirect.gather [hbm4b:s3+s8], $0x80, s2, s8, $0xb8;
	[tilespmem:$0x6500] =	vst v63  }
0x2b: {  	s11 =	sadd.s32 $0x1, s11;
	_ =	swait.ge [sflag:s10], $0x6400  }
0x2c: {  	p0 =	sne.s32 s11, s4;
	[sflag:s10] =	ssyncset.done $0x0  }
.Ltmp1:
0x2d: {  	[sflag:s10] =	ssyncadd.s32 $0xFFFF9C00;
	(pc) =	sbr.rel @p0 .LBB2_1-.Ltmp1, $4  }
0x2e: {  	[hbm4b:s12+s2] =	stream.linear.scatter [tilespmem:s9], [sflag:$0x2], $0x6400, $0x38;
	[tilespmem:$0x6500] =	vst v63  }
0x2f: {  	_ =	swait.ge [sflag:s7], $0x6400  }
0x30: {  	[sflag:s7] =	ssyncset.done $0x0  }
0x31: {  	[sflag:s7] =	ssyncadd.s32 $0xFFFF9C00  }
0x32: {  	_ =	sfence.sel $0x180000  }
0x33: {  	[bflag:$0x0] =	sbarrier.arrive $0xFFFF  }
0x34: {  	p0 =	sne.s32 s1, $0x0;
	_ =	strace $0x9000005C  }
0x35: {  	s0 =	sadd.s32 @!p0 $0x100000, s0;
	[bflag:$0x2] =	sbarrier.arrive $0xFFFF  }
0x36: {  	[sflag:s0] =	ssyncadd.tile.s32 @!p0 $0x1;
	_ =	shalt  }
.Lfunc_end2:
_tile_overlayer_lowered:
.L_overlay_start_2:
0x37: {  	(tag) =	ssettag $0x2  }
0x38: {  	s0 =	rddreg [dreg:$0x0];
	s2 =	stileid.u32  }
0x39: {  	s1 =	rddreg [dreg:$0x1];
	p0 =	sne.s32 s2, $0x0  }
0x3a: {  	s3 =	rddreg [dreg:$0x2];
	[bflag:$0x3] =	sbarrier.arrive $0xFFFF;
	s2 =	simm.s32 @!p0 $0x1C02  }
0x3b: {  	[timem:s3], [sflag:s2] =	dma.local @!p0 [hbm:s0], s1  }
0x3c: {  	s0 =	simm.s32 @!p0 $0x2  }
0x3d: {  	_ =	swait.ge @!p0 [sflag:s0], s1  }
0x3e: {  	s1 =	ssub.s32 @!p0 $0x0, s1;
	[sflag:s0] =	ssyncset.done @!p0 $0x0  }
0x3f: {  	[sflag:s0] =	ssyncadd.s32 @!p0 s1  }
0x40: {  	[bflag:$0x3] =	sbarrier.arrive $0xFFFF  }
0x41: {  	_ =	shalt  }

</sc_bundles>
